<compile_context>
chip_gen: v7x
topology: tpu7x:2x2x1
jax: 0.10.2.dev20260603
libtpu: 0.0.44.dev20260713+nightly
codegen_flags: <defaults>
</compile_context>

<pallas_src>
import jax
import jax.numpy as jnp
from jax import lax
from jax.experimental import pallas as pl
from jax.experimental.pallas import tpu as pltpu
from jax.experimental.pallas import tpu_sc as plsc

VOCAB = 1000000
EMBED_DIM = 32
BATCH = 16384
HIST = 50

NC, NS = 2, 16
NW = NC * NS
ROWS_W = BATCH // NW
CR = 8
N_CHUNKS = ROWS_W // CR
NBUF = 4
N_SUPER = N_CHUNKS // NBUF

LINES = BATCH * HIST * EMBED_DIM // 128
TC_BLOCK = 8192


def _sc_gather(x_hbm, w_hbm, out_hbm, idxa, rows4, g0, g1, g2, g3, o0, o1, o2, o3):
    wid = lax.axis_index("s") * NC + lax.axis_index("c")
    gsem = (g0, g1, g2, g3)
    osem = (o0, o1, o2, o3)
    row0 = wid * ROWS_W

    pltpu.sync_copy(x_hbm.at[pl.ds(row0, ROWS_W), :], idxa)

    def fire_gather(c, b):
        for j in range(CR):
            pltpu.async_copy(
                w_hbm.at[idxa.at[c * CR + j]], rows4.at[b, j], gsem[b]
            )

    def wait_gather(b):
        for j in range(CR):
            pltpu.make_async_copy(
                w_hbm.at[pl.ds(0, HIST), :], rows4.at[b, j], gsem[b]
            ).wait()

    def out_copy(c, b):
        return pltpu.make_async_copy(
            rows4.at[b], out_hbm.at[pl.ds(row0 + c * CR, CR), :, :], osem[b]
        )

    fire_gather(0, 0)
    fire_gather(1, 1)

    def super_body(s, carry):
        for i in range(NBUF):
            c = s * NBUF + i
            wait_gather(i)
            out_copy(c, i).start()
            bn = (i + 2) % NBUF

            @pl.when(c + 2 < N_CHUNKS)
            def _():
                @pl.when(c >= 2)
                def _():
                    out_copy(c - 2, bn).wait()

                fire_gather(c + 2, bn)

        return carry

    lax.fori_loop(0, N_SUPER, super_body, 0)
    for c in range(N_CHUNKS - NBUF, N_CHUNKS):
        out_copy(c, c % NBUF).wait()


def _tc_normalize(x_ref, o_ref):
    x = x_ref[...]
    r = lax.broadcasted_iota(jnp.int32, (128, 128), 0) // EMBED_DIM
    c = lax.broadcasted_iota(jnp.int32, (128, 128), 1) // EMBED_DIM
    seg = (r == c).astype(jnp.float32)
    s = jax.lax.dot(
        x * x,
        seg,
        preferred_element_type=jnp.float32,
    )
    o_ref[...] = x * lax.rsqrt(jnp.maximum(s, jnp.float32(1e-24)))


@jax.jit
def kernel(x, weight):
    gathered = pl.kernel(
        _sc_gather,
        out_type=jax.ShapeDtypeStruct((BATCH, HIST, EMBED_DIM), jnp.float32),
        mesh=plsc.VectorSubcoreMesh(core_axis_name="c", subcore_axis_name="s"),
        compiler_params=pltpu.CompilerParams(
            needs_layout_passes=False, use_tc_tiling_on_sc=False
        ),
        scratch_types=[
            pltpu.VMEM((ROWS_W, HIST), jnp.int32),
            pltpu.VMEM((NBUF, CR, HIST, EMBED_DIM), jnp.float32),
            pltpu.SemaphoreType.DMA,
            pltpu.SemaphoreType.DMA,
            pltpu.SemaphoreType.DMA,
            pltpu.SemaphoreType.DMA,
            pltpu.SemaphoreType.DMA,
            pltpu.SemaphoreType.DMA,
            pltpu.SemaphoreType.DMA,
            pltpu.SemaphoreType.DMA,
        ],
    )(x, weight)

    lines = gathered.reshape(LINES, 128)
    normalized = pl.pallas_call(
        _tc_normalize,
        grid=(LINES // TC_BLOCK,),
        in_specs=[pl.BlockSpec((TC_BLOCK, 128), lambda i: (i, 0))],
        out_specs=pl.BlockSpec((TC_BLOCK, 128), lambda i: (i, 0)),
        out_shape=jax.ShapeDtypeStruct((LINES, 128), jnp.float32),
    )(lines)
    return normalized.reshape(BATCH, HIST, EMBED_DIM)

# --- scband reference (transcript-rebuilt; emitter-appended) ---
"""Pipeline reference for scband-embedding-84782654423445 (READ-ONLY COPY).

The authoritative reference and input builder live on the scoring server;
editing this copy changes nothing except your own understanding.
"""

import jax, jax.numpy as jnp
import numpy as np

VOCAB = 1000000
EMBED_DIM = 32
BATCH = 16384
HIST = 50

def setup_inputs(seed: int = 0) -> dict:
    key = jax.random.key(seed)
    k_idx, k_w = jax.random.split(key)
    x = jax.random.randint(k_idx, (BATCH, HIST), 0, VOCAB, dtype=jnp.int64 if jax.config.jax_enable_x64 else jnp.int32)
    weight = jax.random.normal(k_w, (VOCAB, EMBED_DIM), dtype=jnp.float32) * 0.01
    return {"x": x, "weight": weight}

def reference(x, weight):
    # emb = weight[x]; F.normalize(emb, dim=-1) with eps=1e-12
    emb = jnp.take(weight, x, axis=0)
    norm = jnp.linalg.norm(emb, axis=-1, keepdims=True)
    denom = jnp.maximum(norm, 1e-12)
    return emb / denom

if __name__ == "__main__":
    import jax
    _d = setup_inputs()
    print(jax.jit(kernel)(*tuple(_d.values())))

</pallas_src>

<mosaic_0001>
#map = affine_map<(d0, d1) -> (0, 0)>
#map1 = affine_map<(d0, d1) -> (0, 0, 0)>
module attributes {stable_mosaic.version = 14 : i64} {
  func.func @_sc_gather(%arg0: i32, %arg1: i32, %arg2: memref<16384x50xi32, #tpu.memory_space<hbm>>, %arg3: memref<1000000x32xf32, #tpu.memory_space<hbm>>, %arg4: memref<16384x50x32xf32, #tpu.memory_space<hbm>>, %arg5: memref<512x50xi32, #tpu.memory_space<vmem>>, %arg6: memref<4x8x50x32xf32, #tpu.memory_space<vmem>>, %arg7: memref<!tpu.dma_semaphore, #tpu.memory_space<semaphore_mem>>, %arg8: memref<!tpu.dma_semaphore, #tpu.memory_space<semaphore_mem>>, %arg9: memref<!tpu.dma_semaphore, #tpu.memory_space<semaphore_mem>>, %arg10: memref<!tpu.dma_semaphore, #tpu.memory_space<semaphore_mem>>, %arg11: memref<!tpu.dma_semaphore, #tpu.memory_space<semaphore_mem>>, %arg12: memref<!tpu.dma_semaphore, #tpu.memory_space<semaphore_mem>>, %arg13: memref<!tpu.dma_semaphore, #tpu.memory_space<semaphore_mem>>, %arg14: memref<!tpu.dma_semaphore, #tpu.memory_space<semaphore_mem>>) attributes {dimension_semantics = [#tpu.dimension_semantics<core_parallel>, #tpu.dimension_semantics<subcore_parallel>], iteration_bounds = array<i64: 2, 16>, scalar_prefetch = 0 : i64, scratch_operands = 10 : i64, tpu.core_type = #tpu.core_type<sc_vector_subcore>, window_params = [{transform_indices = #map}, {transform_indices = #map}, {transform_indices = #map1}]} {
    %mul3A = arith.constant 2 : i32
    %mul3A_0 = arith.muli %arg1, %mul3A : i32
    %add3A = arith.addi %mul3A_0, %arg0 : i32
    %mul3A_1 = arith.constant 512 : i32
    %mul3A_2 = arith.muli %add3A, %mul3A_1 : i32
    "tpu.region"() ({
      %run_scoped3A = tpu.sem_alloc : memref<!tpu.dma_semaphore, #tpu.memory_space<semaphore_mem>>
      %dma_start3A_290 = arith.constant 0 : i32
      %dma_start3A_291 = tpu.memref_slice %arg2[%mul3A_2, %dma_start3A_290] : memref<16384x50xi32, #tpu.memory_space<hbm>> -> memref<512x50xi32, #tpu.memory_space<hbm>>
      %dma_start3A_292 = arith.constant 0 : i32
      %dma_start3A_293 = tpu.memref_slice %arg2[%mul3A_2, %dma_start3A_292] : memref<16384x50xi32, #tpu.memory_space<hbm>> -> memref<512x50xi32, #tpu.memory_space<hbm>>
      tpu.enqueue_dma source(%dma_start3A_293 : memref<512x50xi32, #tpu.memory_space<hbm>>) target(%arg5 : memref<512x50xi32, #tpu.memory_space<vmem>>) target_semaphore(%run_scoped3A : memref<!tpu.dma_semaphore, #tpu.memory_space<semaphore_mem>>)
      %dma_wait3A_294 = arith.constant 0 : i32
      %dma_wait3A_295 = tpu.memref_slice %arg2[%mul3A_2, %dma_wait3A_294] : memref<16384x50xi32, #tpu.memory_space<hbm>> -> memref<512x50xi32, #tpu.memory_space<hbm>>
      %dma_wait3A_296 = arith.constant 0 : i32
      %dma_wait3A_297 = tpu.memref_slice %arg2[%mul3A_2, %dma_wait3A_296] : memref<16384x50xi32, #tpu.memory_space<hbm>> -> memref<512x50xi32, #tpu.memory_space<hbm>>
      tpu.wait_dma2 semaphore(%run_scoped3A : memref<!tpu.dma_semaphore, #tpu.memory_space<semaphore_mem>>) src(%dma_wait3A_297 : memref<512x50xi32, #tpu.memory_space<hbm>>) dst(%arg5 : memref<512x50xi32, #tpu.memory_space<vmem>>)
      tpu.yield
    }) : () -> ()
    %dma_start3A = arith.constant 0 : i32
    %dma_start3A_3 = arith.constant 0 : i32
    %dma_start3A_4 = arith.constant 0 : i32
    %dma_start3A_5 = arith.constant 0 : i32
    %dma_start3A_6 = arith.constant 0 : i32
    %dma_start3A_7 = tpu.memref_slice %arg6[%dma_start3A_3, %dma_start3A_4, %dma_start3A_5, %dma_start3A_6] : memref<4x8x50x32xf32, #tpu.memory_space<vmem>> -> memref<1x1x50x32xf32, #tpu.memory_space<vmem>>
    %dma_start3A_8 = tpu.memref_squeeze %dma_start3A_7 : memref<1x1x50x32xf32, #tpu.memory_space<vmem>> -> memref<50x32xf32, #tpu.memory_space<vmem>>
    %dma_start3A_9 = arith.constant 0 : i32
    %dma_start3A_10 = tpu.memref_slice %arg5[%dma_start3A, %dma_start3A_9] : memref<512x50xi32, #tpu.memory_space<vmem>> -> memref<1x50xi32, #tpu.memory_space<vmem>>
    %dma_start3A_11 = tpu.memref_squeeze %dma_start3A_10 : memref<1x50xi32, #tpu.memory_space<vmem>> -> memref<50xi32, #tpu.memory_space<vmem>>
    %dma_start3A_12 = arith.constant 0 : i32
    %dma_start3A_13 = arith.constant 0 : i32
    %dma_start3A_14 = tpu.memref_slice %arg3[%dma_start3A_12, %dma_start3A_13] : memref<1000000x32xf32, #tpu.memory_space<hbm>> -> memref<1000000x32xf32, #tpu.memory_space<hbm>>
    tpu.enqueue_indirect_dma source(%dma_start3A_14 : memref<1000000x32xf32, #tpu.memory_space<hbm>>) target(%dma_start3A_8 : memref<50x32xf32, #tpu.memory_space<vmem>>) offsets(%dma_start3A_11 : memref<50xi32, #tpu.memory_space<vmem>>) semaphore(%arg7 : memref<!tpu.dma_semaphore, #tpu.memory_space<semaphore_mem>>)
    %dma_start3A_15 = arith.constant 1 : i32
    %dma_start3A_16 = arith.constant 0 : i32
    %dma_start3A_17 = arith.constant 1 : i32
    %dma_start3A_18 = arith.constant 0 : i32
    %dma_start3A_19 = arith.constant 0 : i32
    %dma_start3A_20 = tpu.memref_slice %arg6[%dma_start3A_16, %dma_start3A_17, %dma_start3A_18, %dma_start3A_19] : memref<4x8x50x32xf32, #tpu.memory_space<vmem>> -> memref<1x1x50x32xf32, #tpu.memory_space<vmem>>
    %dma_start3A_21 = tpu.memref_squeeze %dma_start3A_20 : memref<1x1x50x32xf32, #tpu.memory_space<vmem>> -> memref<50x32xf32, #tpu.memory_space<vmem>>
    %dma_start3A_22 = arith.constant 0 : i32
    %dma_start3A_23 = tpu.memref_slice %arg5[%dma_start3A_15, %dma_start3A_22] : memref<512x50xi32, #tpu.memory_space<vmem>> -> memref<1x50xi32, #tpu.memory_space<vmem>>
    %dma_start3A_24 = tpu.memref_squeeze %dma_start3A_23 : memref<1x50xi32, #tpu.memory_space<vmem>> -> memref<50xi32, #tpu.memory_space<vmem>>
    %dma_start3A_25 = arith.constant 0 : i32
    %dma_start3A_26 = arith.constant 0 : i32
    %dma_start3A_27 = tpu.memref_slice %arg3[%dma_start3A_25, %dma_start3A_26] : memref<1000000x32xf32, #tpu.memory_space<hbm>> -> memref<1000000x32xf32, #tpu.memory_space<hbm>>
    tpu.enqueue_indirect_dma source(%dma_start3A_27 : memref<1000000x32xf32, #tpu.memory_space<hbm>>) target(%dma_start3A_21 : memref<50x32xf32, #tpu.memory_space<vmem>>) offsets(%dma_start3A_24 : memref<50xi32, #tpu.memory_space<vmem>>) semaphore(%arg7 : memref<!tpu.dma_semaphore, #tpu.memory_space<semaphore_mem>>)
    %dma_start3A_28 = arith.constant 2 : i32
    %dma_start3A_29 = arith.constant 0 : i32
    %dma_start3A_30 = arith.constant 2 : i32
    %dma_start3A_31 = arith.constant 0 : i32
    %dma_start3A_32 = arith.constant 0 : i32
    %dma_start3A_33 = tpu.memref_slice %arg6[%dma_start3A_29, %dma_start3A_30, %dma_start3A_31, %dma_start3A_32] : memref<4x8x50x32xf32, #tpu.memory_space<vmem>> -> memref<1x1x50x32xf32, #tpu.memory_space<vmem>>
    %dma_start3A_34 = tpu.memref_squeeze %dma_start3A_33 : memref<1x1x50x32xf32, #tpu.memory_space<vmem>> -> memref<50x32xf32, #tpu.memory_space<vmem>>
    %dma_start3A_35 = arith.constant 0 : i32
    %dma_start3A_36 = tpu.memref_slice %arg5[%dma_start3A_28, %dma_start3A_35] : memref<512x50xi32, #tpu.memory_space<vmem>> -> memref<1x50xi32, #tpu.memory_space<vmem>>
    %dma_start3A_37 = tpu.memref_squeeze %dma_start3A_36 : memref<1x50xi32, #tpu.memory_space<vmem>> -> memref<50xi32, #tpu.memory_space<vmem>>
    %dma_start3A_38 = arith.constant 0 : i32
    %dma_start3A_39 = arith.constant 0 : i32
    %dma_start3A_40 = tpu.memref_slice %arg3[%dma_start3A_38, %dma_start3A_39] : memref<1000000x32xf32, #tpu.memory_space<hbm>> -> memref<1000000x32xf32, #tpu.memory_space<hbm>>
    tpu.enqueue_indirect_dma source(%dma_start3A_40 : memref<1000000x32xf32, #tpu.memory_space<hbm>>) target(%dma_start3A_34 : memref<50x32xf32, #tpu.memory_space<vmem>>) offsets(%dma_start3A_37 : memref<50xi32, #tpu.memory_space<vmem>>) semaphore(%arg7 : memref<!tpu.dma_semaphore, #tpu.memory_space<semaphore_mem>>)
    %dma_start3A_41 = arith.constant 3 : i32
    %dma_start3A_42 = arith.constant 0 : i32
    %dma_start3A_43 = arith.constant 3 : i32
    %dma_start3A_44 = arith.constant 0 : i32
    %dma_start3A_45 = arith.constant 0 : i32
    %dma_start3A_46 = tpu.memref_slice %arg6[%dma_start3A_42, %dma_start3A_43, %dma_start3A_44, %dma_start3A_45] : memref<4x8x50x32xf32, #tpu.memory_space<vmem>> -> memref<1x1x50x32xf32, #tpu.memory_space<vmem>>
    %dma_start3A_47 = tpu.memref_squeeze %dma_start3A_46 : memref<1x1x50x32xf32, #tpu.memory_space<vmem>> -> memref<50x32xf32, #tpu.memory_space<vmem>>
    %dma_start3A_48 = arith.constant 0 : i32
    %dma_start3A_49 = tpu.memref_slice %arg5[%dma_start3A_41, %dma_start3A_48] : memref<512x50xi32, #tpu.memory_space<vmem>> -> memref<1x50xi32, #tpu.memory_space<vmem>>
    %dma_start3A_50 = tpu.memref_squeeze %dma_start3A_49 : memref<1x50xi32, #tpu.memory_space<vmem>> -> memref<50xi32, #tpu.memory_space<vmem>>
    %dma_start3A_51 = arith.constant 0 : i32
    %dma_start3A_52 = arith.constant 0 : i32
    %dma_start3A_53 = tpu.memref_slice %arg3[%dma_start3A_51, %dma_start3A_52] : memref<1000000x32xf32, #tpu.memory_space<hbm>> -> memref<1000000x32xf32, #tpu.memory_space<hbm>>
    tpu.enqueue_indirect_dma source(%dma_start3A_53 : memref<1000000x32xf32, #tpu.memory_space<hbm>>) target(%dma_start3A_47 : memref<50x32xf32, #tpu.memory_space<vmem>>) offsets(%dma_start3A_50 : memref<50xi32, #tpu.memory_space<vmem>>) semaphore(%arg7 : memref<!tpu.dma_semaphore, #tpu.memory_space<semaphore_mem>>)
    %dma_start3A_54 = arith.constant 4 : i32
    %dma_start3A_55 = arith.constant 0 : i32
    %dma_start3A_56 = arith.constant 4 : i32
    %dma_start3A_57 = arith.constant 0 : i32
    %dma_start3A_58 = arith.constant 0 : i32
    %dma_start3A_59 = tpu.memref_slice %arg6[%dma_start3A_55, %dma_start3A_56, %dma_start3A_57, %dma_start3A_58] : memref<4x8x50x32xf32, #tpu.memory_space<vmem>> -> memref<1x1x50x32xf32, #tpu.memory_space<vmem>>
    %dma_start3A_60 = tpu.memref_squeeze %dma_start3A_59 : memref<1x1x50x32xf32, #tpu.memory_space<vmem>> -> memref<50x32xf32, #tpu.memory_space<vmem>>
    %dma_start3A_61 = arith.constant 0 : i32
    %dma_start3A_62 = tpu.memref_slice %arg5[%dma_start3A_54, %dma_start3A_61] : memref<512x50xi32, #tpu.memory_space<vmem>> -> memref<1x50xi32, #tpu.memory_space<vmem>>
    %dma_start3A_63 = tpu.memref_squeeze %dma_start3A_62 : memref<1x50xi32, #tpu.memory_space<vmem>> -> memref<50xi32, #tpu.memory_space<vmem>>
    %dma_start3A_64 = arith.constant 0 : i32
    %dma_start3A_65 = arith.constant 0 : i32
    %dma_start3A_66 = tpu.memref_slice %arg3[%dma_start3A_64, %dma_start3A_65] : memref<1000000x32xf32, #tpu.memory_space<hbm>> -> memref<1000000x32xf32, #tpu.memory_space<hbm>>
    tpu.enqueue_indirect_dma source(%dma_start3A_66 : memref<1000000x32xf32, #tpu.memory_space<hbm>>) target(%dma_start3A_60 : memref<50x32xf32, #tpu.memory_space<vmem>>) offsets(%dma_start3A_63 : memref<50xi32, #tpu.memory_space<vmem>>) semaphore(%arg7 : memref<!tpu.dma_semaphore, #tpu.memory_space<semaphore_mem>>)
    %dma_start3A_67 = arith.constant 5 : i32
    %dma_start3A_68 = arith.constant 0 : i32
    %dma_start3A_69 = arith.constant 5 : i32
    %dma_start3A_70 = arith.constant 0 : i32
    %dma_start3A_71 = arith.constant 0 : i32
    %dma_start3A_72 = tpu.memref_slice %arg6[%dma_start3A_68, %dma_start3A_69, %dma_start3A_70, %dma_start3A_71] : memref<4x8x50x32xf32, #tpu.memory_space<vmem>> -> memref<1x1x50x32xf32, #tpu.memory_space<vmem>>
    %dma_start3A_73 = tpu.memref_squeeze %dma_start3A_72 : memref<1x1x50x32xf32, #tpu.memory_space<vmem>> -> memref<50x32xf32, #tpu.memory_space<vmem>>
    %dma_start3A_74 = arith.constant 0 : i32
    %dma_start3A_75 = tpu.memref_slice %arg5[%dma_start3A_67, %dma_start3A_74] : memref<512x50xi32, #tpu.memory_space<vmem>> -> memref<1x50xi32, #tpu.memory_space<vmem>>
    %dma_start3A_76 = tpu.memref_squeeze %dma_start3A_75 : memref<1x50xi32, #tpu.memory_space<vmem>> -> memref<50xi32, #tpu.memory_space<vmem>>
    %dma_start3A_77 = arith.constant 0 : i32
    %dma_start3A_78 = arith.constant 0 : i32
    %dma_start3A_79 = tpu.memref_slice %arg3[%dma_start3A_77, %dma_start3A_78] : memref<1000000x32xf32, #tpu.memory_space<hbm>> -> memref<1000000x32xf32, #tpu.memory_space<hbm>>
    tpu.enqueue_indirect_dma source(%dma_start3A_79 : memref<1000000x32xf32, #tpu.memory_space<hbm>>) target(%dma_start3A_73 : memref<50x32xf32, #tpu.memory_space<vmem>>) offsets(%dma_start3A_76 : memref<50xi32, #tpu.memory_space<vmem>>) semaphore(%arg7 : memref<!tpu.dma_semaphore, #tpu.memory_space<semaphore_mem>>)
    %dma_start3A_80 = arith.constant 6 : i32
    %dma_start3A_81 = arith.constant 0 : i32
    %dma_start3A_82 = arith.constant 6 : i32
    %dma_start3A_83 = arith.constant 0 : i32
    %dma_start3A_84 = arith.constant 0 : i32
    %dma_start3A_85 = tpu.memref_slice %arg6[%dma_start3A_81, %dma_start3A_82, %dma_start3A_83, %dma_start3A_84] : memref<4x8x50x32xf32, #tpu.memory_space<vmem>> -> memref<1x1x50x32xf32, #tpu.memory_space<vmem>>
    %dma_start3A_86 = tpu.memref_squeeze %dma_start3A_85 : memref<1x1x50x32xf32, #tpu.memory_space<vmem>> -> memref<50x32xf32, #tpu.memory_space<vmem>>
    %dma_start3A_87 = arith.constant 0 : i32
    %dma_start3A_88 = tpu.memref_slice %arg5[%dma_start3A_80, %dma_start3A_87] : memref<512x50xi32, #tpu.memory_space<vmem>> -> memref<1x50xi32, #tpu.memory_space<vmem>>
    %dma_start3A_89 = tpu.memref_squeeze %dma_start3A_88 : memref<1x50xi32, #tpu.memory_space<vmem>> -> memref<50xi32, #tpu.memory_space<vmem>>
    %dma_start3A_90 = arith.constant 0 : i32
    %dma_start3A_91 = arith.constant 0 : i32
    %dma_start3A_92 = tpu.memref_slice %arg3[%dma_start3A_90, %dma_start3A_91] : memref<1000000x32xf32, #tpu.memory_space<hbm>> -> memref<1000000x32xf32, #tpu.memory_space<hbm>>
    tpu.enqueue_indirect_dma source(%dma_start3A_92 : memref<1000000x32xf32, #tpu.memory_space<hbm>>) target(%dma_start3A_86 : memref<50x32xf32, #tpu.memory_space<vmem>>) offsets(%dma_start3A_89 : memref<50xi32, #tpu.memory_space<vmem>>) semaphore(%arg7 : memref<!tpu.dma_semaphore, #tpu.memory_space<semaphore_mem>>)
    %dma_start3A_93 = arith.constant 7 : i32
    %dma_start3A_94 = arith.constant 0 : i32
    %dma_start3A_95 = arith.constant 7 : i32
    %dma_start3A_96 = arith.constant 0 : i32
    %dma_start3A_97 = arith.constant 0 : i32
    %dma_start3A_98 = tpu.memref_slice %arg6[%dma_start3A_94, %dma_start3A_95, %dma_start3A_96, %dma_start3A_97] : memref<4x8x50x32xf32, #tpu.memory_space<vmem>> -> memref<1x1x50x32xf32, #tpu.memory_space<vmem>>
    %dma_start3A_99 = tpu.memref_squeeze %dma_start3A_98 : memref<1x1x50x32xf32, #tpu.memory_space<vmem>> -> memref<50x32xf32, #tpu.memory_space<vmem>>
    %dma_start3A_100 = arith.constant 0 : i32
    %dma_start3A_101 = tpu.memref_slice %arg5[%dma_start3A_93, %dma_start3A_100] : memref<512x50xi32, #tpu.memory_space<vmem>> -> memref<1x50xi32, #tpu.memory_space<vmem>>
    %dma_start3A_102 = tpu.memref_squeeze %dma_start3A_101 : memref<1x50xi32, #tpu.memory_space<vmem>> -> memref<50xi32, #tpu.memory_space<vmem>>
    %dma_start3A_103 = arith.constant 0 : i32
    %dma_start3A_104 = arith.constant 0 : i32
    %dma_start3A_105 = tpu.memref_slice %arg3[%dma_start3A_103, %dma_start3A_104] : memref<1000000x32xf32, #tpu.memory_space<hbm>> -> memref<1000000x32xf32, #tpu.memory_space<hbm>>
    tpu.enqueue_indirect_dma source(%dma_start3A_105 : memref<1000000x32xf32, #tpu.memory_space<hbm>>) target(%dma_start3A_99 : memref<50x32xf32, #tpu.memory_space<vmem>>) offsets(%dma_start3A_102 : memref<50xi32, #tpu.memory_space<vmem>>) semaphore(%arg7 : memref<!tpu.dma_semaphore, #tpu.memory_space<semaphore_mem>>)
    %dma_start3A_106 = arith.constant 8 : i32
    %dma_start3A_107 = arith.constant 1 : i32
    %dma_start3A_108 = arith.constant 0 : i32
    %dma_start3A_109 = arith.constant 0 : i32
    %dma_start3A_110 = arith.constant 0 : i32
    %dma_start3A_111 = tpu.memref_slice %arg6[%dma_start3A_107, %dma_start3A_108, %dma_start3A_109, %dma_start3A_110] : memref<4x8x50x32xf32, #tpu.memory_space<vmem>> -> memref<1x1x50x32xf32, #tpu.memory_space<vmem>>
    %dma_start3A_112 = tpu.memref_squeeze %dma_start3A_111 : memref<1x1x50x32xf32, #tpu.memory_space<vmem>> -> memref<50x32xf32, #tpu.memory_space<vmem>>
    %dma_start3A_113 = arith.constant 0 : i32
    %dma_start3A_114 = tpu.memref_slice %arg5[%dma_start3A_106, %dma_start3A_113] : memref<512x50xi32, #tpu.memory_space<vmem>> -> memref<1x50xi32, #tpu.memory_space<vmem>>
    %dma_start3A_115 = tpu.memref_squeeze %dma_start3A_114 : memref<1x50xi32, #tpu.memory_space<vmem>> -> memref<50xi32, #tpu.memory_space<vmem>>
    %dma_start3A_116 = arith.constant 0 : i32
    %dma_start3A_117 = arith.constant 0 : i32
    %dma_start3A_118 = tpu.memref_slice %arg3[%dma_start3A_116, %dma_start3A_117] : memref<1000000x32xf32, #tpu.memory_space<hbm>> -> memref<1000000x32xf32, #tpu.memory_space<hbm>>
    tpu.enqueue_indirect_dma source(%dma_start3A_118 : memref<1000000x32xf32, #tpu.memory_space<hbm>>) target(%dma_start3A_112 : memref<50x32xf32, #tpu.memory_space<vmem>>) offsets(%dma_start3A_115 : memref<50xi32, #tpu.memory_space<vmem>>) semaphore(%arg8 : memref<!tpu.dma_semaphore, #tpu.memory_space<semaphore_mem>>)
    %dma_start3A_119 = arith.constant 9 : i32
    %dma_start3A_120 = arith.constant 1 : i32
    %dma_start3A_121 = arith.constant 1 : i32
    %dma_start3A_122 = arith.constant 0 : i32
    %dma_start3A_123 = arith.constant 0 : i32
    %dma_start3A_124 = tpu.memref_slice %arg6[%dma_start3A_120, %dma_start3A_121, %dma_start3A_122, %dma_start3A_123] : memref<4x8x50x32xf32, #tpu.memory_space<vmem>> -> memref<1x1x50x32xf32, #tpu.memory_space<vmem>>
    %dma_start3A_125 = tpu.memref_squeeze %dma_start3A_124 : memref<1x1x50x32xf32, #tpu.memory_space<vmem>> -> memref<50x32xf32, #tpu.memory_space<vmem>>
    %dma_start3A_126 = arith.constant 0 : i32
    %dma_start3A_127 = tpu.memref_slice %arg5[%dma_start3A_119, %dma_start3A_126] : memref<512x50xi32, #tpu.memory_space<vmem>> -> memref<1x50xi32, #tpu.memory_space<vmem>>
    %dma_start3A_128 = tpu.memref_squeeze %dma_start3A_127 : memref<1x50xi32, #tpu.memory_space<vmem>> -> memref<50xi32, #tpu.memory_space<vmem>>
    %dma_start3A_129 = arith.constant 0 : i32
    %dma_start3A_130 = arith.constant 0 : i32
    %dma_start3A_131 = tpu.memref_slice %arg3[%dma_start3A_129, %dma_start3A_130] : memref<1000000x32xf32, #tpu.memory_space<hbm>> -> memref<1000000x32xf32, #tpu.memory_space<hbm>>
    tpu.enqueue_indirect_dma source(%dma_start3A_131 : memref<1000000x32xf32, #tpu.memory_space<hbm>>) target(%dma_start3A_125 : memref<50x32xf32, #tpu.memory_space<vmem>>) offsets(%dma_start3A_128 : memref<50xi32, #tpu.memory_space<vmem>>) semaphore(%arg8 : memref<!tpu.dma_semaphore, #tpu.memory_space<semaphore_mem>>)
    %dma_start3A_132 = arith.constant 10 : i32
    %dma_start3A_133 = arith.constant 1 : i32
    %dma_start3A_134 = arith.constant 2 : i32
    %dma_start3A_135 = arith.constant 0 : i32
    %dma_start3A_136 = arith.constant 0 : i32
    %dma_start3A_137 = tpu.memref_slice %arg6[%dma_start3A_133, %dma_start3A_134, %dma_start3A_135, %dma_start3A_136] : memref<4x8x50x32xf32, #tpu.memory_space<vmem>> -> memref<1x1x50x32xf32, #tpu.memory_space<vmem>>
    %dma_start3A_138 = tpu.memref_squeeze %dma_start3A_137 : memref<1x1x50x32xf32, #tpu.memory_space<vmem>> -> memref<50x32xf32, #tpu.memory_space<vmem>>
    %dma_start3A_139 = arith.constant 0 : i32
    %dma_start3A_140 = tpu.memref_slice %arg5[%dma_start3A_132, %dma_start3A_139] : memref<512x50xi32, #tpu.memory_space<vmem>> -> memref<1x50xi32, #tpu.memory_space<vmem>>
    %dma_start3A_141 = tpu.memref_squeeze %dma_start3A_140 : memref<1x50xi32, #tpu.memory_space<vmem>> -> memref<50xi32, #tpu.memory_space<vmem>>
    %dma_start3A_142 = arith.constant 0 : i32
    %dma_start3A_143 = arith.constant 0 : i32
    %dma_start3A_144 = tpu.memref_slice %arg3[%dma_start3A_142, %dma_start3A_143] : memref<1000000x32xf32, #tpu.memory_space<hbm>> -> memref<1000000x32xf32, #tpu.memory_space<hbm>>
    tpu.enqueue_indirect_dma source(%dma_start3A_144 : memref<1000000x32xf32, #tpu.memory_space<hbm>>) target(%dma_start3A_138 : memref<50x32xf32, #tpu.memory_space<vmem>>) offsets(%dma_start3A_141 : memref<50xi32, #tpu.memory_space<vmem>>) semaphore(%arg8 : memref<!tpu.dma_semaphore, #tpu.memory_space<semaphore_mem>>)
    %dma_start3A_145 = arith.constant 11 : i32
    %dma_start3A_146 = arith.constant 1 : i32
    %dma_start3A_147 = arith.constant 3 : i32
    %dma_start3A_148 = arith.constant 0 : i32
    %dma_start3A_149 = arith.constant 0 : i32
    %dma_start3A_150 = tpu.memref_slice %arg6[%dma_start3A_146, %dma_start3A_147, %dma_start3A_148, %dma_start3A_149] : memref<4x8x50x32xf32, #tpu.memory_space<vmem>> -> memref<1x1x50x32xf32, #tpu.memory_space<vmem>>
    %dma_start3A_151 = tpu.memref_squeeze %dma_start3A_150 : memref<1x1x50x32xf32, #tpu.memory_space<vmem>> -> memref<50x32xf32, #tpu.memory_space<vmem>>
    %dma_start3A_152 = arith.constant 0 : i32
    %dma_start3A_153 = tpu.memref_slice %arg5[%dma_start3A_145, %dma_start3A_152] : memref<512x50xi32, #tpu.memory_space<vmem>> -> memref<1x50xi32, #tpu.memory_space<vmem>>
    %dma_start3A_154 = tpu.memref_squeeze %dma_start3A_153 : memref<1x50xi32, #tpu.memory_space<vmem>> -> memref<50xi32, #tpu.memory_space<vmem>>
    %dma_start3A_155 = arith.constant 0 : i32
    %dma_start3A_156 = arith.constant 0 : i32
    %dma_start3A_157 = tpu.memref_slice %arg3[%dma_start3A_155, %dma_start3A_156] : memref<1000000x32xf32, #tpu.memory_space<hbm>> -> memref<1000000x32xf32, #tpu.memory_space<hbm>>
    tpu.enqueue_indirect_dma source(%dma_start3A_157 : memref<1000000x32xf32, #tpu.memory_space<hbm>>) target(%dma_start3A_151 : memref<50x32xf32, #tpu.memory_space<vmem>>) offsets(%dma_start3A_154 : memref<50xi32, #tpu.memory_space<vmem>>) semaphore(%arg8 : memref<!tpu.dma_semaphore, #tpu.memory_space<semaphore_mem>>)
    %dma_start3A_158 = arith.constant 12 : i32
    %dma_start3A_159 = arith.constant 1 : i32
    %dma_start3A_160 = arith.constant 4 : i32
    %dma_start3A_161 = arith.constant 0 : i32
    %dma_start3A_162 = arith.constant 0 : i32
    %dma_start3A_163 = tpu.memref_slice %arg6[%dma_start3A_159, %dma_start3A_160, %dma_start3A_161, %dma_start3A_162] : memref<4x8x50x32xf32, #tpu.memory_space<vmem>> -> memref<1x1x50x32xf32, #tpu.memory_space<vmem>>
    %dma_start3A_164 = tpu.memref_squeeze %dma_start3A_163 : memref<1x1x50x32xf32, #tpu.memory_space<vmem>> -> memref<50x32xf32, #tpu.memory_space<vmem>>
    %dma_start3A_165 = arith.constant 0 : i32
    %dma_start3A_166 = tpu.memref_slice %arg5[%dma_start3A_158, %dma_start3A_165] : memref<512x50xi32, #tpu.memory_space<vmem>> -> memref<1x50xi32, #tpu.memory_space<vmem>>
    %dma_start3A_167 = tpu.memref_squeeze %dma_start3A_166 : memref<1x50xi32, #tpu.memory_space<vmem>> -> memref<50xi32, #tpu.memory_space<vmem>>
    %dma_start3A_168 = arith.constant 0 : i32
    %dma_start3A_169 = arith.constant 0 : i32
    %dma_start3A_170 = tpu.memref_slice %arg3[%dma_start3A_168, %dma_start3A_169] : memref<1000000x32xf32, #tpu.memory_space<hbm>> -> memref<1000000x32xf32, #tpu.memory_space<hbm>>
    tpu.enqueue_indirect_dma source(%dma_start3A_170 : memref<1000000x32xf32, #tpu.memory_space<hbm>>) target(%dma_start3A_164 : memref<50x32xf32, #tpu.memory_space<vmem>>) offsets(%dma_start3A_167 : memref<50xi32, #tpu.memory_space<vmem>>) semaphore(%arg8 : memref<!tpu.dma_semaphore, #tpu.memory_space<semaphore_mem>>)
    %dma_start3A_171 = arith.constant 13 : i32
    %dma_start3A_172 = arith.constant 1 : i32
    %dma_start3A_173 = arith.constant 5 : i32
    %dma_start3A_174 = arith.constant 0 : i32
    %dma_start3A_175 = arith.constant 0 : i32
    %dma_start3A_176 = tpu.memref_slice %arg6[%dma_start3A_172, %dma_start3A_173, %dma_start3A_174, %dma_start3A_175] : memref<4x8x50x32xf32, #tpu.memory_space<vmem>> -> memref<1x1x50x32xf32, #tpu.memory_space<vmem>>
    %dma_start3A_177 = tpu.memref_squeeze %dma_start3A_176 : memref<1x1x50x32xf32, #tpu.memory_space<vmem>> -> memref<50x32xf32, #tpu.memory_space<vmem>>
    %dma_start3A_178 = arith.constant 0 : i32
    %dma_start3A_179 = tpu.memref_slice %arg5[%dma_start3A_171, %dma_start3A_178] : memref<512x50xi32, #tpu.memory_space<vmem>> -> memref<1x50xi32, #tpu.memory_space<vmem>>
    %dma_start3A_180 = tpu.memref_squeeze %dma_start3A_179 : memref<1x50xi32, #tpu.memory_space<vmem>> -> memref<50xi32, #tpu.memory_space<vmem>>
    %dma_start3A_181 = arith.constant 0 : i32
    %dma_start3A_182 = arith.constant 0 : i32
    %dma_start3A_183 = tpu.memref_slice %arg3[%dma_start3A_181, %dma_start3A_182] : memref<1000000x32xf32, #tpu.memory_space<hbm>> -> memref<1000000x32xf32, #tpu.memory_space<hbm>>
    tpu.enqueue_indirect_dma source(%dma_start3A_183 : memref<1000000x32xf32, #tpu.memory_space<hbm>>) target(%dma_start3A_177 : memref<50x32xf32, #tpu.memory_space<vmem>>) offsets(%dma_start3A_180 : memref<50xi32, #tpu.memory_space<vmem>>) semaphore(%arg8 : memref<!tpu.dma_semaphore, #tpu.memory_space<semaphore_mem>>)
    %dma_start3A_184 = arith.constant 14 : i32
    %dma_start3A_185 = arith.constant 1 : i32
    %dma_start3A_186 = arith.constant 6 : i32
    %dma_start3A_187 = arith.constant 0 : i32
    %dma_start3A_188 = arith.constant 0 : i32
    %dma_start3A_189 = tpu.memref_slice %arg6[%dma_start3A_185, %dma_start3A_186, %dma_start3A_187, %dma_start3A_188] : memref<4x8x50x32xf32, #tpu.memory_space<vmem>> -> memref<1x1x50x32xf32, #tpu.memory_space<vmem>>
    %dma_start3A_190 = tpu.memref_squeeze %dma_start3A_189 : memref<1x1x50x32xf32, #tpu.memory_space<vmem>> -> memref<50x32xf32, #tpu.memory_space<vmem>>
    %dma_start3A_191 = arith.constant 0 : i32
    %dma_start3A_192 = tpu.memref_slice %arg5[%dma_start3A_184, %dma_start3A_191] : memref<512x50xi32, #tpu.memory_space<vmem>> -> memref<1x50xi32, #tpu.memory_space<vmem>>
    %dma_start3A_193 = tpu.memref_squeeze %dma_start3A_192 : memref<1x50xi32, #tpu.memory_space<vmem>> -> memref<50xi32, #tpu.memory_space<vmem>>
    %dma_start3A_194 = arith.constant 0 : i32
    %dma_start3A_195 = arith.constant 0 : i32
    %dma_start3A_196 = tpu.memref_slice %arg3[%dma_start3A_194, %dma_start3A_195] : memref<1000000x32xf32, #tpu.memory_space<hbm>> -> memref<1000000x32xf32, #tpu.memory_space<hbm>>
    tpu.enqueue_indirect_dma source(%dma_start3A_196 : memref<1000000x32xf32, #tpu.memory_space<hbm>>) target(%dma_start3A_190 : memref<50x32xf32, #tpu.memory_space<vmem>>) offsets(%dma_start3A_193 : memref<50xi32, #tpu.memory_space<vmem>>) semaphore(%arg8 : memref<!tpu.dma_semaphore, #tpu.memory_space<semaphore_mem>>)
    %dma_start3A_197 = arith.constant 15 : i32
    %dma_start3A_198 = arith.constant 1 : i32
    %dma_start3A_199 = arith.constant 7 : i32
    %dma_start3A_200 = arith.constant 0 : i32
    %dma_start3A_201 = arith.constant 0 : i32
    %dma_start3A_202 = tpu.memref_slice %arg6[%dma_start3A_198, %dma_start3A_199, %dma_start3A_200, %dma_start3A_201] : memref<4x8x50x32xf32, #tpu.memory_space<vmem>> -> memref<1x1x50x32xf32, #tpu.memory_space<vmem>>
    %dma_start3A_203 = tpu.memref_squeeze %dma_start3A_202 : memref<1x1x50x32xf32, #tpu.memory_space<vmem>> -> memref<50x32xf32, #tpu.memory_space<vmem>>
    %dma_start3A_204 = arith.constant 0 : i32
    %dma_start3A_205 = tpu.memref_slice %arg5[%dma_start3A_197, %dma_start3A_204] : memref<512x50xi32, #tpu.memory_space<vmem>> -> memref<1x50xi32, #tpu.memory_space<vmem>>
    %dma_start3A_206 = tpu.memref_squeeze %dma_start3A_205 : memref<1x50xi32, #tpu.memory_space<vmem>> -> memref<50xi32, #tpu.memory_space<vmem>>
    %dma_start3A_207 = arith.constant 0 : i32
    %dma_start3A_208 = arith.constant 0 : i32
    %dma_start3A_209 = tpu.memref_slice %arg3[%dma_start3A_207, %dma_start3A_208] : memref<1000000x32xf32, #tpu.memory_space<hbm>> -> memref<1000000x32xf32, #tpu.memory_space<hbm>>
    tpu.enqueue_indirect_dma source(%dma_start3A_209 : memref<1000000x32xf32, #tpu.memory_space<hbm>>) target(%dma_start3A_203 : memref<50x32xf32, #tpu.memory_space<vmem>>) offsets(%dma_start3A_206 : memref<50xi32, #tpu.memory_space<vmem>>) semaphore(%arg8 : memref<!tpu.dma_semaphore, #tpu.memory_space<semaphore_mem>>)
    %scan3A = arith.constant 0 : i32
    %scan3A_210 = arith.constant 0 : i32
    %scan3A_211 = arith.constant 16 : i32
    %scan3A_212 = arith.addi %scan3A_210, %scan3A_211 : i32
    %scan3A_213 = arith.constant 1 : i32
    scf.for %scan3A_290 = %scan3A_210 to %scan3A_212 step %scan3A_213  : i32 {
      %mul3A_291 = arith.constant 4 : i32
      %mul3A_292 = arith.muli %scan3A_290, %mul3A_291 : i32
      %add3A_293 = arith.constant 0 : i32
      %add3A_294 = arith.addi %mul3A_292, %add3A_293 : i32
      %dma_wait3A_295 = arith.constant 0 : i32
      %dma_wait3A_296 = arith.constant 0 : i32
      %dma_wait3A_297 = arith.constant 0 : i32
      %dma_wait3A_298 = arith.constant 0 : i32
      %dma_wait3A_299 = tpu.memref_slice %arg6[%dma_wait3A_295, %dma_wait3A_296, %dma_wait3A_297, %dma_wait3A_298] : memref<4x8x50x32xf32, #tpu.memory_space<vmem>> -> memref<1x1x50x32xf32, #tpu.memory_space<vmem>>
      %dma_wait3A_300 = tpu.memref_squeeze %dma_wait3A_299 : memref<1x1x50x32xf32, #tpu.memory_space<vmem>> -> memref<50x32xf32, #tpu.memory_space<vmem>>
      %dma_wait3A_301 = arith.constant 0 : i32
      %dma_wait3A_302 = arith.constant 0 : i32
      %dma_wait3A_303 = tpu.memref_slice %arg3[%dma_wait3A_301, %dma_wait3A_302] : memref<1000000x32xf32, #tpu.memory_space<hbm>> -> memref<50x32xf32, #tpu.memory_space<hbm>>
      %dma_wait3A_304 = arith.constant 0 : i32
      %dma_wait3A_305 = arith.constant 0 : i32
      %dma_wait3A_306 = tpu.memref_slice %arg6[%dma_wait3A_295, %dma_wait3A_296, %dma_wait3A_304, %dma_wait3A_305] : memref<4x8x50x32xf32, #tpu.memory_space<vmem>> -> memref<1x1x50x32xf32, #tpu.memory_space<vmem>>
      %dma_wait3A_307 = tpu.memref_squeeze %dma_wait3A_306 : memref<1x1x50x32xf32, #tpu.memory_space<vmem>> -> memref<50x32xf32, #tpu.memory_space<vmem>>
      %dma_wait3A_308 = arith.constant 0 : i32
      %dma_wait3A_309 = arith.constant 0 : i32
      %dma_wait3A_310 = tpu.memref_slice %arg3[%dma_wait3A_308, %dma_wait3A_309] : memref<1000000x32xf32, #tpu.memory_space<hbm>> -> memref<50x32xf32, #tpu.memory_space<hbm>>
      tpu.wait_dma2 semaphore(%arg7 : memref<!tpu.dma_semaphore, #tpu.memory_space<semaphore_mem>>) src(%dma_wait3A_310 : memref<50x32xf32, #tpu.memory_space<hbm>>) dst(%dma_wait3A_307 : memref<50x32xf32, #tpu.memory_space<vmem>>)
      %dma_wait3A_311 = arith.constant 0 : i32
      %dma_wait3A_312 = arith.constant 1 : i32
      %dma_wait3A_313 = arith.constant 0 : i32
      %dma_wait3A_314 = arith.constant 0 : i32
      %dma_wait3A_315 = tpu.memref_slice %arg6[%dma_wait3A_311, %dma_wait3A_312, %dma_wait3A_313, %dma_wait3A_314] : memref<4x8x50x32xf32, #tpu.memory_space<vmem>> -> memref<1x1x50x32xf32, #tpu.memory_space<vmem>>
      %dma_wait3A_316 = tpu.memref_squeeze %dma_wait3A_315 : memref<1x1x50x32xf32, #tpu.memory_space<vmem>> -> memref<50x32xf32, #tpu.memory_space<vmem>>
      %dma_wait3A_317 = arith.constant 0 : i32
      %dma_wait3A_318 = arith.constant 0 : i32
      %dma_wait3A_319 = tpu.memref_slice %arg3[%dma_wait3A_317, %dma_wait3A_318] : memref<1000000x32xf32, #tpu.memory_space<hbm>> -> memref<50x32xf32, #tpu.memory_space<hbm>>
      %dma_wait3A_320 = arith.constant 0 : i32
      %dma_wait3A_321 = arith.constant 0 : i32
      %dma_wait3A_322 = tpu.memref_slice %arg6[%dma_wait3A_311, %dma_wait3A_312, %dma_wait3A_320, %dma_wait3A_321] : memref<4x8x50x32xf32, #tpu.memory_space<vmem>> -> memref<1x1x50x32xf32, #tpu.memory_space<vmem>>
      %dma_wait3A_323 = tpu.memref_squeeze %dma_wait3A_322 : memref<1x1x50x32xf32, #tpu.memory_space<vmem>> -> memref<50x32xf32, #tpu.memory_space<vmem>>
      %dma_wait3A_324 = arith.constant 0 : i32
      %dma_wait3A_325 = arith.constant 0 : i32
      %dma_wait3A_326 = tpu.memref_slice %arg3[%dma_wait3A_324, %dma_wait3A_325] : memref<1000000x32xf32, #tpu.memory_space<hbm>> -> memref<50x32xf32, #tpu.memory_space<hbm>>
      tpu.wait_dma2 semaphore(%arg7 : memref<!tpu.dma_semaphore, #tpu.memory_space<semaphore_mem>>) src(%dma_wait3A_326 : memref<50x32xf32, #tpu.memory_space<hbm>>) dst(%dma_wait3A_323 : memref<50x32xf32, #tpu.memory_space<vmem>>)
      %dma_wait3A_327 = arith.constant 0 : i32
      %dma_wait3A_328 = arith.constant 2 : i32
      %dma_wait3A_329 = arith.constant 0 : i32
      %dma_wait3A_330 = arith.constant 0 : i32
      %dma_wait3A_331 = tpu.memref_slice %arg6[%dma_wait3A_327, %dma_wait3A_328, %dma_wait3A_329, %dma_wait3A_330] : memref<4x8x50x32xf32, #tpu.memory_space<vmem>> -> memref<1x1x50x32xf32, #tpu.memory_space<vmem>>
      %dma_wait3A_332 = tpu.memref_squeeze %dma_wait3A_331 : memref<1x1x50x32xf32, #tpu.memory_space<vmem>> -> memref<50x32xf32, #tpu.memory_space<vmem>>
      %dma_wait3A_333 = arith.constant 0 : i32
      %dma_wait3A_334 = arith.constant 0 : i32
      %dma_wait3A_335 = tpu.memref_slice %arg3[%dma_wait3A_333, %dma_wait3A_334] : memref<1000000x32xf32, #tpu.memory_space<hbm>> -> memref<50x32xf32, #tpu.memory_space<hbm>>
      %dma_wait3A_336 = arith.constant 0 : i32
      %dma_wait3A_337 = arith.constant 0 : i32
      %dma_wait3A_338 = tpu.memref_slice %arg6[%dma_wait3A_327, %dma_wait3A_328, %dma_wait3A_336, %dma_wait3A_337] : memref<4x8x50x32xf32, #tpu.memory_space<vmem>> -> memref<1x1x50x32xf32, #tpu.memory_space<vmem>>
      %dma_wait3A_339 = tpu.memref_squeeze %dma_wait3A_338 : memref<1x1x50x32xf32, #tpu.memory_space<vmem>> -> memref<50x32xf32, #tpu.memory_space<vmem>>
      %dma_wait3A_340 = arith.constant 0 : i32
      %dma_wait3A_341 = arith.constant 0 : i32
      %dma_wait3A_342 = tpu.memref_slice %arg3[%dma_wait3A_340, %dma_wait3A_341] : memref<1000000x32xf32, #tpu.memory_space<hbm>> -> memref<50x32xf32, #tpu.memory_space<hbm>>
      tpu.wait_dma2 semaphore(%arg7 : memref<!tpu.dma_semaphore, #tpu.memory_space<semaphore_mem>>) src(%dma_wait3A_342 : memref<50x32xf32, #tpu.memory_space<hbm>>) dst(%dma_wait3A_339 : memref<50x32xf32, #tpu.memory_space<vmem>>)
      %dma_wait3A_343 = arith.constant 0 : i32
      %dma_wait3A_344 = arith.constant 3 : i32
      %dma_wait3A_345 = arith.constant 0 : i32
      %dma_wait3A_346 = arith.constant 0 : i32
      %dma_wait3A_347 = tpu.memref_slice %arg6[%dma_wait3A_343, %dma_wait3A_344, %dma_wait3A_345, %dma_wait3A_346] : memref<4x8x50x32xf32, #tpu.memory_space<vmem>> -> memref<1x1x50x32xf32, #tpu.memory_space<vmem>>
      %dma_wait3A_348 = tpu.memref_squeeze %dma_wait3A_347 : memref<1x1x50x32xf32, #tpu.memory_space<vmem>> -> memref<50x32xf32, #tpu.memory_space<vmem>>
      %dma_wait3A_349 = arith.constant 0 : i32
      %dma_wait3A_350 = arith.constant 0 : i32
      %dma_wait3A_351 = tpu.memref_slice %arg3[%dma_wait3A_349, %dma_wait3A_350] : memref<1000000x32xf32, #tpu.memory_space<hbm>> -> memref<50x32xf32, #tpu.memory_space<hbm>>
      %dma_wait3A_352 = arith.constant 0 : i32
      %dma_wait3A_353 = arith.constant 0 : i32
      %dma_wait3A_354 = tpu.memref_slice %arg6[%dma_wait3A_343, %dma_wait3A_344, %dma_wait3A_352, %dma_wait3A_353] : memref<4x8x50x32xf32, #tpu.memory_space<vmem>> -> memref<1x1x50x32xf32, #tpu.memory_space<vmem>>
      %dma_wait3A_355 = tpu.memref_squeeze %dma_wait3A_354 : memref<1x1x50x32xf32, #tpu.memory_space<vmem>> -> memref<50x32xf32, #tpu.memory_space<vmem>>
      %dma_wait3A_356 = arith.constant 0 : i32
      %dma_wait3A_357 = arith.constant 0 : i32
      %dma_wait3A_358 = tpu.memref_slice %arg3[%dma_wait3A_356, %dma_wait3A_357] : memref<1000000x32xf32, #tpu.memory_space<hbm>> -> memref<50x32xf32, #tpu.memory_space<hbm>>
      tpu.wait_dma2 semaphore(%arg7 : memref<!tpu.dma_semaphore, #tpu.memory_space<semaphore_mem>>) src(%dma_wait3A_358 : memref<50x32xf32, #tpu.memory_space<hbm>>) dst(%dma_wait3A_355 : memref<50x32xf32, #tpu.memory_space<vmem>>)
      %dma_wait3A_359 = arith.constant 0 : i32
      %dma_wait3A_360 = arith.constant 4 : i32
      %dma_wait3A_361 = arith.constant 0 : i32
      %dma_wait3A_362 = arith.constant 0 : i32
      %dma_wait3A_363 = tpu.memref_slice %arg6[%dma_wait3A_359, %dma_wait3A_360, %dma_wait3A_361, %dma_wait3A_362] : memref<4x8x50x32xf32, #tpu.memory_space<vmem>> -> memref<1x1x50x32xf32, #tpu.memory_space<vmem>>
      %dma_wait3A_364 = tpu.memref_squeeze %dma_wait3A_363 : memref<1x1x50x32xf32, #tpu.memory_space<vmem>> -> memref<50x32xf32, #tpu.memory_space<vmem>>
      %dma_wait3A_365 = arith.constant 0 : i32
      %dma_wait3A_366 = arith.constant 0 : i32
      %dma_wait3A_367 = tpu.memref_slice %arg3[%dma_wait3A_365, %dma_wait3A_366] : memref<1000000x32xf32, #tpu.memory_space<hbm>> -> memref<50x32xf32, #tpu.memory_space<hbm>>
      %dma_wait3A_368 = arith.constant 0 : i32
      %dma_wait3A_369 = arith.constant 0 : i32
      %dma_wait3A_370 = tpu.memref_slice %arg6[%dma_wait3A_359, %dma_wait3A_360, %dma_wait3A_368, %dma_wait3A_369] : memref<4x8x50x32xf32, #tpu.memory_space<vmem>> -> memref<1x1x50x32xf32, #tpu.memory_space<vmem>>
      %dma_wait3A_371 = tpu.memref_squeeze %dma_wait3A_370 : memref<1x1x50x32xf32, #tpu.memory_space<vmem>> -> memref<50x32xf32, #tpu.memory_space<vmem>>
      %dma_wait3A_372 = arith.constant 0 : i32
      %dma_wait3A_373 = arith.constant 0 : i32
      %dma_wait3A_374 = tpu.memref_slice %arg3[%dma_wait3A_372, %dma_wait3A_373] : memref<1000000x32xf32, #tpu.memory_space<hbm>> -> memref<50x32xf32, #tpu.memory_space<hbm>>
      tpu.wait_dma2 semaphore(%arg7 : memref<!tpu.dma_semaphore, #tpu.memory_space<semaphore_mem>>) src(%dma_wait3A_374 : memref<50x32xf32, #tpu.memory_space<hbm>>) dst(%dma_wait3A_371 : memref<50x32xf32, #tpu.memory_space<vmem>>)
      %dma_wait3A_375 = arith.constant 0 : i32
      %dma_wait3A_376 = arith.constant 5 : i32
      %dma_wait3A_377 = arith.constant 0 : i32
      %dma_wait3A_378 = arith.constant 0 : i32
      %dma_wait3A_379 = tpu.memref_slice %arg6[%dma_wait3A_375, %dma_wait3A_376, %dma_wait3A_377, %dma_wait3A_378] : memref<4x8x50x32xf32, #tpu.memory_space<vmem>> -> memref<1x1x50x32xf32, #tpu.memory_space<vmem>>
      %dma_wait3A_380 = tpu.memref_squeeze %dma_wait3A_379 : memref<1x1x50x32xf32, #tpu.memory_space<vmem>> -> memref<50x32xf32, #tpu.memory_space<vmem>>
      %dma_wait3A_381 = arith.constant 0 : i32
      %dma_wait3A_382 = arith.constant 0 : i32
      %dma_wait3A_383 = tpu.memref_slice %arg3[%dma_wait3A_381, %dma_wait3A_382] : memref<1000000x32xf32, #tpu.memory_space<hbm>> -> memref<50x32xf32, #tpu.memory_space<hbm>>
      %dma_wait3A_384 = arith.constant 0 : i32
      %dma_wait3A_385 = arith.constant 0 : i32
      %dma_wait3A_386 = tpu.memref_slice %arg6[%dma_wait3A_375, %dma_wait3A_376, %dma_wait3A_384, %dma_wait3A_385] : memref<4x8x50x32xf32, #tpu.memory_space<vmem>> -> memref<1x1x50x32xf32, #tpu.memory_space<vmem>>
      %dma_wait3A_387 = tpu.memref_squeeze %dma_wait3A_386 : memref<1x1x50x32xf32, #tpu.memory_space<vmem>> -> memref<50x32xf32, #tpu.memory_space<vmem>>
      %dma_wait3A_388 = arith.constant 0 : i32
      %dma_wait3A_389 = arith.constant 0 : i32
      %dma_wait3A_390 = tpu.memref_slice %arg3[%dma_wait3A_388, %dma_wait3A_389] : memref<1000000x32xf32, #tpu.memory_space<hbm>> -> memref<50x32xf32, #tpu.memory_space<hbm>>
      tpu.wait_dma2 semaphore(%arg7 : memref<!tpu.dma_semaphore, #tpu.memory_space<semaphore_mem>>) src(%dma_wait3A_390 : memref<50x32xf32, #tpu.memory_space<hbm>>) dst(%dma_wait3A_387 : memref<50x32xf32, #tpu.memory_space<vmem>>)
      %dma_wait3A_391 = arith.constant 0 : i32
      %dma_wait3A_392 = arith.constant 6 : i32
      %dma_wait3A_393 = arith.constant 0 : i32
      %dma_wait3A_394 = arith.constant 0 : i32
      %dma_wait3A_395 = tpu.memref_slice %arg6[%dma_wait3A_391, %dma_wait3A_392, %dma_wait3A_393, %dma_wait3A_394] : memref<4x8x50x32xf32, #tpu.memory_space<vmem>> -> memref<1x1x50x32xf32, #tpu.memory_space<vmem>>
      %dma_wait3A_396 = tpu.memref_squeeze %dma_wait3A_395 : memref<1x1x50x32xf32, #tpu.memory_space<vmem>> -> memref<50x32xf32, #tpu.memory_space<vmem>>
      %dma_wait3A_397 = arith.constant 0 : i32
      %dma_wait3A_398 = arith.constant 0 : i32
      %dma_wait3A_399 = tpu.memref_slice %arg3[%dma_wait3A_397, %dma_wait3A_398] : memref<1000000x32xf32, #tpu.memory_space<hbm>> -> memref<50x32xf32, #tpu.memory_space<hbm>>
      %dma_wait3A_400 = arith.constant 0 : i32
      %dma_wait3A_401 = arith.constant 0 : i32
      %dma_wait3A_402 = tpu.memref_slice %arg6[%dma_wait3A_391, %dma_wait3A_392, %dma_wait3A_400, %dma_wait3A_401] : memref<4x8x50x32xf32, #tpu.memory_space<vmem>> -> memref<1x1x50x32xf32, #tpu.memory_space<vmem>>
      %dma_wait3A_403 = tpu.memref_squeeze %dma_wait3A_402 : memref<1x1x50x32xf32, #tpu.memory_space<vmem>> -> memref<50x32xf32, #tpu.memory_space<vmem>>
      %dma_wait3A_404 = arith.constant 0 : i32
      %dma_wait3A_405 = arith.constant 0 : i32
      %dma_wait3A_406 = tpu.memref_slice %arg3[%dma_wait3A_404, %dma_wait3A_405] : memref<1000000x32xf32, #tpu.memory_space<hbm>> -> memref<50x32xf32, #tpu.memory_space<hbm>>
      tpu.wait_dma2 semaphore(%arg7 : memref<!tpu.dma_semaphore, #tpu.memory_space<semaphore_mem>>) src(%dma_wait3A_406 : memref<50x32xf32, #tpu.memory_space<hbm>>) dst(%dma_wait3A_403 : memref<50x32xf32, #tpu.memory_space<vmem>>)
      %dma_wait3A_407 = arith.constant 0 : i32
      %dma_wait3A_408 = arith.constant 7 : i32
      %dma_wait3A_409 = arith.constant 0 : i32
      %dma_wait3A_410 = arith.constant 0 : i32
      %dma_wait3A_411 = tpu.memref_slice %arg6[%dma_wait3A_407, %dma_wait3A_408, %dma_wait3A_409, %dma_wait3A_410] : memref<4x8x50x32xf32, #tpu.memory_space<vmem>> -> memref<1x1x50x32xf32, #tpu.memory_space<vmem>>
      %dma_wait3A_412 = tpu.memref_squeeze %dma_wait3A_411 : memref<1x1x50x32xf32, #tpu.memory_space<vmem>> -> memref<50x32xf32, #tpu.memory_space<vmem>>
      %dma_wait3A_413 = arith.constant 0 : i32
      %dma_wait3A_414 = arith.constant 0 : i32
      %dma_wait3A_415 = tpu.memref_slice %arg3[%dma_wait3A_413, %dma_wait3A_414] : memref<1000000x32xf32, #tpu.memory_space<hbm>> -> memref<50x32xf32, #tpu.memory_space<hbm>>
      %dma_wait3A_416 = arith.constant 0 : i32
      %dma_wait3A_417 = arith.constant 0 : i32
      %dma_wait3A_418 = tpu.memref_slice %arg6[%dma_wait3A_407, %dma_wait3A_408, %dma_wait3A_416, %dma_wait3A_417] : memref<4x8x50x32xf32, #tpu.memory_space<vmem>> -> memref<1x1x50x32xf32, #tpu.memory_space<vmem>>
      %dma_wait3A_419 = tpu.memref_squeeze %dma_wait3A_418 : memref<1x1x50x32xf32, #tpu.memory_space<vmem>> -> memref<50x32xf32, #tpu.memory_space<vmem>>
      %dma_wait3A_420 = arith.constant 0 : i32
      %dma_wait3A_421 = arith.constant 0 : i32
      %dma_wait3A_422 = tpu.memref_slice %arg3[%dma_wait3A_420, %dma_wait3A_421] : memref<1000000x32xf32, #tpu.memory_space<hbm>> -> memref<50x32xf32, #tpu.memory_space<hbm>>
      tpu.wait_dma2 semaphore(%arg7 : memref<!tpu.dma_semaphore, #tpu.memory_space<semaphore_mem>>) src(%dma_wait3A_422 : memref<50x32xf32, #tpu.memory_space<hbm>>) dst(%dma_wait3A_419 : memref<50x32xf32, #tpu.memory_space<vmem>>)
      %mul3A_423 = arith.constant 8 : i32
      %mul3A_424 = arith.muli %add3A_294, %mul3A_423 : i32
      %add3A_425 = arith.addi %mul3A_2, %mul3A_424 : i32
      %dma_start3A_426 = arith.constant 0 : i32
      %dma_start3A_427 = arith.constant 0 : i32
      %dma_start3A_428 = arith.constant 0 : i32
      %dma_start3A_429 = arith.constant 0 : i32
      %dma_start3A_430 = tpu.memref_slice %arg6[%dma_start3A_426, %dma_start3A_427, %dma_start3A_428, %dma_start3A_429] : memref<4x8x50x32xf32, #tpu.memory_space<vmem>> -> memref<1x8x50x32xf32, #tpu.memory_space<vmem>>
      %dma_start3A_431 = tpu.memref_squeeze %dma_start3A_430 : memref<1x8x50x32xf32, #tpu.memory_space<vmem>> -> memref<8x50x32xf32, #tpu.memory_space<vmem>>
      %dma_start3A_432 = arith.constant 0 : i32
      %dma_start3A_433 = arith.constant 0 : i32
      %dma_start3A_434 = tpu.memref_slice %arg4[%add3A_425, %dma_start3A_432, %dma_start3A_433] : memref<16384x50x32xf32, #tpu.memory_space<hbm>> -> memref<8x50x32xf32, #tpu.memory_space<hbm>>
      %dma_start3A_435 = arith.constant 0 : i32
      %dma_start3A_436 = arith.constant 0 : i32
      %dma_start3A_437 = tpu.memref_slice %arg4[%add3A_425, %dma_start3A_435, %dma_start3A_436] : memref<16384x50x32xf32, #tpu.memory_space<hbm>> -> memref<8x50x32xf32, #tpu.memory_space<hbm>>
      %dma_start3A_438 = arith.constant 0 : i32
      %dma_start3A_439 = arith.constant 0 : i32
      %dma_start3A_440 = arith.constant 0 : i32
      %dma_start3A_441 = tpu.memref_slice %arg6[%dma_start3A_426, %dma_start3A_438, %dma_start3A_439, %dma_start3A_440] : memref<4x8x50x32xf32, #tpu.memory_space<vmem>> -> memref<1x8x50x32xf32, #tpu.memory_space<vmem>>
      %dma_start3A_442 = tpu.memref_squeeze %dma_start3A_441 : memref<1x8x50x32xf32, #tpu.memory_space<vmem>> -> memref<8x50x32xf32, #tpu.memory_space<vmem>>
      tpu.enqueue_dma source(%dma_start3A_442 : memref<8x50x32xf32, #tpu.memory_space<vmem>>) target(%dma_start3A_437 : memref<8x50x32xf32, #tpu.memory_space<hbm>>) target_semaphore(%arg11 : memref<!tpu.dma_semaphore, #tpu.memory_space<semaphore_mem>>)
      %add3A_443 = arith.constant 2 : i32
      %add3A_444 = arith.addi %add3A_294, %add3A_443 : i32
      %lt3A = arith.constant 64 : i32
      %lt3A_445 = arith.cmpi slt, %add3A_444, %lt3A : i32
      %convert_element_type3A = arith.extui %lt3A_445 : i1 to i32
      %cond3A = arith.constant 0 : i32
      %cond3A_446 = arith.cmpi ne, %convert_element_type3A, %cond3A : i32
      scf.if %cond3A_446 {
        %ge3A = arith.constant 2 : i32
        %ge3A_924 = arith.cmpi sge, %add3A_294, %ge3A : i32
        %convert_element_type3A_925 = arith.extui %ge3A_924 : i1 to i32
        %cond3A_926 = arith.constant 0 : i32
        %cond3A_927 = arith.cmpi ne, %convert_element_type3A_925, %cond3A_926 : i32
        scf.if %cond3A_927 {
          %sub3A = arith.constant 2 : i32
          %sub3A_1058 = arith.subi %add3A_294, %sub3A : i32
          %mul3A_1059 = arith.constant 8 : i32
          %mul3A_1060 = arith.muli %sub3A_1058, %mul3A_1059 : i32
          %add3A_1061 = arith.addi %mul3A_2, %mul3A_1060 : i32
          %dma_wait3A_1062 = arith.constant 2 : i32
          %dma_wait3A_1063 = arith.constant 0 : i32
          %dma_wait3A_1064 = arith.constant 0 : i32
          %dma_wait3A_1065 = arith.constant 0 : i32
          %dma_wait3A_1066 = tpu.memref_slice %arg6[%dma_wait3A_1062, %dma_wait3A_1063, %dma_wait3A_1064, %dma_wait3A_1065] : memref<4x8x50x32xf32, #tpu.memory_space<vmem>> -> memref<1x8x50x32xf32, #tpu.memory_space<vmem>>
          %dma_wait3A_1067 = tpu.memref_squeeze %dma_wait3A_1066 : memref<1x8x50x32xf32, #tpu.memory_space<vmem>> -> memref<8x50x32xf32, #tpu.memory_space<vmem>>
          %dma_wait3A_1068 = arith.constant 0 : i32
          %dma_wait3A_1069 = arith.constant 0 : i32
          %dma_wait3A_1070 = tpu.memref_slice %arg4[%add3A_1061, %dma_wait3A_1068, %dma_wait3A_1069] : memref<16384x50x32xf32, #tpu.memory_space<hbm>> -> memref<8x50x32xf32, #tpu.memory_space<hbm>>
          %dma_wait3A_1071 = arith.constant 0 : i32
          %dma_wait3A_1072 = arith.constant 0 : i32
          %dma_wait3A_1073 = tpu.memref_slice %arg4[%add3A_1061, %dma_wait3A_1071, %dma_wait3A_1072] : memref<16384x50x32xf32, #tpu.memory_space<hbm>> -> memref<8x50x32xf32, #tpu.memory_space<hbm>>
          %dma_wait3A_1074 = arith.constant 0 : i32
          %dma_wait3A_1075 = arith.constant 0 : i32
          %dma_wait3A_1076 = arith.constant 0 : i32
          %dma_wait3A_1077 = tpu.memref_slice %arg6[%dma_wait3A_1062, %dma_wait3A_1074, %dma_wait3A_1075, %dma_wait3A_1076] : memref<4x8x50x32xf32, #tpu.memory_space<vmem>> -> memref<1x8x50x32xf32, #tpu.memory_space<vmem>>
          %dma_wait3A_1078 = tpu.memref_squeeze %dma_wait3A_1077 : memref<1x8x50x32xf32, #tpu.memory_space<vmem>> -> memref<8x50x32xf32, #tpu.memory_space<vmem>>
          tpu.wait_dma2 semaphore(%arg13 : memref<!tpu.dma_semaphore, #tpu.memory_space<semaphore_mem>>) src(%dma_wait3A_1078 : memref<8x50x32xf32, #tpu.memory_space<vmem>>) dst(%dma_wait3A_1073 : memref<8x50x32xf32, #tpu.memory_space<hbm>>)
        } else {
        }
        %add3A_928 = arith.constant 2 : i32
        %add3A_929 = arith.addi %add3A_294, %add3A_928 : i32
        %mul3A_930 = arith.constant 8 : i32
        %mul3A_931 = arith.muli %add3A_929, %mul3A_930 : i32
        %add3A_932 = arith.constant 0 : i32
        %add3A_933 = arith.addi %mul3A_931, %add3A_932 : i32
        %dma_start3A_934 = arith.constant 2 : i32
        %dma_start3A_935 = arith.constant 0 : i32
        %dma_start3A_936 = arith.constant 0 : i32
        %dma_start3A_937 = arith.constant 0 : i32
        %dma_start3A_938 = tpu.memref_slice %arg6[%dma_start3A_934, %dma_start3A_935, %dma_start3A_936, %dma_start3A_937] : memref<4x8x50x32xf32, #tpu.memory_space<vmem>> -> memref<1x1x50x32xf32, #tpu.memory_space<vmem>>
        %dma_start3A_939 = tpu.memref_squeeze %dma_start3A_938 : memref<1x1x50x32xf32, #tpu.memory_space<vmem>> -> memref<50x32xf32, #tpu.memory_space<vmem>>
        %dma_start3A_940 = arith.constant 0 : i32
        %dma_start3A_941 = tpu.memref_slice %arg5[%add3A_933, %dma_start3A_940] : memref<512x50xi32, #tpu.memory_space<vmem>> -> memref<1x50xi32, #tpu.memory_space<vmem>>
        %dma_start3A_942 = tpu.memref_squeeze %dma_start3A_941 : memref<1x50xi32, #tpu.memory_space<vmem>> -> memref<50xi32, #tpu.memory_space<vmem>>
        %dma_start3A_943 = arith.constant 0 : i32
        %dma_start3A_944 = arith.constant 0 : i32
        %dma_start3A_945 = tpu.memref_slice %arg3[%dma_start3A_943, %dma_start3A_944] : memref<1000000x32xf32, #tpu.memory_space<hbm>> -> memref<1000000x32xf32, #tpu.memory_space<hbm>>
        tpu.enqueue_indirect_dma source(%dma_start3A_945 : memref<1000000x32xf32, #tpu.memory_space<hbm>>) target(%dma_start3A_939 : memref<50x32xf32, #tpu.memory_space<vmem>>) offsets(%dma_start3A_942 : memref<50xi32, #tpu.memory_space<vmem>>) semaphore(%arg9 : memref<!tpu.dma_semaphore, #tpu.memory_space<semaphore_mem>>)
        %mul3A_946 = arith.constant 8 : i32
        %mul3A_947 = arith.muli %add3A_929, %mul3A_946 : i32
        %add3A_948 = arith.constant 1 : i32
        %add3A_949 = arith.addi %mul3A_947, %add3A_948 : i32
        %dma_start3A_950 = arith.constant 2 : i32
        %dma_start3A_951 = arith.constant 1 : i32
        %dma_start3A_952 = arith.constant 0 : i32
        %dma_start3A_953 = arith.constant 0 : i32
        %dma_start3A_954 = tpu.memref_slice %arg6[%dma_start3A_950, %dma_start3A_951, %dma_start3A_952, %dma_start3A_953] : memref<4x8x50x32xf32, #tpu.memory_space<vmem>> -> memref<1x1x50x32xf32, #tpu.memory_space<vmem>>
        %dma_start3A_955 = tpu.memref_squeeze %dma_start3A_954 : memref<1x1x50x32xf32, #tpu.memory_space<vmem>> -> memref<50x32xf32, #tpu.memory_space<vmem>>
        %dma_start3A_956 = arith.constant 0 : i32
        %dma_start3A_957 = tpu.memref_slice %arg5[%add3A_949, %dma_start3A_956] : memref<512x50xi32, #tpu.memory_space<vmem>> -> memref<1x50xi32, #tpu.memory_space<vmem>>
        %dma_start3A_958 = tpu.memref_squeeze %dma_start3A_957 : memref<1x50xi32, #tpu.memory_space<vmem>> -> memref<50xi32, #tpu.memory_space<vmem>>
        %dma_start3A_959 = arith.constant 0 : i32
        %dma_start3A_960 = arith.constant 0 : i32
        %dma_start3A_961 = tpu.memref_slice %arg3[%dma_start3A_959, %dma_start3A_960] : memref<1000000x32xf32, #tpu.memory_space<hbm>> -> memref<1000000x32xf32, #tpu.memory_space<hbm>>
        tpu.enqueue_indirect_dma source(%dma_start3A_961 : memref<1000000x32xf32, #tpu.memory_space<hbm>>) target(%dma_start3A_955 : memref<50x32xf32, #tpu.memory_space<vmem>>) offsets(%dma_start3A_958 : memref<50xi32, #tpu.memory_space<vmem>>) semaphore(%arg9 : memref<!tpu.dma_semaphore, #tpu.memory_space<semaphore_mem>>)
        %mul3A_962 = arith.constant 8 : i32
        %mul3A_963 = arith.muli %add3A_929, %mul3A_962 : i32
        %add3A_964 = arith.constant 2 : i32
        %add3A_965 = arith.addi %mul3A_963, %add3A_964 : i32
        %dma_start3A_966 = arith.constant 2 : i32
        %dma_start3A_967 = arith.constant 2 : i32
        %dma_start3A_968 = arith.constant 0 : i32
        %dma_start3A_969 = arith.constant 0 : i32
        %dma_start3A_970 = tpu.memref_slice %arg6[%dma_start3A_966, %dma_start3A_967, %dma_start3A_968, %dma_start3A_969] : memref<4x8x50x32xf32, #tpu.memory_space<vmem>> -> memref<1x1x50x32xf32, #tpu.memory_space<vmem>>
        %dma_start3A_971 = tpu.memref_squeeze %dma_start3A_970 : memref<1x1x50x32xf32, #tpu.memory_space<vmem>> -> memref<50x32xf32, #tpu.memory_space<vmem>>
        %dma_start3A_972 = arith.constant 0 : i32
        %dma_start3A_973 = tpu.memref_slice %arg5[%add3A_965, %dma_start3A_972] : memref<512x50xi32, #tpu.memory_space<vmem>> -> memref<1x50xi32, #tpu.memory_space<vmem>>
        %dma_start3A_974 = tpu.memref_squeeze %dma_start3A_973 : memref<1x50xi32, #tpu.memory_space<vmem>> -> memref<50xi32, #tpu.memory_space<vmem>>
        %dma_start3A_975 = arith.constant 0 : i32
        %dma_start3A_976 = arith.constant 0 : i32
        %dma_start3A_977 = tpu.memref_slice %arg3[%dma_start3A_975, %dma_start3A_976] : memref<1000000x32xf32, #tpu.memory_space<hbm>> -> memref<1000000x32xf32, #tpu.memory_space<hbm>>
        tpu.enqueue_indirect_dma source(%dma_start3A_977 : memref<1000000x32xf32, #tpu.memory_space<hbm>>) target(%dma_start3A_971 : memref<50x32xf32, #tpu.memory_space<vmem>>) offsets(%dma_start3A_974 : memref<50xi32, #tpu.memory_space<vmem>>) semaphore(%arg9 : memref<!tpu.dma_semaphore, #tpu.memory_space<semaphore_mem>>)
        %mul3A_978 = arith.constant 8 : i32
        %mul3A_979 = arith.muli %add3A_929, %mul3A_978 : i32
        %add3A_980 = arith.constant 3 : i32
        %add3A_981 = arith.addi %mul3A_979, %add3A_980 : i32
        %dma_start3A_982 = arith.constant 2 : i32
        %dma_start3A_983 = arith.constant 3 : i32
        %dma_start3A_984 = arith.constant 0 : i32
        %dma_start3A_985 = arith.constant 0 : i32
        %dma_start3A_986 = tpu.memref_slice %arg6[%dma_start3A_982, %dma_start3A_983, %dma_start3A_984, %dma_start3A_985] : memref<4x8x50x32xf32, #tpu.memory_space<vmem>> -> memref<1x1x50x32xf32, #tpu.memory_space<vmem>>
        %dma_start3A_987 = tpu.memref_squeeze %dma_start3A_986 : memref<1x1x50x32xf32, #tpu.memory_space<vmem>> -> memref<50x32xf32, #tpu.memory_space<vmem>>
        %dma_start3A_988 = arith.constant 0 : i32
        %dma_start3A_989 = tpu.memref_slice %arg5[%add3A_981, %dma_start3A_988] : memref<512x50xi32, #tpu.memory_space<vmem>> -> memref<1x50xi32, #tpu.memory_space<vmem>>
        %dma_start3A_990 = tpu.memref_squeeze %dma_start3A_989 : memref<1x50xi32, #tpu.memory_space<vmem>> -> memref<50xi32, #tpu.memory_space<vmem>>
        %dma_start3A_991 = arith.constant 0 : i32
        %dma_start3A_992 = arith.constant 0 : i32
        %dma_start3A_993 = tpu.memref_slice %arg3[%dma_start3A_991, %dma_start3A_992] : memref<1000000x32xf32, #tpu.memory_space<hbm>> -> memref<1000000x32xf32, #tpu.memory_space<hbm>>
        tpu.enqueue_indirect_dma source(%dma_start3A_993 : memref<1000000x32xf32, #tpu.memory_space<hbm>>) target(%dma_start3A_987 : memref<50x32xf32, #tpu.memory_space<vmem>>) offsets(%dma_start3A_990 : memref<50xi32, #tpu.memory_space<vmem>>) semaphore(%arg9 : memref<!tpu.dma_semaphore, #tpu.memory_space<semaphore_mem>>)
        %mul3A_994 = arith.constant 8 : i32
        %mul3A_995 = arith.muli %add3A_929, %mul3A_994 : i32
        %add3A_996 = arith.constant 4 : i32
        %add3A_997 = arith.addi %mul3A_995, %add3A_996 : i32
        %dma_start3A_998 = arith.constant 2 : i32
        %dma_start3A_999 = arith.constant 4 : i32
        %dma_start3A_1000 = arith.constant 0 : i32
        %dma_start3A_1001 = arith.constant 0 : i32
        %dma_start3A_1002 = tpu.memref_slice %arg6[%dma_start3A_998, %dma_start3A_999, %dma_start3A_1000, %dma_start3A_1001] : memref<4x8x50x32xf32, #tpu.memory_space<vmem>> -> memref<1x1x50x32xf32, #tpu.memory_space<vmem>>
        %dma_start3A_1003 = tpu.memref_squeeze %dma_start3A_1002 : memref<1x1x50x32xf32, #tpu.memory_space<vmem>> -> memref<50x32xf32, #tpu.memory_space<vmem>>
        %dma_start3A_1004 = arith.constant 0 : i32
        %dma_start3A_1005 = tpu.memref_slice %arg5[%add3A_997, %dma_start3A_1004] : memref<512x50xi32, #tpu.memory_space<vmem>> -> memref<1x50xi32, #tpu.memory_space<vmem>>
        %dma_start3A_1006 = tpu.memref_squeeze %dma_start3A_1005 : memref<1x50xi32, #tpu.memory_space<vmem>> -> memref<50xi32, #tpu.memory_space<vmem>>
        %dma_start3A_1007 = arith.constant 0 : i32
        %dma_start3A_1008 = arith.constant 0 : i32
        %dma_start3A_1009 = tpu.memref_slice %arg3[%dma_start3A_1007, %dma_start3A_1008] : memref<1000000x32xf32, #tpu.memory_space<hbm>> -> memref<1000000x32xf32, #tpu.memory_space<hbm>>
        tpu.enqueue_indirect_dma source(%dma_start3A_1009 : memref<1000000x32xf32, #tpu.memory_space<hbm>>) target(%dma_start3A_1003 : memref<50x32xf32, #tpu.memory_space<vmem>>) offsets(%dma_start3A_1006 : memref<50xi32, #tpu.memory_space<vmem>>) semaphore(%arg9 : memref<!tpu.dma_semaphore, #tpu.memory_space<semaphore_mem>>)
        %mul3A_1010 = arith.constant 8 : i32
        %mul3A_1011 = arith.muli %add3A_929, %mul3A_1010 : i32
        %add3A_1012 = arith.constant 5 : i32
        %add3A_1013 = arith.addi %mul3A_1011, %add3A_1012 : i32
        %dma_start3A_1014 = arith.constant 2 : i32
        %dma_start3A_1015 = arith.constant 5 : i32
        %dma_start3A_1016 = arith.constant 0 : i32
        %dma_start3A_1017 = arith.constant 0 : i32
        %dma_start3A_1018 = tpu.memref_slice %arg6[%dma_start3A_1014, %dma_start3A_1015, %dma_start3A_1016, %dma_start3A_1017] : memref<4x8x50x32xf32, #tpu.memory_space<vmem>> -> memref<1x1x50x32xf32, #tpu.memory_space<vmem>>
        %dma_start3A_1019 = tpu.memref_squeeze %dma_start3A_1018 : memref<1x1x50x32xf32, #tpu.memory_space<vmem>> -> memref<50x32xf32, #tpu.memory_space<vmem>>
        %dma_start3A_1020 = arith.constant 0 : i32
        %dma_start3A_1021 = tpu.memref_slice %arg5[%add3A_1013, %dma_start3A_1020] : memref<512x50xi32, #tpu.memory_space<vmem>> -> memref<1x50xi32, #tpu.memory_space<vmem>>
        %dma_start3A_1022 = tpu.memref_squeeze %dma_start3A_1021 : memref<1x50xi32, #tpu.memory_space<vmem>> -> memref<50xi32, #tpu.memory_space<vmem>>
        %dma_start3A_1023 = arith.constant 0 : i32
        %dma_start3A_1024 = arith.constant 0 : i32
        %dma_start3A_1025 = tpu.memref_slice %arg3[%dma_start3A_1023, %dma_start3A_1024] : memref<1000000x32xf32, #tpu.memory_space<hbm>> -> memref<1000000x32xf32, #tpu.memory_space<hbm>>
        tpu.enqueue_indirect_dma source(%dma_start3A_1025 : memref<1000000x32xf32, #tpu.memory_space<hbm>>) target(%dma_start3A_1019 : memref<50x32xf32, #tpu.memory_space<vmem>>) offsets(%dma_start3A_1022 : memref<50xi32, #tpu.memory_space<vmem>>) semaphore(%arg9 : memref<!tpu.dma_semaphore, #tpu.memory_space<semaphore_mem>>)
        %mul3A_1026 = arith.constant 8 : i32
        %mul3A_1027 = arith.muli %add3A_929, %mul3A_1026 : i32
        %add3A_1028 = arith.constant 6 : i32
        %add3A_1029 = arith.addi %mul3A_1027, %add3A_1028 : i32
        %dma_start3A_1030 = arith.constant 2 : i32
        %dma_start3A_1031 = arith.constant 6 : i32
        %dma_start3A_1032 = arith.constant 0 : i32
        %dma_start3A_1033 = arith.constant 0 : i32
        %dma_start3A_1034 = tpu.memref_slice %arg6[%dma_start3A_1030, %dma_start3A_1031, %dma_start3A_1032, %dma_start3A_1033] : memref<4x8x50x32xf32, #tpu.memory_space<vmem>> -> memref<1x1x50x32xf32, #tpu.memory_space<vmem>>
        %dma_start3A_1035 = tpu.memref_squeeze %dma_start3A_1034 : memref<1x1x50x32xf32, #tpu.memory_space<vmem>> -> memref<50x32xf32, #tpu.memory_space<vmem>>
        %dma_start3A_1036 = arith.constant 0 : i32
        %dma_start3A_1037 = tpu.memref_slice %arg5[%add3A_1029, %dma_start3A_1036] : memref<512x50xi32, #tpu.memory_space<vmem>> -> memref<1x50xi32, #tpu.memory_space<vmem>>
        %dma_start3A_1038 = tpu.memref_squeeze %dma_start3A_1037 : memref<1x50xi32, #tpu.memory_space<vmem>> -> memref<50xi32, #tpu.memory_space<vmem>>
        %dma_start3A_1039 = arith.constant 0 : i32
        %dma_start3A_1040 = arith.constant 0 : i32
        %dma_start3A_1041 = tpu.memref_slice %arg3[%dma_start3A_1039, %dma_start3A_1040] : memref<1000000x32xf32, #tpu.memory_space<hbm>> -> memref<1000000x32xf32, #tpu.memory_space<hbm>>
        tpu.enqueue_indirect_dma source(%dma_start3A_1041 : memref<1000000x32xf32, #tpu.memory_space<hbm>>) target(%dma_start3A_1035 : memref<50x32xf32, #tpu.memory_space<vmem>>) offsets(%dma_start3A_1038 : memref<50xi32, #tpu.memory_space<vmem>>) semaphore(%arg9 : memref<!tpu.dma_semaphore, #tpu.memory_space<semaphore_mem>>)
        %mul3A_1042 = arith.constant 8 : i32
        %mul3A_1043 = arith.muli %add3A_929, %mul3A_1042 : i32
        %add3A_1044 = arith.constant 7 : i32
        %add3A_1045 = arith.addi %mul3A_1043, %add3A_1044 : i32
        %dma_start3A_1046 = arith.constant 2 : i32
        %dma_start3A_1047 = arith.constant 7 : i32
        %dma_start3A_1048 = arith.constant 0 : i32
        %dma_start3A_1049 = arith.constant 0 : i32
        %dma_start3A_1050 = tpu.memref_slice %arg6[%dma_start3A_1046, %dma_start3A_1047, %dma_start3A_1048, %dma_start3A_1049] : memref<4x8x50x32xf32, #tpu.memory_space<vmem>> -> memref<1x1x50x32xf32, #tpu.memory_space<vmem>>
        %dma_start3A_1051 = tpu.memref_squeeze %dma_start3A_1050 : memref<1x1x50x32xf32, #tpu.memory_space<vmem>> -> memref<50x32xf32, #tpu.memory_space<vmem>>
        %dma_start3A_1052 = arith.constant 0 : i32
        %dma_start3A_1053 = tpu.memref_slice %arg5[%add3A_1045, %dma_start3A_1052] : memref<512x50xi32, #tpu.memory_space<vmem>> -> memref<1x50xi32, #tpu.memory_space<vmem>>
        %dma_start3A_1054 = tpu.memref_squeeze %dma_start3A_1053 : memref<1x50xi32, #tpu.memory_space<vmem>> -> memref<50xi32, #tpu.memory_space<vmem>>
        %dma_start3A_1055 = arith.constant 0 : i32
        %dma_start3A_1056 = arith.constant 0 : i32
        %dma_start3A_1057 = tpu.memref_slice %arg3[%dma_start3A_1055, %dma_start3A_1056] : memref<1000000x32xf32, #tpu.memory_space<hbm>> -> memref<1000000x32xf32, #tpu.memory_space<hbm>>
        tpu.enqueue_indirect_dma source(%dma_start3A_1057 : memref<1000000x32xf32, #tpu.memory_space<hbm>>) target(%dma_start3A_1051 : memref<50x32xf32, #tpu.memory_space<vmem>>) offsets(%dma_start3A_1054 : memref<50xi32, #tpu.memory_space<vmem>>) semaphore(%arg9 : memref<!tpu.dma_semaphore, #tpu.memory_space<semaphore_mem>>)
      } else {
      }
      %mul3A_447 = arith.constant 4 : i32
      %mul3A_448 = arith.muli %scan3A_290, %mul3A_447 : i32
      %add3A_449 = arith.constant 1 : i32
      %add3A_450 = arith.addi %mul3A_448, %add3A_449 : i32
      %dma_wait3A_451 = arith.constant 1 : i32
      %dma_wait3A_452 = arith.constant 0 : i32
      %dma_wait3A_453 = arith.constant 0 : i32
      %dma_wait3A_454 = arith.constant 0 : i32
      %dma_wait3A_455 = tpu.memref_slice %arg6[%dma_wait3A_451, %dma_wait3A_452, %dma_wait3A_453, %dma_wait3A_454] : memref<4x8x50x32xf32, #tpu.memory_space<vmem>> -> memref<1x1x50x32xf32, #tpu.memory_space<vmem>>
      %dma_wait3A_456 = tpu.memref_squeeze %dma_wait3A_455 : memref<1x1x50x32xf32, #tpu.memory_space<vmem>> -> memref<50x32xf32, #tpu.memory_space<vmem>>
      %dma_wait3A_457 = arith.constant 0 : i32
      %dma_wait3A_458 = arith.constant 0 : i32
      %dma_wait3A_459 = tpu.memref_slice %arg3[%dma_wait3A_457, %dma_wait3A_458] : memref<1000000x32xf32, #tpu.memory_space<hbm>> -> memref<50x32xf32, #tpu.memory_space<hbm>>
      %dma_wait3A_460 = arith.constant 0 : i32
      %dma_wait3A_461 = arith.constant 0 : i32
      %dma_wait3A_462 = tpu.memref_slice %arg6[%dma_wait3A_451, %dma_wait3A_452, %dma_wait3A_460, %dma_wait3A_461] : memref<4x8x50x32xf32, #tpu.memory_space<vmem>> -> memref<1x1x50x32xf32, #tpu.memory_space<vmem>>
      %dma_wait3A_463 = tpu.memref_squeeze %dma_wait3A_462 : memref<1x1x50x32xf32, #tpu.memory_space<vmem>> -> memref<50x32xf32, #tpu.memory_space<vmem>>
      %dma_wait3A_464 = arith.constant 0 : i32
      %dma_wait3A_465 = arith.constant 0 : i32
      %dma_wait3A_466 = tpu.memref_slice %arg3[%dma_wait3A_464, %dma_wait3A_465] : memref<1000000x32xf32, #tpu.memory_space<hbm>> -> memref<50x32xf32, #tpu.memory_space<hbm>>
      tpu.wait_dma2 semaphore(%arg8 : memref<!tpu.dma_semaphore, #tpu.memory_space<semaphore_mem>>) src(%dma_wait3A_466 : memref<50x32xf32, #tpu.memory_space<hbm>>) dst(%dma_wait3A_463 : memref<50x32xf32, #tpu.memory_space<vmem>>)
      %dma_wait3A_467 = arith.constant 1 : i32
      %dma_wait3A_468 = arith.constant 1 : i32
      %dma_wait3A_469 = arith.constant 0 : i32
      %dma_wait3A_470 = arith.constant 0 : i32
      %dma_wait3A_471 = tpu.memref_slice %arg6[%dma_wait3A_467, %dma_wait3A_468, %dma_wait3A_469, %dma_wait3A_470] : memref<4x8x50x32xf32, #tpu.memory_space<vmem>> -> memref<1x1x50x32xf32, #tpu.memory_space<vmem>>
      %dma_wait3A_472 = tpu.memref_squeeze %dma_wait3A_471 : memref<1x1x50x32xf32, #tpu.memory_space<vmem>> -> memref<50x32xf32, #tpu.memory_space<vmem>>
      %dma_wait3A_473 = arith.constant 0 : i32
      %dma_wait3A_474 = arith.constant 0 : i32
      %dma_wait3A_475 = tpu.memref_slice %arg3[%dma_wait3A_473, %dma_wait3A_474] : memref<1000000x32xf32, #tpu.memory_space<hbm>> -> memref<50x32xf32, #tpu.memory_space<hbm>>
      %dma_wait3A_476 = arith.constant 0 : i32
      %dma_wait3A_477 = arith.constant 0 : i32
      %dma_wait3A_478 = tpu.memref_slice %arg6[%dma_wait3A_467, %dma_wait3A_468, %dma_wait3A_476, %dma_wait3A_477] : memref<4x8x50x32xf32, #tpu.memory_space<vmem>> -> memref<1x1x50x32xf32, #tpu.memory_space<vmem>>
      %dma_wait3A_479 = tpu.memref_squeeze %dma_wait3A_478 : memref<1x1x50x32xf32, #tpu.memory_space<vmem>> -> memref<50x32xf32, #tpu.memory_space<vmem>>
      %dma_wait3A_480 = arith.constant 0 : i32
      %dma_wait3A_481 = arith.constant 0 : i32
      %dma_wait3A_482 = tpu.memref_slice %arg3[%dma_wait3A_480, %dma_wait3A_481] : memref<1000000x32xf32, #tpu.memory_space<hbm>> -> memref<50x32xf32, #tpu.memory_space<hbm>>
      tpu.wait_dma2 semaphore(%arg8 : memref<!tpu.dma_semaphore, #tpu.memory_space<semaphore_mem>>) src(%dma_wait3A_482 : memref<50x32xf32, #tpu.memory_space<hbm>>) dst(%dma_wait3A_479 : memref<50x32xf32, #tpu.memory_space<vmem>>)
      %dma_wait3A_483 = arith.constant 1 : i32
      %dma_wait3A_484 = arith.constant 2 : i32
      %dma_wait3A_485 = arith.constant 0 : i32
      %dma_wait3A_486 = arith.constant 0 : i32
      %dma_wait3A_487 = tpu.memref_slice %arg6[%dma_wait3A_483, %dma_wait3A_484, %dma_wait3A_485, %dma_wait3A_486] : memref<4x8x50x32xf32, #tpu.memory_space<vmem>> -> memref<1x1x50x32xf32, #tpu.memory_space<vmem>>
      %dma_wait3A_488 = tpu.memref_squeeze %dma_wait3A_487 : memref<1x1x50x32xf32, #tpu.memory_space<vmem>> -> memref<50x32xf32, #tpu.memory_space<vmem>>
      %dma_wait3A_489 = arith.constant 0 : i32
      %dma_wait3A_490 = arith.constant 0 : i32
      %dma_wait3A_491 = tpu.memref_slice %arg3[%dma_wait3A_489, %dma_wait3A_490] : memref<1000000x32xf32, #tpu.memory_space<hbm>> -> memref<50x32xf32, #tpu.memory_space<hbm>>
      %dma_wait3A_492 = arith.constant 0 : i32
      %dma_wait3A_493 = arith.constant 0 : i32
      %dma_wait3A_494 = tpu.memref_slice %arg6[%dma_wait3A_483, %dma_wait3A_484, %dma_wait3A_492, %dma_wait3A_493] : memref<4x8x50x32xf32, #tpu.memory_space<vmem>> -> memref<1x1x50x32xf32, #tpu.memory_space<vmem>>
      %dma_wait3A_495 = tpu.memref_squeeze %dma_wait3A_494 : memref<1x1x50x32xf32, #tpu.memory_space<vmem>> -> memref<50x32xf32, #tpu.memory_space<vmem>>
      %dma_wait3A_496 = arith.constant 0 : i32
      %dma_wait3A_497 = arith.constant 0 : i32
      %dma_wait3A_498 = tpu.memref_slice %arg3[%dma_wait3A_496, %dma_wait3A_497] : memref<1000000x32xf32, #tpu.memory_space<hbm>> -> memref<50x32xf32, #tpu.memory_space<hbm>>
      tpu.wait_dma2 semaphore(%arg8 : memref<!tpu.dma_semaphore, #tpu.memory_space<semaphore_mem>>) src(%dma_wait3A_498 : memref<50x32xf32, #tpu.memory_space<hbm>>) dst(%dma_wait3A_495 : memref<50x32xf32, #tpu.memory_space<vmem>>)
      %dma_wait3A_499 = arith.constant 1 : i32
      %dma_wait3A_500 = arith.constant 3 : i32
      %dma_wait3A_501 = arith.constant 0 : i32
      %dma_wait3A_502 = arith.constant 0 : i32
      %dma_wait3A_503 = tpu.memref_slice %arg6[%dma_wait3A_499, %dma_wait3A_500, %dma_wait3A_501, %dma_wait3A_502] : memref<4x8x50x32xf32, #tpu.memory_space<vmem>> -> memref<1x1x50x32xf32, #tpu.memory_space<vmem>>
      %dma_wait3A_504 = tpu.memref_squeeze %dma_wait3A_503 : memref<1x1x50x32xf32, #tpu.memory_space<vmem>> -> memref<50x32xf32, #tpu.memory_space<vmem>>
      %dma_wait3A_505 = arith.constant 0 : i32
      %dma_wait3A_506 = arith.constant 0 : i32
      %dma_wait3A_507 = tpu.memref_slice %arg3[%dma_wait3A_505, %dma_wait3A_506] : memref<1000000x32xf32, #tpu.memory_space<hbm>> -> memref<50x32xf32, #tpu.memory_space<hbm>>
      %dma_wait3A_508 = arith.constant 0 : i32
      %dma_wait3A_509 = arith.constant 0 : i32
      %dma_wait3A_510 = tpu.memref_slice %arg6[%dma_wait3A_499, %dma_wait3A_500, %dma_wait3A_508, %dma_wait3A_509] : memref<4x8x50x32xf32, #tpu.memory_space<vmem>> -> memref<1x1x50x32xf32, #tpu.memory_space<vmem>>
      %dma_wait3A_511 = tpu.memref_squeeze %dma_wait3A_510 : memref<1x1x50x32xf32, #tpu.memory_space<vmem>> -> memref<50x32xf32, #tpu.memory_space<vmem>>
      %dma_wait3A_512 = arith.constant 0 : i32
      %dma_wait3A_513 = arith.constant 0 : i32
      %dma_wait3A_514 = tpu.memref_slice %arg3[%dma_wait3A_512, %dma_wait3A_513] : memref<1000000x32xf32, #tpu.memory_space<hbm>> -> memref<50x32xf32, #tpu.memory_space<hbm>>
      tpu.wait_dma2 semaphore(%arg8 : memref<!tpu.dma_semaphore, #tpu.memory_space<semaphore_mem>>) src(%dma_wait3A_514 : memref<50x32xf32, #tpu.memory_space<hbm>>) dst(%dma_wait3A_511 : memref<50x32xf32, #tpu.memory_space<vmem>>)
      %dma_wait3A_515 = arith.constant 1 : i32
      %dma_wait3A_516 = arith.constant 4 : i32
      %dma_wait3A_517 = arith.constant 0 : i32
      %dma_wait3A_518 = arith.constant 0 : i32
      %dma_wait3A_519 = tpu.memref_slice %arg6[%dma_wait3A_515, %dma_wait3A_516, %dma_wait3A_517, %dma_wait3A_518] : memref<4x8x50x32xf32, #tpu.memory_space<vmem>> -> memref<1x1x50x32xf32, #tpu.memory_space<vmem>>
      %dma_wait3A_520 = tpu.memref_squeeze %dma_wait3A_519 : memref<1x1x50x32xf32, #tpu.memory_space<vmem>> -> memref<50x32xf32, #tpu.memory_space<vmem>>
      %dma_wait3A_521 = arith.constant 0 : i32
      %dma_wait3A_522 = arith.constant 0 : i32
      %dma_wait3A_523 = tpu.memref_slice %arg3[%dma_wait3A_521, %dma_wait3A_522] : memref<1000000x32xf32, #tpu.memory_space<hbm>> -> memref<50x32xf32, #tpu.memory_space<hbm>>
      %dma_wait3A_524 = arith.constant 0 : i32
      %dma_wait3A_525 = arith.constant 0 : i32
      %dma_wait3A_526 = tpu.memref_slice %arg6[%dma_wait3A_515, %dma_wait3A_516, %dma_wait3A_524, %dma_wait3A_525] : memref<4x8x50x32xf32, #tpu.memory_space<vmem>> -> memref<1x1x50x32xf32, #tpu.memory_space<vmem>>
      %dma_wait3A_527 = tpu.memref_squeeze %dma_wait3A_526 : memref<1x1x50x32xf32, #tpu.memory_space<vmem>> -> memref<50x32xf32, #tpu.memory_space<vmem>>
      %dma_wait3A_528 = arith.constant 0 : i32
      %dma_wait3A_529 = arith.constant 0 : i32
      %dma_wait3A_530 = tpu.memref_slice %arg3[%dma_wait3A_528, %dma_wait3A_529] : memref<1000000x32xf32, #tpu.memory_space<hbm>> -> memref<50x32xf32, #tpu.memory_space<hbm>>
      tpu.wait_dma2 semaphore(%arg8 : memref<!tpu.dma_semaphore, #tpu.memory_space<semaphore_mem>>) src(%dma_wait3A_530 : memref<50x32xf32, #tpu.memory_space<hbm>>) dst(%dma_wait3A_527 : memref<50x32xf32, #tpu.memory_space<vmem>>)
      %dma_wait3A_531 = arith.constant 1 : i32
      %dma_wait3A_532 = arith.constant 5 : i32
      %dma_wait3A_533 = arith.constant 0 : i32
      %dma_wait3A_534 = arith.constant 0 : i32
      %dma_wait3A_535 = tpu.memref_slice %arg6[%dma_wait3A_531, %dma_wait3A_532, %dma_wait3A_533, %dma_wait3A_534] : memref<4x8x50x32xf32, #tpu.memory_space<vmem>> -> memref<1x1x50x32xf32, #tpu.memory_space<vmem>>
      %dma_wait3A_536 = tpu.memref_squeeze %dma_wait3A_535 : memref<1x1x50x32xf32, #tpu.memory_space<vmem>> -> memref<50x32xf32, #tpu.memory_space<vmem>>
      %dma_wait3A_537 = arith.constant 0 : i32
      %dma_wait3A_538 = arith.constant 0 : i32
      %dma_wait3A_539 = tpu.memref_slice %arg3[%dma_wait3A_537, %dma_wait3A_538] : memref<1000000x32xf32, #tpu.memory_space<hbm>> -> memref<50x32xf32, #tpu.memory_space<hbm>>
      %dma_wait3A_540 = arith.constant 0 : i32
      %dma_wait3A_541 = arith.constant 0 : i32
      %dma_wait3A_542 = tpu.memref_slice %arg6[%dma_wait3A_531, %dma_wait3A_532, %dma_wait3A_540, %dma_wait3A_541] : memref<4x8x50x32xf32, #tpu.memory_space<vmem>> -> memref<1x1x50x32xf32, #tpu.memory_space<vmem>>
      %dma_wait3A_543 = tpu.memref_squeeze %dma_wait3A_542 : memref<1x1x50x32xf32, #tpu.memory_space<vmem>> -> memref<50x32xf32, #tpu.memory_space<vmem>>
      %dma_wait3A_544 = arith.constant 0 : i32
      %dma_wait3A_545 = arith.constant 0 : i32
      %dma_wait3A_546 = tpu.memref_slice %arg3[%dma_wait3A_544, %dma_wait3A_545] : memref<1000000x32xf32, #tpu.memory_space<hbm>> -> memref<50x32xf32, #tpu.memory_space<hbm>>
      tpu.wait_dma2 semaphore(%arg8 : memref<!tpu.dma_semaphore, #tpu.memory_space<semaphore_mem>>) src(%dma_wait3A_546 : memref<50x32xf32, #tpu.memory_space<hbm>>) dst(%dma_wait3A_543 : memref<50x32xf32, #tpu.memory_space<vmem>>)
      %dma_wait3A_547 = arith.constant 1 : i32
      %dma_wait3A_548 = arith.constant 6 : i32
      %dma_wait3A_549 = arith.constant 0 : i32
      %dma_wait3A_550 = arith.constant 0 : i32
      %dma_wait3A_551 = tpu.memref_slice %arg6[%dma_wait3A_547, %dma_wait3A_548, %dma_wait3A_549, %dma_wait3A_550] : memref<4x8x50x32xf32, #tpu.memory_space<vmem>> -> memref<1x1x50x32xf32, #tpu.memory_space<vmem>>
      %dma_wait3A_552 = tpu.memref_squeeze %dma_wait3A_551 : memref<1x1x50x32xf32, #tpu.memory_space<vmem>> -> memref<50x32xf32, #tpu.memory_space<vmem>>
      %dma_wait3A_553 = arith.constant 0 : i32
      %dma_wait3A_554 = arith.constant 0 : i32
      %dma_wait3A_555 = tpu.memref_slice %arg3[%dma_wait3A_553, %dma_wait3A_554] : memref<1000000x32xf32, #tpu.memory_space<hbm>> -> memref<50x32xf32, #tpu.memory_space<hbm>>
      %dma_wait3A_556 = arith.constant 0 : i32
      %dma_wait3A_557 = arith.constant 0 : i32
      %dma_wait3A_558 = tpu.memref_slice %arg6[%dma_wait3A_547, %dma_wait3A_548, %dma_wait3A_556, %dma_wait3A_557] : memref<4x8x50x32xf32, #tpu.memory_space<vmem>> -> memref<1x1x50x32xf32, #tpu.memory_space<vmem>>
      %dma_wait3A_559 = tpu.memref_squeeze %dma_wait3A_558 : memref<1x1x50x32xf32, #tpu.memory_space<vmem>> -> memref<50x32xf32, #tpu.memory_space<vmem>>
      %dma_wait3A_560 = arith.constant 0 : i32
      %dma_wait3A_561 = arith.constant 0 : i32
      %dma_wait3A_562 = tpu.memref_slice %arg3[%dma_wait3A_560, %dma_wait3A_561] : memref<1000000x32xf32, #tpu.memory_space<hbm>> -> memref<50x32xf32, #tpu.memory_space<hbm>>
      tpu.wait_dma2 semaphore(%arg8 : memref<!tpu.dma_semaphore, #tpu.memory_space<semaphore_mem>>) src(%dma_wait3A_562 : memref<50x32xf32, #tpu.memory_space<hbm>>) dst(%dma_wait3A_559 : memref<50x32xf32, #tpu.memory_space<vmem>>)
      %dma_wait3A_563 = arith.constant 1 : i32
      %dma_wait3A_564 = arith.constant 7 : i32
      %dma_wait3A_565 = arith.constant 0 : i32
      %dma_wait3A_566 = arith.constant 0 : i32
      %dma_wait3A_567 = tpu.memref_slice %arg6[%dma_wait3A_563, %dma_wait3A_564, %dma_wait3A_565, %dma_wait3A_566] : memref<4x8x50x32xf32, #tpu.memory_space<vmem>> -> memref<1x1x50x32xf32, #tpu.memory_space<vmem>>
      %dma_wait3A_568 = tpu.memref_squeeze %dma_wait3A_567 : memref<1x1x50x32xf32, #tpu.memory_space<vmem>> -> memref<50x32xf32, #tpu.memory_space<vmem>>
      %dma_wait3A_569 = arith.constant 0 : i32
      %dma_wait3A_570 = arith.constant 0 : i32
      %dma_wait3A_571 = tpu.memref_slice %arg3[%dma_wait3A_569, %dma_wait3A_570] : memref<1000000x32xf32, #tpu.memory_space<hbm>> -> memref<50x32xf32, #tpu.memory_space<hbm>>
      %dma_wait3A_572 = arith.constant 0 : i32
      %dma_wait3A_573 = arith.constant 0 : i32
      %dma_wait3A_574 = tpu.memref_slice %arg6[%dma_wait3A_563, %dma_wait3A_564, %dma_wait3A_572, %dma_wait3A_573] : memref<4x8x50x32xf32, #tpu.memory_space<vmem>> -> memref<1x1x50x32xf32, #tpu.memory_space<vmem>>
      %dma_wait3A_575 = tpu.memref_squeeze %dma_wait3A_574 : memref<1x1x50x32xf32, #tpu.memory_space<vmem>> -> memref<50x32xf32, #tpu.memory_space<vmem>>
      %dma_wait3A_576 = arith.constant 0 : i32
      %dma_wait3A_577 = arith.constant 0 : i32
      %dma_wait3A_578 = tpu.memref_slice %arg3[%dma_wait3A_576, %dma_wait3A_577] : memref<1000000x32xf32, #tpu.memory_space<hbm>> -> memref<50x32xf32, #tpu.memory_space<hbm>>
      tpu.wait_dma2 semaphore(%arg8 : memref<!tpu.dma_semaphore, #tpu.memory_space<semaphore_mem>>) src(%dma_wait3A_578 : memref<50x32xf32, #tpu.memory_space<hbm>>) dst(%dma_wait3A_575 : memref<50x32xf32, #tpu.memory_space<vmem>>)
      %mul3A_579 = arith.constant 8 : i32
      %mul3A_580 = arith.muli %add3A_450, %mul3A_579 : i32
      %add3A_581 = arith.addi %mul3A_2, %mul3A_580 : i32
      %dma_start3A_582 = arith.constant 1 : i32
      %dma_start3A_583 = arith.constant 0 : i32
      %dma_start3A_584 = arith.constant 0 : i32
      %dma_start3A_585 = arith.constant 0 : i32
      %dma_start3A_586 = tpu.memref_slice %arg6[%dma_start3A_582, %dma_start3A_583, %dma_start3A_584, %dma_start3A_585] : memref<4x8x50x32xf32, #tpu.memory_space<vmem>> -> memref<1x8x50x32xf32, #tpu.memory_space<vmem>>
      %dma_start3A_587 = tpu.memref_squeeze %dma_start3A_586 : memref<1x8x50x32xf32, #tpu.memory_space<vmem>> -> memref<8x50x32xf32, #tpu.memory_space<vmem>>
      %dma_start3A_588 = arith.constant 0 : i32
      %dma_start3A_589 = arith.constant 0 : i32
      %dma_start3A_590 = tpu.memref_slice %arg4[%add3A_581, %dma_start3A_588, %dma_start3A_589] : memref<16384x50x32xf32, #tpu.memory_space<hbm>> -> memref<8x50x32xf32, #tpu.memory_space<hbm>>
      %dma_start3A_591 = arith.constant 0 : i32
      %dma_start3A_592 = arith.constant 0 : i32
      %dma_start3A_593 = tpu.memref_slice %arg4[%add3A_581, %dma_start3A_591, %dma_start3A_592] : memref<16384x50x32xf32, #tpu.memory_space<hbm>> -> memref<8x50x32xf32, #tpu.memory_space<hbm>>
      %dma_start3A_594 = arith.constant 0 : i32
      %dma_start3A_595 = arith.constant 0 : i32
      %dma_start3A_596 = arith.constant 0 : i32
      %dma_start3A_597 = tpu.memref_slice %arg6[%dma_start3A_582, %dma_start3A_594, %dma_start3A_595, %dma_start3A_596] : memref<4x8x50x32xf32, #tpu.memory_space<vmem>> -> memref<1x8x50x32xf32, #tpu.memory_space<vmem>>
      %dma_start3A_598 = tpu.memref_squeeze %dma_start3A_597 : memref<1x8x50x32xf32, #tpu.memory_space<vmem>> -> memref<8x50x32xf32, #tpu.memory_space<vmem>>
      tpu.enqueue_dma source(%dma_start3A_598 : memref<8x50x32xf32, #tpu.memory_space<vmem>>) target(%dma_start3A_593 : memref<8x50x32xf32, #tpu.memory_space<hbm>>) target_semaphore(%arg12 : memref<!tpu.dma_semaphore, #tpu.memory_space<semaphore_mem>>)
      %add3A_599 = arith.constant 2 : i32
      %add3A_600 = arith.addi %add3A_450, %add3A_599 : i32
      %lt3A_601 = arith.constant 64 : i32
      %lt3A_602 = arith.cmpi slt, %add3A_600, %lt3A_601 : i32
      %convert_element_type3A_603 = arith.extui %lt3A_602 : i1 to i32
      %cond3A_604 = arith.constant 0 : i32
      %cond3A_605 = arith.cmpi ne, %convert_element_type3A_603, %cond3A_604 : i32
      scf.if %cond3A_605 {
        %ge3A = arith.constant 2 : i32
        %ge3A_924 = arith.cmpi sge, %add3A_450, %ge3A : i32
        %convert_element_type3A_925 = arith.extui %ge3A_924 : i1 to i32
        %cond3A_926 = arith.constant 0 : i32
        %cond3A_927 = arith.cmpi ne, %convert_element_type3A_925, %cond3A_926 : i32
        scf.if %cond3A_927 {
          %sub3A = arith.constant 2 : i32
          %sub3A_1058 = arith.subi %add3A_450, %sub3A : i32
          %mul3A_1059 = arith.constant 8 : i32
          %mul3A_1060 = arith.muli %sub3A_1058, %mul3A_1059 : i32
          %add3A_1061 = arith.addi %mul3A_2, %mul3A_1060 : i32
          %dma_wait3A_1062 = arith.constant 3 : i32
          %dma_wait3A_1063 = arith.constant 0 : i32
          %dma_wait3A_1064 = arith.constant 0 : i32
          %dma_wait3A_1065 = arith.constant 0 : i32
          %dma_wait3A_1066 = tpu.memref_slice %arg6[%dma_wait3A_1062, %dma_wait3A_1063, %dma_wait3A_1064, %dma_wait3A_1065] : memref<4x8x50x32xf32, #tpu.memory_space<vmem>> -> memref<1x8x50x32xf32, #tpu.memory_space<vmem>>
          %dma_wait3A_1067 = tpu.memref_squeeze %dma_wait3A_1066 : memref<1x8x50x32xf32, #tpu.memory_space<vmem>> -> memref<8x50x32xf32, #tpu.memory_space<vmem>>
          %dma_wait3A_1068 = arith.constant 0 : i32
          %dma_wait3A_1069 = arith.constant 0 : i32
          %dma_wait3A_1070 = tpu.memref_slice %arg4[%add3A_1061, %dma_wait3A_1068, %dma_wait3A_1069] : memref<16384x50x32xf32, #tpu.memory_space<hbm>> -> memref<8x50x32xf32, #tpu.memory_space<hbm>>
          %dma_wait3A_1071 = arith.constant 0 : i32
          %dma_wait3A_1072 = arith.constant 0 : i32
          %dma_wait3A_1073 = tpu.memref_slice %arg4[%add3A_1061, %dma_wait3A_1071, %dma_wait3A_1072] : memref<16384x50x32xf32, #tpu.memory_space<hbm>> -> memref<8x50x32xf32, #tpu.memory_space<hbm>>
          %dma_wait3A_1074 = arith.constant 0 : i32
          %dma_wait3A_1075 = arith.constant 0 : i32
          %dma_wait3A_1076 = arith.constant 0 : i32
          %dma_wait3A_1077 = tpu.memref_slice %arg6[%dma_wait3A_1062, %dma_wait3A_1074, %dma_wait3A_1075, %dma_wait3A_1076] : memref<4x8x50x32xf32, #tpu.memory_space<vmem>> -> memref<1x8x50x32xf32, #tpu.memory_space<vmem>>
          %dma_wait3A_1078 = tpu.memref_squeeze %dma_wait3A_1077 : memref<1x8x50x32xf32, #tpu.memory_space<vmem>> -> memref<8x50x32xf32, #tpu.memory_space<vmem>>
          tpu.wait_dma2 semaphore(%arg14 : memref<!tpu.dma_semaphore, #tpu.memory_space<semaphore_mem>>) src(%dma_wait3A_1078 : memref<8x50x32xf32, #tpu.memory_space<vmem>>) dst(%dma_wait3A_1073 : memref<8x50x32xf32, #tpu.memory_space<hbm>>)
        } else {
        }
        %add3A_928 = arith.constant 2 : i32
        %add3A_929 = arith.addi %add3A_450, %add3A_928 : i32
        %mul3A_930 = arith.constant 8 : i32
        %mul3A_931 = arith.muli %add3A_929, %mul3A_930 : i32
        %add3A_932 = arith.constant 0 : i32
        %add3A_933 = arith.addi %mul3A_931, %add3A_932 : i32
        %dma_start3A_934 = arith.constant 3 : i32
        %dma_start3A_935 = arith.constant 0 : i32
        %dma_start3A_936 = arith.constant 0 : i32
        %dma_start3A_937 = arith.constant 0 : i32
        %dma_start3A_938 = tpu.memref_slice %arg6[%dma_start3A_934, %dma_start3A_935, %dma_start3A_936, %dma_start3A_937] : memref<4x8x50x32xf32, #tpu.memory_space<vmem>> -> memref<1x1x50x32xf32, #tpu.memory_space<vmem>>
        %dma_start3A_939 = tpu.memref_squeeze %dma_start3A_938 : memref<1x1x50x32xf32, #tpu.memory_space<vmem>> -> memref<50x32xf32, #tpu.memory_space<vmem>>
        %dma_start3A_940 = arith.constant 0 : i32
        %dma_start3A_941 = tpu.memref_slice %arg5[%add3A_933, %dma_start3A_940] : memref<512x50xi32, #tpu.memory_space<vmem>> -> memref<1x50xi32, #tpu.memory_space<vmem>>
        %dma_start3A_942 = tpu.memref_squeeze %dma_start3A_941 : memref<1x50xi32, #tpu.memory_space<vmem>> -> memref<50xi32, #tpu.memory_space<vmem>>
        %dma_start3A_943 = arith.constant 0 : i32
        %dma_start3A_944 = arith.constant 0 : i32
        %dma_start3A_945 = tpu.memref_slice %arg3[%dma_start3A_943, %dma_start3A_944] : memref<1000000x32xf32, #tpu.memory_space<hbm>> -> memref<1000000x32xf32, #tpu.memory_space<hbm>>
        tpu.enqueue_indirect_dma source(%dma_start3A_945 : memref<1000000x32xf32, #tpu.memory_space<hbm>>) target(%dma_start3A_939 : memref<50x32xf32, #tpu.memory_space<vmem>>) offsets(%dma_start3A_942 : memref<50xi32, #tpu.memory_space<vmem>>) semaphore(%arg10 : memref<!tpu.dma_semaphore, #tpu.memory_space<semaphore_mem>>)
        %mul3A_946 = arith.constant 8 : i32
        %mul3A_947 = arith.muli %add3A_929, %mul3A_946 : i32
        %add3A_948 = arith.constant 1 : i32
        %add3A_949 = arith.addi %mul3A_947, %add3A_948 : i32
        %dma_start3A_950 = arith.constant 3 : i32
        %dma_start3A_951 = arith.constant 1 : i32
        %dma_start3A_952 = arith.constant 0 : i32
        %dma_start3A_953 = arith.constant 0 : i32
        %dma_start3A_954 = tpu.memref_slice %arg6[%dma_start3A_950, %dma_start3A_951, %dma_start3A_952, %dma_start3A_953] : memref<4x8x50x32xf32, #tpu.memory_space<vmem>> -> memref<1x1x50x32xf32, #tpu.memory_space<vmem>>
        %dma_start3A_955 = tpu.memref_squeeze %dma_start3A_954 : memref<1x1x50x32xf32, #tpu.memory_space<vmem>> -> memref<50x32xf32, #tpu.memory_space<vmem>>
        %dma_start3A_956 = arith.constant 0 : i32
        %dma_start3A_957 = tpu.memref_slice %arg5[%add3A_949, %dma_start3A_956] : memref<512x50xi32, #tpu.memory_space<vmem>> -> memref<1x50xi32, #tpu.memory_space<vmem>>
        %dma_start3A_958 = tpu.memref_squeeze %dma_start3A_957 : memref<1x50xi32, #tpu.memory_space<vmem>> -> memref<50xi32, #tpu.memory_space<vmem>>
        %dma_start3A_959 = arith.constant 0 : i32
        %dma_start3A_960 = arith.constant 0 : i32
        %dma_start3A_961 = tpu.memref_slice %arg3[%dma_start3A_959, %dma_start3A_960] : memref<1000000x32xf32, #tpu.memory_space<hbm>> -> memref<1000000x32xf32, #tpu.memory_space<hbm>>
        tpu.enqueue_indirect_dma source(%dma_start3A_961 : memref<1000000x32xf32, #tpu.memory_space<hbm>>) target(%dma_start3A_955 : memref<50x32xf32, #tpu.memory_space<vmem>>) offsets(%dma_start3A_958 : memref<50xi32, #tpu.memory_space<vmem>>) semaphore(%arg10 : memref<!tpu.dma_semaphore, #tpu.memory_space<semaphore_mem>>)
        %mul3A_962 = arith.constant 8 : i32
        %mul3A_963 = arith.muli %add3A_929, %mul3A_962 : i32
        %add3A_964 = arith.constant 2 : i32
        %add3A_965 = arith.addi %mul3A_963, %add3A_964 : i32
        %dma_start3A_966 = arith.constant 3 : i32
        %dma_start3A_967 = arith.constant 2 : i32
        %dma_start3A_968 = arith.constant 0 : i32
        %dma_start3A_969 = arith.constant 0 : i32
        %dma_start3A_970 = tpu.memref_slice %arg6[%dma_start3A_966, %dma_start3A_967, %dma_start3A_968, %dma_start3A_969] : memref<4x8x50x32xf32, #tpu.memory_space<vmem>> -> memref<1x1x50x32xf32, #tpu.memory_space<vmem>>
        %dma_start3A_971 = tpu.memref_squeeze %dma_start3A_970 : memref<1x1x50x32xf32, #tpu.memory_space<vmem>> -> memref<50x32xf32, #tpu.memory_space<vmem>>
        %dma_start3A_972 = arith.constant 0 : i32
        %dma_start3A_973 = tpu.memref_slice %arg5[%add3A_965, %dma_start3A_972] : memref<512x50xi32, #tpu.memory_space<vmem>> -> memref<1x50xi32, #tpu.memory_space<vmem>>
        %dma_start3A_974 = tpu.memref_squeeze %dma_start3A_973 : memref<1x50xi32, #tpu.memory_space<vmem>> -> memref<50xi32, #tpu.memory_space<vmem>>
        %dma_start3A_975 = arith.constant 0 : i32
        %dma_start3A_976 = arith.constant 0 : i32
        %dma_start3A_977 = tpu.memref_slice %arg3[%dma_start3A_975, %dma_start3A_976] : memref<1000000x32xf32, #tpu.memory_space<hbm>> -> memref<1000000x32xf32, #tpu.memory_space<hbm>>
        tpu.enqueue_indirect_dma source(%dma_start3A_977 : memref<1000000x32xf32, #tpu.memory_space<hbm>>) target(%dma_start3A_971 : memref<50x32xf32, #tpu.memory_space<vmem>>) offsets(%dma_start3A_974 : memref<50xi32, #tpu.memory_space<vmem>>) semaphore(%arg10 : memref<!tpu.dma_semaphore, #tpu.memory_space<semaphore_mem>>)
        %mul3A_978 = arith.constant 8 : i32
        %mul3A_979 = arith.muli %add3A_929, %mul3A_978 : i32
        %add3A_980 = arith.constant 3 : i32
        %add3A_981 = arith.addi %mul3A_979, %add3A_980 : i32
        %dma_start3A_982 = arith.constant 3 : i32
        %dma_start3A_983 = arith.constant 3 : i32
        %dma_start3A_984 = arith.constant 0 : i32
        %dma_start3A_985 = arith.constant 0 : i32
        %dma_start3A_986 = tpu.memref_slice %arg6[%dma_start3A_982, %dma_start3A_983, %dma_start3A_984, %dma_start3A_985] : memref<4x8x50x32xf32, #tpu.memory_space<vmem>> -> memref<1x1x50x32xf32, #tpu.memory_space<vmem>>
        %dma_start3A_987 = tpu.memref_squeeze %dma_start3A_986 : memref<1x1x50x32xf32, #tpu.memory_space<vmem>> -> memref<50x32xf32, #tpu.memory_space<vmem>>
        %dma_start3A_988 = arith.constant 0 : i32
        %dma_start3A_989 = tpu.memref_slice %arg5[%add3A_981, %dma_start3A_988] : memref<512x50xi32, #tpu.memory_space<vmem>> -> memref<1x50xi32, #tpu.memory_space<vmem>>
        %dma_start3A_990 = tpu.memref_squeeze %dma_start3A_989 : memref<1x50xi32, #tpu.memory_space<vmem>> -> memref<50xi32, #tpu.memory_space<vmem>>
        %dma_start3A_991 = arith.constant 0 : i32
        %dma_start3A_992 = arith.constant 0 : i32
        %dma_start3A_993 = tpu.memref_slice %arg3[%dma_start3A_991, %dma_start3A_992] : memref<1000000x32xf32, #tpu.memory_space<hbm>> -> memref<1000000x32xf32, #tpu.memory_space<hbm>>
        tpu.enqueue_indirect_dma source(%dma_start3A_993 : memref<1000000x32xf32, #tpu.memory_space<hbm>>) target(%dma_start3A_987 : memref<50x32xf32, #tpu.memory_space<vmem>>) offsets(%dma_start3A_990 : memref<50xi32, #tpu.memory_space<vmem>>) semaphore(%arg10 : memref<!tpu.dma_semaphore, #tpu.memory_space<semaphore_mem>>)
        %mul3A_994 = arith.constant 8 : i32
        %mul3A_995 = arith.muli %add3A_929, %mul3A_994 : i32
        %add3A_996 = arith.constant 4 : i32
        %add3A_997 = arith.addi %mul3A_995, %add3A_996 : i32
        %dma_start3A_998 = arith.constant 3 : i32
        %dma_start3A_999 = arith.constant 4 : i32
        %dma_start3A_1000 = arith.constant 0 : i32
        %dma_start3A_1001 = arith.constant 0 : i32
        %dma_start3A_1002 = tpu.memref_slice %arg6[%dma_start3A_998, %dma_start3A_999, %dma_start3A_1000, %dma_start3A_1001] : memref<4x8x50x32xf32, #tpu.memory_space<vmem>> -> memref<1x1x50x32xf32, #tpu.memory_space<vmem>>
        %dma_start3A_1003 = tpu.memref_squeeze %dma_start3A_1002 : memref<1x1x50x32xf32, #tpu.memory_space<vmem>> -> memref<50x32xf32, #tpu.memory_space<vmem>>
        %dma_start3A_1004 = arith.constant 0 : i32
        %dma_start3A_1005 = tpu.memref_slice %arg5[%add3A_997, %dma_start3A_1004] : memref<512x50xi32, #tpu.memory_space<vmem>> -> memref<1x50xi32, #tpu.memory_space<vmem>>
        %dma_start3A_1006 = tpu.memref_squeeze %dma_start3A_1005 : memref<1x50xi32, #tpu.memory_space<vmem>> -> memref<50xi32, #tpu.memory_space<vmem>>
        %dma_start3A_1007 = arith.constant 0 : i32
        %dma_start3A_1008 = arith.constant 0 : i32
        %dma_start3A_1009 = tpu.memref_slice %arg3[%dma_start3A_1007, %dma_start3A_1008] : memref<1000000x32xf32, #tpu.memory_space<hbm>> -> memref<1000000x32xf32, #tpu.memory_space<hbm>>
        tpu.enqueue_indirect_dma source(%dma_start3A_1009 : memref<1000000x32xf32, #tpu.memory_space<hbm>>) target(%dma_start3A_1003 : memref<50x32xf32, #tpu.memory_space<vmem>>) offsets(%dma_start3A_1006 : memref<50xi32, #tpu.memory_space<vmem>>) semaphore(%arg10 : memref<!tpu.dma_semaphore, #tpu.memory_space<semaphore_mem>>)
        %mul3A_1010 = arith.constant 8 : i32
        %mul3A_1011 = arith.muli %add3A_929, %mul3A_1010 : i32
        %add3A_1012 = arith.constant 5 : i32
        %add3A_1013 = arith.addi %mul3A_1011, %add3A_1012 : i32
        %dma_start3A_1014 = arith.constant 3 : i32
        %dma_start3A_1015 = arith.constant 5 : i32
        %dma_start3A_1016 = arith.constant 0 : i32
        %dma_start3A_1017 = arith.constant 0 : i32
        %dma_start3A_1018 = tpu.memref_slice %arg6[%dma_start3A_1014, %dma_start3A_1015, %dma_start3A_1016, %dma_start3A_1017] : memref<4x8x50x32xf32, #tpu.memory_space<vmem>> -> memref<1x1x50x32xf32, #tpu.memory_space<vmem>>
        %dma_start3A_1019 = tpu.memref_squeeze %dma_start3A_1018 : memref<1x1x50x32xf32, #tpu.memory_space<vmem>> -> memref<50x32xf32, #tpu.memory_space<vmem>>
        %dma_start3A_1020 = arith.constant 0 : i32
        %dma_start3A_1021 = tpu.memref_slice %arg5[%add3A_1013, %dma_start3A_1020] : memref<512x50xi32, #tpu.memory_space<vmem>> -> memref<1x50xi32, #tpu.memory_space<vmem>>
        %dma_start3A_1022 = tpu.memref_squeeze %dma_start3A_1021 : memref<1x50xi32, #tpu.memory_space<vmem>> -> memref<50xi32, #tpu.memory_space<vmem>>
        %dma_start3A_1023 = arith.constant 0 : i32
        %dma_start3A_1024 = arith.constant 0 : i32
        %dma_start3A_1025 = tpu.memref_slice %arg3[%dma_start3A_1023, %dma_start3A_1024] : memref<1000000x32xf32, #tpu.memory_space<hbm>> -> memref<1000000x32xf32, #tpu.memory_space<hbm>>
        tpu.enqueue_indirect_dma source(%dma_start3A_1025 : memref<1000000x32xf32, #tpu.memory_space<hbm>>) target(%dma_start3A_1019 : memref<50x32xf32, #tpu.memory_space<vmem>>) offsets(%dma_start3A_1022 : memref<50xi32, #tpu.memory_space<vmem>>) semaphore(%arg10 : memref<!tpu.dma_semaphore, #tpu.memory_space<semaphore_mem>>)
        %mul3A_1026 = arith.constant 8 : i32
        %mul3A_1027 = arith.muli %add3A_929, %mul3A_1026 : i32
        %add3A_1028 = arith.constant 6 : i32
        %add3A_1029 = arith.addi %mul3A_1027, %add3A_1028 : i32
        %dma_start3A_1030 = arith.constant 3 : i32
        %dma_start3A_1031 = arith.constant 6 : i32
        %dma_start3A_1032 = arith.constant 0 : i32
        %dma_start3A_1033 = arith.constant 0 : i32
        %dma_start3A_1034 = tpu.memref_slice %arg6[%dma_start3A_1030, %dma_start3A_1031, %dma_start3A_1032, %dma_start3A_1033] : memref<4x8x50x32xf32, #tpu.memory_space<vmem>> -> memref<1x1x50x32xf32, #tpu.memory_space<vmem>>
        %dma_start3A_1035 = tpu.memref_squeeze %dma_start3A_1034 : memref<1x1x50x32xf32, #tpu.memory_space<vmem>> -> memref<50x32xf32, #tpu.memory_space<vmem>>
        %dma_start3A_1036 = arith.constant 0 : i32
        %dma_start3A_1037 = tpu.memref_slice %arg5[%add3A_1029, %dma_start3A_1036] : memref<512x50xi32, #tpu.memory_space<vmem>> -> memref<1x50xi32, #tpu.memory_space<vmem>>
        %dma_start3A_1038 = tpu.memref_squeeze %dma_start3A_1037 : memref<1x50xi32, #tpu.memory_space<vmem>> -> memref<50xi32, #tpu.memory_space<vmem>>
        %dma_start3A_1039 = arith.constant 0 : i32
        %dma_start3A_1040 = arith.constant 0 : i32
        %dma_start3A_1041 = tpu.memref_slice %arg3[%dma_start3A_1039, %dma_start3A_1040] : memref<1000000x32xf32, #tpu.memory_space<hbm>> -> memref<1000000x32xf32, #tpu.memory_space<hbm>>
        tpu.enqueue_indirect_dma source(%dma_start3A_1041 : memref<1000000x32xf32, #tpu.memory_space<hbm>>) target(%dma_start3A_1035 : memref<50x32xf32, #tpu.memory_space<vmem>>) offsets(%dma_start3A_1038 : memref<50xi32, #tpu.memory_space<vmem>>) semaphore(%arg10 : memref<!tpu.dma_semaphore, #tpu.memory_space<semaphore_mem>>)
        %mul3A_1042 = arith.constant 8 : i32
        %mul3A_1043 = arith.muli %add3A_929, %mul3A_1042 : i32
        %add3A_1044 = arith.constant 7 : i32
        %add3A_1045 = arith.addi %mul3A_1043, %add3A_1044 : i32
        %dma_start3A_1046 = arith.constant 3 : i32
        %dma_start3A_1047 = arith.constant 7 : i32
        %dma_start3A_1048 = arith.constant 0 : i32
        %dma_start3A_1049 = arith.constant 0 : i32
        %dma_start3A_1050 = tpu.memref_slice %arg6[%dma_start3A_1046, %dma_start3A_1047, %dma_start3A_1048, %dma_start3A_1049] : memref<4x8x50x32xf32, #tpu.memory_space<vmem>> -> memref<1x1x50x32xf32, #tpu.memory_space<vmem>>
        %dma_start3A_1051 = tpu.memref_squeeze %dma_start3A_1050 : memref<1x1x50x32xf32, #tpu.memory_space<vmem>> -> memref<50x32xf32, #tpu.memory_space<vmem>>
        %dma_start3A_1052 = arith.constant 0 : i32
        %dma_start3A_1053 = tpu.memref_slice %arg5[%add3A_1045, %dma_start3A_1052] : memref<512x50xi32, #tpu.memory_space<vmem>> -> memref<1x50xi32, #tpu.memory_space<vmem>>
        %dma_start3A_1054 = tpu.memref_squeeze %dma_start3A_1053 : memref<1x50xi32, #tpu.memory_space<vmem>> -> memref<50xi32, #tpu.memory_space<vmem>>
        %dma_start3A_1055 = arith.constant 0 : i32
        %dma_start3A_1056 = arith.constant 0 : i32
        %dma_start3A_1057 = tpu.memref_slice %arg3[%dma_start3A_1055, %dma_start3A_1056] : memref<1000000x32xf32, #tpu.memory_space<hbm>> -> memref<1000000x32xf32, #tpu.memory_space<hbm>>
        tpu.enqueue_indirect_dma source(%dma_start3A_1057 : memref<1000000x32xf32, #tpu.memory_space<hbm>>) target(%dma_start3A_1051 : memref<50x32xf32, #tpu.memory_space<vmem>>) offsets(%dma_start3A_1054 : memref<50xi32, #tpu.memory_space<vmem>>) semaphore(%arg10 : memref<!tpu.dma_semaphore, #tpu.memory_space<semaphore_mem>>)
      } else {
      }
      %mul3A_606 = arith.constant 4 : i32
      %mul3A_607 = arith.muli %scan3A_290, %mul3A_606 : i32
      %add3A_608 = arith.constant 2 : i32
      %add3A_609 = arith.addi %mul3A_607, %add3A_608 : i32
      %dma_wait3A_610 = arith.constant 2 : i32
      %dma_wait3A_611 = arith.constant 0 : i32
      %dma_wait3A_612 = arith.constant 0 : i32
      %dma_wait3A_613 = arith.constant 0 : i32
      %dma_wait3A_614 = tpu.memref_slice %arg6[%dma_wait3A_610, %dma_wait3A_611, %dma_wait3A_612, %dma_wait3A_613] : memref<4x8x50x32xf32, #tpu.memory_space<vmem>> -> memref<1x1x50x32xf32, #tpu.memory_space<vmem>>
      %dma_wait3A_615 = tpu.memref_squeeze %dma_wait3A_614 : memref<1x1x50x32xf32, #tpu.memory_space<vmem>> -> memref<50x32xf32, #tpu.memory_space<vmem>>
      %dma_wait3A_616 = arith.constant 0 : i32
      %dma_wait3A_617 = arith.constant 0 : i32
      %dma_wait3A_618 = tpu.memref_slice %arg3[%dma_wait3A_616, %dma_wait3A_617] : memref<1000000x32xf32, #tpu.memory_space<hbm>> -> memref<50x32xf32, #tpu.memory_space<hbm>>
      %dma_wait3A_619 = arith.constant 0 : i32
      %dma_wait3A_620 = arith.constant 0 : i32
      %dma_wait3A_621 = tpu.memref_slice %arg6[%dma_wait3A_610, %dma_wait3A_611, %dma_wait3A_619, %dma_wait3A_620] : memref<4x8x50x32xf32, #tpu.memory_space<vmem>> -> memref<1x1x50x32xf32, #tpu.memory_space<vmem>>
      %dma_wait3A_622 = tpu.memref_squeeze %dma_wait3A_621 : memref<1x1x50x32xf32, #tpu.memory_space<vmem>> -> memref<50x32xf32, #tpu.memory_space<vmem>>
      %dma_wait3A_623 = arith.constant 0 : i32
      %dma_wait3A_624 = arith.constant 0 : i32
      %dma_wait3A_625 = tpu.memref_slice %arg3[%dma_wait3A_623, %dma_wait3A_624] : memref<1000000x32xf32, #tpu.memory_space<hbm>> -> memref<50x32xf32, #tpu.memory_space<hbm>>
      tpu.wait_dma2 semaphore(%arg9 : memref<!tpu.dma_semaphore, #tpu.memory_space<semaphore_mem>>) src(%dma_wait3A_625 : memref<50x32xf32, #tpu.memory_space<hbm>>) dst(%dma_wait3A_622 : memref<50x32xf32, #tpu.memory_space<vmem>>)
      %dma_wait3A_626 = arith.constant 2 : i32
      %dma_wait3A_627 = arith.constant 1 : i32
      %dma_wait3A_628 = arith.constant 0 : i32
      %dma_wait3A_629 = arith.constant 0 : i32
      %dma_wait3A_630 = tpu.memref_slice %arg6[%dma_wait3A_626, %dma_wait3A_627, %dma_wait3A_628, %dma_wait3A_629] : memref<4x8x50x32xf32, #tpu.memory_space<vmem>> -> memref<1x1x50x32xf32, #tpu.memory_space<vmem>>
      %dma_wait3A_631 = tpu.memref_squeeze %dma_wait3A_630 : memref<1x1x50x32xf32, #tpu.memory_space<vmem>> -> memref<50x32xf32, #tpu.memory_space<vmem>>
      %dma_wait3A_632 = arith.constant 0 : i32
      %dma_wait3A_633 = arith.constant 0 : i32
      %dma_wait3A_634 = tpu.memref_slice %arg3[%dma_wait3A_632, %dma_wait3A_633] : memref<1000000x32xf32, #tpu.memory_space<hbm>> -> memref<50x32xf32, #tpu.memory_space<hbm>>
      %dma_wait3A_635 = arith.constant 0 : i32
      %dma_wait3A_636 = arith.constant 0 : i32
      %dma_wait3A_637 = tpu.memref_slice %arg6[%dma_wait3A_626, %dma_wait3A_627, %dma_wait3A_635, %dma_wait3A_636] : memref<4x8x50x32xf32, #tpu.memory_space<vmem>> -> memref<1x1x50x32xf32, #tpu.memory_space<vmem>>
      %dma_wait3A_638 = tpu.memref_squeeze %dma_wait3A_637 : memref<1x1x50x32xf32, #tpu.memory_space<vmem>> -> memref<50x32xf32, #tpu.memory_space<vmem>>
      %dma_wait3A_639 = arith.constant 0 : i32
      %dma_wait3A_640 = arith.constant 0 : i32
      %dma_wait3A_641 = tpu.memref_slice %arg3[%dma_wait3A_639, %dma_wait3A_640] : memref<1000000x32xf32, #tpu.memory_space<hbm>> -> memref<50x32xf32, #tpu.memory_space<hbm>>
      tpu.wait_dma2 semaphore(%arg9 : memref<!tpu.dma_semaphore, #tpu.memory_space<semaphore_mem>>) src(%dma_wait3A_641 : memref<50x32xf32, #tpu.memory_space<hbm>>) dst(%dma_wait3A_638 : memref<50x32xf32, #tpu.memory_space<vmem>>)
      %dma_wait3A_642 = arith.constant 2 : i32
      %dma_wait3A_643 = arith.constant 2 : i32
      %dma_wait3A_644 = arith.constant 0 : i32
      %dma_wait3A_645 = arith.constant 0 : i32
      %dma_wait3A_646 = tpu.memref_slice %arg6[%dma_wait3A_642, %dma_wait3A_643, %dma_wait3A_644, %dma_wait3A_645] : memref<4x8x50x32xf32, #tpu.memory_space<vmem>> -> memref<1x1x50x32xf32, #tpu.memory_space<vmem>>
      %dma_wait3A_647 = tpu.memref_squeeze %dma_wait3A_646 : memref<1x1x50x32xf32, #tpu.memory_space<vmem>> -> memref<50x32xf32, #tpu.memory_space<vmem>>
      %dma_wait3A_648 = arith.constant 0 : i32
      %dma_wait3A_649 = arith.constant 0 : i32
      %dma_wait3A_650 = tpu.memref_slice %arg3[%dma_wait3A_648, %dma_wait3A_649] : memref<1000000x32xf32, #tpu.memory_space<hbm>> -> memref<50x32xf32, #tpu.memory_space<hbm>>
      %dma_wait3A_651 = arith.constant 0 : i32
      %dma_wait3A_652 = arith.constant 0 : i32
      %dma_wait3A_653 = tpu.memref_slice %arg6[%dma_wait3A_642, %dma_wait3A_643, %dma_wait3A_651, %dma_wait3A_652] : memref<4x8x50x32xf32, #tpu.memory_space<vmem>> -> memref<1x1x50x32xf32, #tpu.memory_space<vmem>>
      %dma_wait3A_654 = tpu.memref_squeeze %dma_wait3A_653 : memref<1x1x50x32xf32, #tpu.memory_space<vmem>> -> memref<50x32xf32, #tpu.memory_space<vmem>>
      %dma_wait3A_655 = arith.constant 0 : i32
      %dma_wait3A_656 = arith.constant 0 : i32
      %dma_wait3A_657 = tpu.memref_slice %arg3[%dma_wait3A_655, %dma_wait3A_656] : memref<1000000x32xf32, #tpu.memory_space<hbm>> -> memref<50x32xf32, #tpu.memory_space<hbm>>
      tpu.wait_dma2 semaphore(%arg9 : memref<!tpu.dma_semaphore, #tpu.memory_space<semaphore_mem>>) src(%dma_wait3A_657 : memref<50x32xf32, #tpu.memory_space<hbm>>) dst(%dma_wait3A_654 : memref<50x32xf32, #tpu.memory_space<vmem>>)
      %dma_wait3A_658 = arith.constant 2 : i32
      %dma_wait3A_659 = arith.constant 3 : i32
      %dma_wait3A_660 = arith.constant 0 : i32
      %dma_wait3A_661 = arith.constant 0 : i32
      %dma_wait3A_662 = tpu.memref_slice %arg6[%dma_wait3A_658, %dma_wait3A_659, %dma_wait3A_660, %dma_wait3A_661] : memref<4x8x50x32xf32, #tpu.memory_space<vmem>> -> memref<1x1x50x32xf32, #tpu.memory_space<vmem>>
      %dma_wait3A_663 = tpu.memref_squeeze %dma_wait3A_662 : memref<1x1x50x32xf32, #tpu.memory_space<vmem>> -> memref<50x32xf32, #tpu.memory_space<vmem>>
      %dma_wait3A_664 = arith.constant 0 : i32
      %dma_wait3A_665 = arith.constant 0 : i32
      %dma_wait3A_666 = tpu.memref_slice %arg3[%dma_wait3A_664, %dma_wait3A_665] : memref<1000000x32xf32, #tpu.memory_space<hbm>> -> memref<50x32xf32, #tpu.memory_space<hbm>>
      %dma_wait3A_667 = arith.constant 0 : i32
      %dma_wait3A_668 = arith.constant 0 : i32
      %dma_wait3A_669 = tpu.memref_slice %arg6[%dma_wait3A_658, %dma_wait3A_659, %dma_wait3A_667, %dma_wait3A_668] : memref<4x8x50x32xf32, #tpu.memory_space<vmem>> -> memref<1x1x50x32xf32, #tpu.memory_space<vmem>>
      %dma_wait3A_670 = tpu.memref_squeeze %dma_wait3A_669 : memref<1x1x50x32xf32, #tpu.memory_space<vmem>> -> memref<50x32xf32, #tpu.memory_space<vmem>>
      %dma_wait3A_671 = arith.constant 0 : i32
      %dma_wait3A_672 = arith.constant 0 : i32
      %dma_wait3A_673 = tpu.memref_slice %arg3[%dma_wait3A_671, %dma_wait3A_672] : memref<1000000x32xf32, #tpu.memory_space<hbm>> -> memref<50x32xf32, #tpu.memory_space<hbm>>
      tpu.wait_dma2 semaphore(%arg9 : memref<!tpu.dma_semaphore, #tpu.memory_space<semaphore_mem>>) src(%dma_wait3A_673 : memref<50x32xf32, #tpu.memory_space<hbm>>) dst(%dma_wait3A_670 : memref<50x32xf32, #tpu.memory_space<vmem>>)
      %dma_wait3A_674 = arith.constant 2 : i32
      %dma_wait3A_675 = arith.constant 4 : i32
      %dma_wait3A_676 = arith.constant 0 : i32
      %dma_wait3A_677 = arith.constant 0 : i32
      %dma_wait3A_678 = tpu.memref_slice %arg6[%dma_wait3A_674, %dma_wait3A_675, %dma_wait3A_676, %dma_wait3A_677] : memref<4x8x50x32xf32, #tpu.memory_space<vmem>> -> memref<1x1x50x32xf32, #tpu.memory_space<vmem>>
      %dma_wait3A_679 = tpu.memref_squeeze %dma_wait3A_678 : memref<1x1x50x32xf32, #tpu.memory_space<vmem>> -> memref<50x32xf32, #tpu.memory_space<vmem>>
      %dma_wait3A_680 = arith.constant 0 : i32
      %dma_wait3A_681 = arith.constant 0 : i32
      %dma_wait3A_682 = tpu.memref_slice %arg3[%dma_wait3A_680, %dma_wait3A_681] : memref<1000000x32xf32, #tpu.memory_space<hbm>> -> memref<50x32xf32, #tpu.memory_space<hbm>>
      %dma_wait3A_683 = arith.constant 0 : i32
      %dma_wait3A_684 = arith.constant 0 : i32
      %dma_wait3A_685 = tpu.memref_slice %arg6[%dma_wait3A_674, %dma_wait3A_675, %dma_wait3A_683, %dma_wait3A_684] : memref<4x8x50x32xf32, #tpu.memory_space<vmem>> -> memref<1x1x50x32xf32, #tpu.memory_space<vmem>>
      %dma_wait3A_686 = tpu.memref_squeeze %dma_wait3A_685 : memref<1x1x50x32xf32, #tpu.memory_space<vmem>> -> memref<50x32xf32, #tpu.memory_space<vmem>>
      %dma_wait3A_687 = arith.constant 0 : i32
      %dma_wait3A_688 = arith.constant 0 : i32
      %dma_wait3A_689 = tpu.memref_slice %arg3[%dma_wait3A_687, %dma_wait3A_688] : memref<1000000x32xf32, #tpu.memory_space<hbm>> -> memref<50x32xf32, #tpu.memory_space<hbm>>
      tpu.wait_dma2 semaphore(%arg9 : memref<!tpu.dma_semaphore, #tpu.memory_space<semaphore_mem>>) src(%dma_wait3A_689 : memref<50x32xf32, #tpu.memory_space<hbm>>) dst(%dma_wait3A_686 : memref<50x32xf32, #tpu.memory_space<vmem>>)
      %dma_wait3A_690 = arith.constant 2 : i32
      %dma_wait3A_691 = arith.constant 5 : i32
      %dma_wait3A_692 = arith.constant 0 : i32
      %dma_wait3A_693 = arith.constant 0 : i32
      %dma_wait3A_694 = tpu.memref_slice %arg6[%dma_wait3A_690, %dma_wait3A_691, %dma_wait3A_692, %dma_wait3A_693] : memref<4x8x50x32xf32, #tpu.memory_space<vmem>> -> memref<1x1x50x32xf32, #tpu.memory_space<vmem>>
      %dma_wait3A_695 = tpu.memref_squeeze %dma_wait3A_694 : memref<1x1x50x32xf32, #tpu.memory_space<vmem>> -> memref<50x32xf32, #tpu.memory_space<vmem>>
      %dma_wait3A_696 = arith.constant 0 : i32
      %dma_wait3A_697 = arith.constant 0 : i32
      %dma_wait3A_698 = tpu.memref_slice %arg3[%dma_wait3A_696, %dma_wait3A_697] : memref<1000000x32xf32, #tpu.memory_space<hbm>> -> memref<50x32xf32, #tpu.memory_space<hbm>>
      %dma_wait3A_699 = arith.constant 0 : i32
      %dma_wait3A_700 = arith.constant 0 : i32
      %dma_wait3A_701 = tpu.memref_slice %arg6[%dma_wait3A_690, %dma_wait3A_691, %dma_wait3A_699, %dma_wait3A_700] : memref<4x8x50x32xf32, #tpu.memory_space<vmem>> -> memref<1x1x50x32xf32, #tpu.memory_space<vmem>>
      %dma_wait3A_702 = tpu.memref_squeeze %dma_wait3A_701 : memref<1x1x50x32xf32, #tpu.memory_space<vmem>> -> memref<50x32xf32, #tpu.memory_space<vmem>>
      %dma_wait3A_703 = arith.constant 0 : i32
      %dma_wait3A_704 = arith.constant 0 : i32
      %dma_wait3A_705 = tpu.memref_slice %arg3[%dma_wait3A_703, %dma_wait3A_704] : memref<1000000x32xf32, #tpu.memory_space<hbm>> -> memref<50x32xf32, #tpu.memory_space<hbm>>
      tpu.wait_dma2 semaphore(%arg9 : memref<!tpu.dma_semaphore, #tpu.memory_space<semaphore_mem>>) src(%dma_wait3A_705 : memref<50x32xf32, #tpu.memory_space<hbm>>) dst(%dma_wait3A_702 : memref<50x32xf32, #tpu.memory_space<vmem>>)
      %dma_wait3A_706 = arith.constant 2 : i32
      %dma_wait3A_707 = arith.constant 6 : i32
      %dma_wait3A_708 = arith.constant 0 : i32
      %dma_wait3A_709 = arith.constant 0 : i32
      %dma_wait3A_710 = tpu.memref_slice %arg6[%dma_wait3A_706, %dma_wait3A_707, %dma_wait3A_708, %dma_wait3A_709] : memref<4x8x50x32xf32, #tpu.memory_space<vmem>> -> memref<1x1x50x32xf32, #tpu.memory_space<vmem>>
      %dma_wait3A_711 = tpu.memref_squeeze %dma_wait3A_710 : memref<1x1x50x32xf32, #tpu.memory_space<vmem>> -> memref<50x32xf32, #tpu.memory_space<vmem>>
      %dma_wait3A_712 = arith.constant 0 : i32
      %dma_wait3A_713 = arith.constant 0 : i32
      %dma_wait3A_714 = tpu.memref_slice %arg3[%dma_wait3A_712, %dma_wait3A_713] : memref<1000000x32xf32, #tpu.memory_space<hbm>> -> memref<50x32xf32, #tpu.memory_space<hbm>>
      %dma_wait3A_715 = arith.constant 0 : i32
      %dma_wait3A_716 = arith.constant 0 : i32
      %dma_wait3A_717 = tpu.memref_slice %arg6[%dma_wait3A_706, %dma_wait3A_707, %dma_wait3A_715, %dma_wait3A_716] : memref<4x8x50x32xf32, #tpu.memory_space<vmem>> -> memref<1x1x50x32xf32, #tpu.memory_space<vmem>>
      %dma_wait3A_718 = tpu.memref_squeeze %dma_wait3A_717 : memref<1x1x50x32xf32, #tpu.memory_space<vmem>> -> memref<50x32xf32, #tpu.memory_space<vmem>>
      %dma_wait3A_719 = arith.constant 0 : i32
      %dma_wait3A_720 = arith.constant 0 : i32
      %dma_wait3A_721 = tpu.memref_slice %arg3[%dma_wait3A_719, %dma_wait3A_720] : memref<1000000x32xf32, #tpu.memory_space<hbm>> -> memref<50x32xf32, #tpu.memory_space<hbm>>
      tpu.wait_dma2 semaphore(%arg9 : memref<!tpu.dma_semaphore, #tpu.memory_space<semaphore_mem>>) src(%dma_wait3A_721 : memref<50x32xf32, #tpu.memory_space<hbm>>) dst(%dma_wait3A_718 : memref<50x32xf32, #tpu.memory_space<vmem>>)
      %dma_wait3A_722 = arith.constant 2 : i32
      %dma_wait3A_723 = arith.constant 7 : i32
      %dma_wait3A_724 = arith.constant 0 : i32
      %dma_wait3A_725 = arith.constant 0 : i32
      %dma_wait3A_726 = tpu.memref_slice %arg6[%dma_wait3A_722, %dma_wait3A_723, %dma_wait3A_724, %dma_wait3A_725] : memref<4x8x50x32xf32, #tpu.memory_space<vmem>> -> memref<1x1x50x32xf32, #tpu.memory_space<vmem>>
      %dma_wait3A_727 = tpu.memref_squeeze %dma_wait3A_726 : memref<1x1x50x32xf32, #tpu.memory_space<vmem>> -> memref<50x32xf32, #tpu.memory_space<vmem>>
      %dma_wait3A_728 = arith.constant 0 : i32
      %dma_wait3A_729 = arith.constant 0 : i32
      %dma_wait3A_730 = tpu.memref_slice %arg3[%dma_wait3A_728, %dma_wait3A_729] : memref<1000000x32xf32, #tpu.memory_space<hbm>> -> memref<50x32xf32, #tpu.memory_space<hbm>>
      %dma_wait3A_731 = arith.constant 0 : i32
      %dma_wait3A_732 = arith.constant 0 : i32
      %dma_wait3A_733 = tpu.memref_slice %arg6[%dma_wait3A_722, %dma_wait3A_723, %dma_wait3A_731, %dma_wait3A_732] : memref<4x8x50x32xf32, #tpu.memory_space<vmem>> -> memref<1x1x50x32xf32, #tpu.memory_space<vmem>>
      %dma_wait3A_734 = tpu.memref_squeeze %dma_wait3A_733 : memref<1x1x50x32xf32, #tpu.memory_space<vmem>> -> memref<50x32xf32, #tpu.memory_space<vmem>>
      %dma_wait3A_735 = arith.constant 0 : i32
      %dma_wait3A_736 = arith.constant 0 : i32
      %dma_wait3A_737 = tpu.memref_slice %arg3[%dma_wait3A_735, %dma_wait3A_736] : memref<1000000x32xf32, #tpu.memory_space<hbm>> -> memref<50x32xf32, #tpu.memory_space<hbm>>
      tpu.wait_dma2 semaphore(%arg9 : memref<!tpu.dma_semaphore, #tpu.memory_space<semaphore_mem>>) src(%dma_wait3A_737 : memref<50x32xf32, #tpu.memory_space<hbm>>) dst(%dma_wait3A_734 : memref<50x32xf32, #tpu.memory_space<vmem>>)
      %mul3A_738 = arith.constant 8 : i32
      %mul3A_739 = arith.muli %add3A_609, %mul3A_738 : i32
      %add3A_740 = arith.addi %mul3A_2, %mul3A_739 : i32
      %dma_start3A_741 = arith.constant 2 : i32
      %dma_start3A_742 = arith.constant 0 : i32
      %dma_start3A_743 = arith.constant 0 : i32
      %dma_start3A_744 = arith.constant 0 : i32
      %dma_start3A_745 = tpu.memref_slice %arg6[%dma_start3A_741, %dma_start3A_742, %dma_start3A_743, %dma_start3A_744] : memref<4x8x50x32xf32, #tpu.memory_space<vmem>> -> memref<1x8x50x32xf32, #tpu.memory_space<vmem>>
      %dma_start3A_746 = tpu.memref_squeeze %dma_start3A_745 : memref<1x8x50x32xf32, #tpu.memory_space<vmem>> -> memref<8x50x32xf32, #tpu.memory_space<vmem>>
      %dma_start3A_747 = arith.constant 0 : i32
      %dma_start3A_748 = arith.constant 0 : i32
      %dma_start3A_749 = tpu.memref_slice %arg4[%add3A_740, %dma_start3A_747, %dma_start3A_748] : memref<16384x50x32xf32, #tpu.memory_space<hbm>> -> memref<8x50x32xf32, #tpu.memory_space<hbm>>
      %dma_start3A_750 = arith.constant 0 : i32
      %dma_start3A_751 = arith.constant 0 : i32
      %dma_start3A_752 = tpu.memref_slice %arg4[%add3A_740, %dma_start3A_750, %dma_start3A_751] : memref<16384x50x32xf32, #tpu.memory_space<hbm>> -> memref<8x50x32xf32, #tpu.memory_space<hbm>>
      %dma_start3A_753 = arith.constant 0 : i32
      %dma_start3A_754 = arith.constant 0 : i32
      %dma_start3A_755 = arith.constant 0 : i32
      %dma_start3A_756 = tpu.memref_slice %arg6[%dma_start3A_741, %dma_start3A_753, %dma_start3A_754, %dma_start3A_755] : memref<4x8x50x32xf32, #tpu.memory_space<vmem>> -> memref<1x8x50x32xf32, #tpu.memory_space<vmem>>
      %dma_start3A_757 = tpu.memref_squeeze %dma_start3A_756 : memref<1x8x50x32xf32, #tpu.memory_space<vmem>> -> memref<8x50x32xf32, #tpu.memory_space<vmem>>
      tpu.enqueue_dma source(%dma_start3A_757 : memref<8x50x32xf32, #tpu.memory_space<vmem>>) target(%dma_start3A_752 : memref<8x50x32xf32, #tpu.memory_space<hbm>>) target_semaphore(%arg13 : memref<!tpu.dma_semaphore, #tpu.memory_space<semaphore_mem>>)
      %add3A_758 = arith.constant 2 : i32
      %add3A_759 = arith.addi %add3A_609, %add3A_758 : i32
      %lt3A_760 = arith.constant 64 : i32
      %lt3A_761 = arith.cmpi slt, %add3A_759, %lt3A_760 : i32
      %convert_element_type3A_762 = arith.extui %lt3A_761 : i1 to i32
      %cond3A_763 = arith.constant 0 : i32
      %cond3A_764 = arith.cmpi ne, %convert_element_type3A_762, %cond3A_763 : i32
      scf.if %cond3A_764 {
        %ge3A = arith.constant 2 : i32
        %ge3A_924 = arith.cmpi sge, %add3A_609, %ge3A : i32
        %convert_element_type3A_925 = arith.extui %ge3A_924 : i1 to i32
        %cond3A_926 = arith.constant 0 : i32
        %cond3A_927 = arith.cmpi ne, %convert_element_type3A_925, %cond3A_926 : i32
        scf.if %cond3A_927 {
          %sub3A = arith.constant 2 : i32
          %sub3A_1058 = arith.subi %add3A_609, %sub3A : i32
          %mul3A_1059 = arith.constant 8 : i32
          %mul3A_1060 = arith.muli %sub3A_1058, %mul3A_1059 : i32
          %add3A_1061 = arith.addi %mul3A_2, %mul3A_1060 : i32
          %dma_wait3A_1062 = arith.constant 0 : i32
          %dma_wait3A_1063 = arith.constant 0 : i32
          %dma_wait3A_1064 = arith.constant 0 : i32
          %dma_wait3A_1065 = arith.constant 0 : i32
          %dma_wait3A_1066 = tpu.memref_slice %arg6[%dma_wait3A_1062, %dma_wait3A_1063, %dma_wait3A_1064, %dma_wait3A_1065] : memref<4x8x50x32xf32, #tpu.memory_space<vmem>> -> memref<1x8x50x32xf32, #tpu.memory_space<vmem>>
          %dma_wait3A_1067 = tpu.memref_squeeze %dma_wait3A_1066 : memref<1x8x50x32xf32, #tpu.memory_space<vmem>> -> memref<8x50x32xf32, #tpu.memory_space<vmem>>
          %dma_wait3A_1068 = arith.constant 0 : i32
          %dma_wait3A_1069 = arith.constant 0 : i32
          %dma_wait3A_1070 = tpu.memref_slice %arg4[%add3A_1061, %dma_wait3A_1068, %dma_wait3A_1069] : memref<16384x50x32xf32, #tpu.memory_space<hbm>> -> memref<8x50x32xf32, #tpu.memory_space<hbm>>
          %dma_wait3A_1071 = arith.constant 0 : i32
          %dma_wait3A_1072 = arith.constant 0 : i32
          %dma_wait3A_1073 = tpu.memref_slice %arg4[%add3A_1061, %dma_wait3A_1071, %dma_wait3A_1072] : memref<16384x50x32xf32, #tpu.memory_space<hbm>> -> memref<8x50x32xf32, #tpu.memory_space<hbm>>
          %dma_wait3A_1074 = arith.constant 0 : i32
          %dma_wait3A_1075 = arith.constant 0 : i32
          %dma_wait3A_1076 = arith.constant 0 : i32
          %dma_wait3A_1077 = tpu.memref_slice %arg6[%dma_wait3A_1062, %dma_wait3A_1074, %dma_wait3A_1075, %dma_wait3A_1076] : memref<4x8x50x32xf32, #tpu.memory_space<vmem>> -> memref<1x8x50x32xf32, #tpu.memory_space<vmem>>
          %dma_wait3A_1078 = tpu.memref_squeeze %dma_wait3A_1077 : memref<1x8x50x32xf32, #tpu.memory_space<vmem>> -> memref<8x50x32xf32, #tpu.memory_space<vmem>>
          tpu.wait_dma2 semaphore(%arg11 : memref<!tpu.dma_semaphore, #tpu.memory_space<semaphore_mem>>) src(%dma_wait3A_1078 : memref<8x50x32xf32, #tpu.memory_space<vmem>>) dst(%dma_wait3A_1073 : memref<8x50x32xf32, #tpu.memory_space<hbm>>)
        } else {
        }
        %add3A_928 = arith.constant 2 : i32
        %add3A_929 = arith.addi %add3A_609, %add3A_928 : i32
        %mul3A_930 = arith.constant 8 : i32
        %mul3A_931 = arith.muli %add3A_929, %mul3A_930 : i32
        %add3A_932 = arith.constant 0 : i32
        %add3A_933 = arith.addi %mul3A_931, %add3A_932 : i32
        %dma_start3A_934 = arith.constant 0 : i32
        %dma_start3A_935 = arith.constant 0 : i32
        %dma_start3A_936 = arith.constant 0 : i32
        %dma_start3A_937 = arith.constant 0 : i32
        %dma_start3A_938 = tpu.memref_slice %arg6[%dma_start3A_934, %dma_start3A_935, %dma_start3A_936, %dma_start3A_937] : memref<4x8x50x32xf32, #tpu.memory_space<vmem>> -> memref<1x1x50x32xf32, #tpu.memory_space<vmem>>
        %dma_start3A_939 = tpu.memref_squeeze %dma_start3A_938 : memref<1x1x50x32xf32, #tpu.memory_space<vmem>> -> memref<50x32xf32, #tpu.memory_space<vmem>>
        %dma_start3A_940 = arith.constant 0 : i32
        %dma_start3A_941 = tpu.memref_slice %arg5[%add3A_933, %dma_start3A_940] : memref<512x50xi32, #tpu.memory_space<vmem>> -> memref<1x50xi32, #tpu.memory_space<vmem>>
        %dma_start3A_942 = tpu.memref_squeeze %dma_start3A_941 : memref<1x50xi32, #tpu.memory_space<vmem>> -> memref<50xi32, #tpu.memory_space<vmem>>
        %dma_start3A_943 = arith.constant 0 : i32
        %dma_start3A_944 = arith.constant 0 : i32
        %dma_start3A_945 = tpu.memref_slice %arg3[%dma_start3A_943, %dma_start3A_944] : memref<1000000x32xf32, #tpu.memory_space<hbm>> -> memref<1000000x32xf32, #tpu.memory_space<hbm>>
        tpu.enqueue_indirect_dma source(%dma_start3A_945 : memref<1000000x32xf32, #tpu.memory_space<hbm>>) target(%dma_start3A_939 : memref<50x32xf32, #tpu.memory_space<vmem>>) offsets(%dma_start3A_942 : memref<50xi32, #tpu.memory_space<vmem>>) semaphore(%arg7 : memref<!tpu.dma_semaphore, #tpu.memory_space<semaphore_mem>>)
        %mul3A_946 = arith.constant 8 : i32
        %mul3A_947 = arith.muli %add3A_929, %mul3A_946 : i32
        %add3A_948 = arith.constant 1 : i32
        %add3A_949 = arith.addi %mul3A_947, %add3A_948 : i32
        %dma_start3A_950 = arith.constant 0 : i32
        %dma_start3A_951 = arith.constant 1 : i32
        %dma_start3A_952 = arith.constant 0 : i32
        %dma_start3A_953 = arith.constant 0 : i32
        %dma_start3A_954 = tpu.memref_slice %arg6[%dma_start3A_950, %dma_start3A_951, %dma_start3A_952, %dma_start3A_953] : memref<4x8x50x32xf32, #tpu.memory_space<vmem>> -> memref<1x1x50x32xf32, #tpu.memory_space<vmem>>
        %dma_start3A_955 = tpu.memref_squeeze %dma_start3A_954 : memref<1x1x50x32xf32, #tpu.memory_space<vmem>> -> memref<50x32xf32, #tpu.memory_space<vmem>>
        %dma_start3A_956 = arith.constant 0 : i32
        %dma_start3A_957 = tpu.memref_slice %arg5[%add3A_949, %dma_start3A_956] : memref<512x50xi32, #tpu.memory_space<vmem>> -> memref<1x50xi32, #tpu.memory_space<vmem>>
        %dma_start3A_958 = tpu.memref_squeeze %dma_start3A_957 : memref<1x50xi32, #tpu.memory_space<vmem>> -> memref<50xi32, #tpu.memory_space<vmem>>
        %dma_start3A_959 = arith.constant 0 : i32
        %dma_start3A_960 = arith.constant 0 : i32
        %dma_start3A_961 = tpu.memref_slice %arg3[%dma_start3A_959, %dma_start3A_960] : memref<1000000x32xf32, #tpu.memory_space<hbm>> -> memref<1000000x32xf32, #tpu.memory_space<hbm>>
        tpu.enqueue_indirect_dma source(%dma_start3A_961 : memref<1000000x32xf32, #tpu.memory_space<hbm>>) target(%dma_start3A_955 : memref<50x32xf32, #tpu.memory_space<vmem>>) offsets(%dma_start3A_958 : memref<50xi32, #tpu.memory_space<vmem>>) semaphore(%arg7 : memref<!tpu.dma_semaphore, #tpu.memory_space<semaphore_mem>>)
        %mul3A_962 = arith.constant 8 : i32
        %mul3A_963 = arith.muli %add3A_929, %mul3A_962 : i32
        %add3A_964 = arith.constant 2 : i32
        %add3A_965 = arith.addi %mul3A_963, %add3A_964 : i32
        %dma_start3A_966 = arith.constant 0 : i32
        %dma_start3A_967 = arith.constant 2 : i32
        %dma_start3A_968 = arith.constant 0 : i32
        %dma_start3A_969 = arith.constant 0 : i32
        %dma_start3A_970 = tpu.memref_slice %arg6[%dma_start3A_966, %dma_start3A_967, %dma_start3A_968, %dma_start3A_969] : memref<4x8x50x32xf32, #tpu.memory_space<vmem>> -> memref<1x1x50x32xf32, #tpu.memory_space<vmem>>
        %dma_start3A_971 = tpu.memref_squeeze %dma_start3A_970 : memref<1x1x50x32xf32, #tpu.memory_space<vmem>> -> memref<50x32xf32, #tpu.memory_space<vmem>>
        %dma_start3A_972 = arith.constant 0 : i32
        %dma_start3A_973 = tpu.memref_slice %arg5[%add3A_965, %dma_start3A_972] : memref<512x50xi32, #tpu.memory_space<vmem>> -> memref<1x50xi32, #tpu.memory_space<vmem>>
        %dma_start3A_974 = tpu.memref_squeeze %dma_start3A_973 : memref<1x50xi32, #tpu.memory_space<vmem>> -> memref<50xi32, #tpu.memory_space<vmem>>
        %dma_start3A_975 = arith.constant 0 : i32
        %dma_start3A_976 = arith.constant 0 : i32
        %dma_start3A_977 = tpu.memref_slice %arg3[%dma_start3A_975, %dma_start3A_976] : memref<1000000x32xf32, #tpu.memory_space<hbm>> -> memref<1000000x32xf32, #tpu.memory_space<hbm>>
        tpu.enqueue_indirect_dma source(%dma_start3A_977 : memref<1000000x32xf32, #tpu.memory_space<hbm>>) target(%dma_start3A_971 : memref<50x32xf32, #tpu.memory_space<vmem>>) offsets(%dma_start3A_974 : memref<50xi32, #tpu.memory_space<vmem>>) semaphore(%arg7 : memref<!tpu.dma_semaphore, #tpu.memory_space<semaphore_mem>>)
        %mul3A_978 = arith.constant 8 : i32
        %mul3A_979 = arith.muli %add3A_929, %mul3A_978 : i32
        %add3A_980 = arith.constant 3 : i32
        %add3A_981 = arith.addi %mul3A_979, %add3A_980 : i32
        %dma_start3A_982 = arith.constant 0 : i32
        %dma_start3A_983 = arith.constant 3 : i32
        %dma_start3A_984 = arith.constant 0 : i32
        %dma_start3A_985 = arith.constant 0 : i32
        %dma_start3A_986 = tpu.memref_slice %arg6[%dma_start3A_982, %dma_start3A_983, %dma_start3A_984, %dma_start3A_985] : memref<4x8x50x32xf32, #tpu.memory_space<vmem>> -> memref<1x1x50x32xf32, #tpu.memory_space<vmem>>
        %dma_start3A_987 = tpu.memref_squeeze %dma_start3A_986 : memref<1x1x50x32xf32, #tpu.memory_space<vmem>> -> memref<50x32xf32, #tpu.memory_space<vmem>>
        %dma_start3A_988 = arith.constant 0 : i32
        %dma_start3A_989 = tpu.memref_slice %arg5[%add3A_981, %dma_start3A_988] : memref<512x50xi32, #tpu.memory_space<vmem>> -> memref<1x50xi32, #tpu.memory_space<vmem>>
        %dma_start3A_990 = tpu.memref_squeeze %dma_start3A_989 : memref<1x50xi32, #tpu.memory_space<vmem>> -> memref<50xi32, #tpu.memory_space<vmem>>
        %dma_start3A_991 = arith.constant 0 : i32
        %dma_start3A_992 = arith.constant 0 : i32
        %dma_start3A_993 = tpu.memref_slice %arg3[%dma_start3A_991, %dma_start3A_992] : memref<1000000x32xf32, #tpu.memory_space<hbm>> -> memref<1000000x32xf32, #tpu.memory_space<hbm>>
        tpu.enqueue_indirect_dma source(%dma_start3A_993 : memref<1000000x32xf32, #tpu.memory_space<hbm>>) target(%dma_start3A_987 : memref<50x32xf32, #tpu.memory_space<vmem>>) offsets(%dma_start3A_990 : memref<50xi32, #tpu.memory_space<vmem>>) semaphore(%arg7 : memref<!tpu.dma_semaphore, #tpu.memory_space<semaphore_mem>>)
        %mul3A_994 = arith.constant 8 : i32
        %mul3A_995 = arith.muli %add3A_929, %mul3A_994 : i32
        %add3A_996 = arith.constant 4 : i32
        %add3A_997 = arith.addi %mul3A_995, %add3A_996 : i32
        %dma_start3A_998 = arith.constant 0 : i32
        %dma_start3A_999 = arith.constant 4 : i32
        %dma_start3A_1000 = arith.constant 0 : i32
        %dma_start3A_1001 = arith.constant 0 : i32
        %dma_start3A_1002 = tpu.memref_slice %arg6[%dma_start3A_998, %dma_start3A_999, %dma_start3A_1000, %dma_start3A_1001] : memref<4x8x50x32xf32, #tpu.memory_space<vmem>> -> memref<1x1x50x32xf32, #tpu.memory_space<vmem>>
        %dma_start3A_1003 = tpu.memref_squeeze %dma_start3A_1002 : memref<1x1x50x32xf32, #tpu.memory_space<vmem>> -> memref<50x32xf32, #tpu.memory_space<vmem>>
        %dma_start3A_1004 = arith.constant 0 : i32
        %dma_start3A_1005 = tpu.memref_slice %arg5[%add3A_997, %dma_start3A_1004] : memref<512x50xi32, #tpu.memory_space<vmem>> -> memref<1x50xi32, #tpu.memory_space<vmem>>
        %dma_start3A_1006 = tpu.memref_squeeze %dma_start3A_1005 : memref<1x50xi32, #tpu.memory_space<vmem>> -> memref<50xi32, #tpu.memory_space<vmem>>
        %dma_start3A_1007 = arith.constant 0 : i32
        %dma_start3A_1008 = arith.constant 0 : i32
        %dma_start3A_1009 = tpu.memref_slice %arg3[%dma_start3A_1007, %dma_start3A_1008] : memref<1000000x32xf32, #tpu.memory_space<hbm>> -> memref<1000000x32xf32, #tpu.memory_space<hbm>>
        tpu.enqueue_indirect_dma source(%dma_start3A_1009 : memref<1000000x32xf32, #tpu.memory_space<hbm>>) target(%dma_start3A_1003 : memref<50x32xf32, #tpu.memory_space<vmem>>) offsets(%dma_start3A_1006 : memref<50xi32, #tpu.memory_space<vmem>>) semaphore(%arg7 : memref<!tpu.dma_semaphore, #tpu.memory_space<semaphore_mem>>)
        %mul3A_1010 = arith.constant 8 : i32
        %mul3A_1011 = arith.muli %add3A_929, %mul3A_1010 : i32
        %add3A_1012 = arith.constant 5 : i32
        %add3A_1013 = arith.addi %mul3A_1011, %add3A_1012 : i32
        %dma_start3A_1014 = arith.constant 0 : i32
        %dma_start3A_1015 = arith.constant 5 : i32
        %dma_start3A_1016 = arith.constant 0 : i32
        %dma_start3A_1017 = arith.constant 0 : i32
        %dma_start3A_1018 = tpu.memref_slice %arg6[%dma_start3A_1014, %dma_start3A_1015, %dma_start3A_1016, %dma_start3A_1017] : memref<4x8x50x32xf32, #tpu.memory_space<vmem>> -> memref<1x1x50x32xf32, #tpu.memory_space<vmem>>
        %dma_start3A_1019 = tpu.memref_squeeze %dma_start3A_1018 : memref<1x1x50x32xf32, #tpu.memory_space<vmem>> -> memref<50x32xf32, #tpu.memory_space<vmem>>
        %dma_start3A_1020 = arith.constant 0 : i32
        %dma_start3A_1021 = tpu.memref_slice %arg5[%add3A_1013, %dma_start3A_1020] : memref<512x50xi32, #tpu.memory_space<vmem>> -> memref<1x50xi32, #tpu.memory_space<vmem>>
        %dma_start3A_1022 = tpu.memref_squeeze %dma_start3A_1021 : memref<1x50xi32, #tpu.memory_space<vmem>> -> memref<50xi32, #tpu.memory_space<vmem>>
        %dma_start3A_1023 = arith.constant 0 : i32
        %dma_start3A_1024 = arith.constant 0 : i32
        %dma_start3A_1025 = tpu.memref_slice %arg3[%dma_start3A_1023, %dma_start3A_1024] : memref<1000000x32xf32, #tpu.memory_space<hbm>> -> memref<1000000x32xf32, #tpu.memory_space<hbm>>
        tpu.enqueue_indirect_dma source(%dma_start3A_1025 : memref<1000000x32xf32, #tpu.memory_space<hbm>>) target(%dma_start3A_1019 : memref<50x32xf32, #tpu.memory_space<vmem>>) offsets(%dma_start3A_1022 : memref<50xi32, #tpu.memory_space<vmem>>) semaphore(%arg7 : memref<!tpu.dma_semaphore, #tpu.memory_space<semaphore_mem>>)
        %mul3A_1026 = arith.constant 8 : i32
        %mul3A_1027 = arith.muli %add3A_929, %mul3A_1026 : i32
        %add3A_1028 = arith.constant 6 : i32
        %add3A_1029 = arith.addi %mul3A_1027, %add3A_1028 : i32
        %dma_start3A_1030 = arith.constant 0 : i32
        %dma_start3A_1031 = arith.constant 6 : i32
        %dma_start3A_1032 = arith.constant 0 : i32
        %dma_start3A_1033 = arith.constant 0 : i32
        %dma_start3A_1034 = tpu.memref_slice %arg6[%dma_start3A_1030, %dma_start3A_1031, %dma_start3A_1032, %dma_start3A_1033] : memref<4x8x50x32xf32, #tpu.memory_space<vmem>> -> memref<1x1x50x32xf32, #tpu.memory_space<vmem>>
        %dma_start3A_1035 = tpu.memref_squeeze %dma_start3A_1034 : memref<1x1x50x32xf32, #tpu.memory_space<vmem>> -> memref<50x32xf32, #tpu.memory_space<vmem>>
        %dma_start3A_1036 = arith.constant 0 : i32
        %dma_start3A_1037 = tpu.memref_slice %arg5[%add3A_1029, %dma_start3A_1036] : memref<512x50xi32, #tpu.memory_space<vmem>> -> memref<1x50xi32, #tpu.memory_space<vmem>>
        %dma_start3A_1038 = tpu.memref_squeeze %dma_start3A_1037 : memref<1x50xi32, #tpu.memory_space<vmem>> -> memref<50xi32, #tpu.memory_space<vmem>>
        %dma_start3A_1039 = arith.constant 0 : i32
        %dma_start3A_1040 = arith.constant 0 : i32
        %dma_start3A_1041 = tpu.memref_slice %arg3[%dma_start3A_1039, %dma_start3A_1040] : memref<1000000x32xf32, #tpu.memory_space<hbm>> -> memref<1000000x32xf32, #tpu.memory_space<hbm>>
        tpu.enqueue_indirect_dma source(%dma_start3A_1041 : memref<1000000x32xf32, #tpu.memory_space<hbm>>) target(%dma_start3A_1035 : memref<50x32xf32, #tpu.memory_space<vmem>>) offsets(%dma_start3A_1038 : memref<50xi32, #tpu.memory_space<vmem>>) semaphore(%arg7 : memref<!tpu.dma_semaphore, #tpu.memory_space<semaphore_mem>>)
        %mul3A_1042 = arith.constant 8 : i32
        %mul3A_1043 = arith.muli %add3A_929, %mul3A_1042 : i32
        %add3A_1044 = arith.constant 7 : i32
        %add3A_1045 = arith.addi %mul3A_1043, %add3A_1044 : i32
        %dma_start3A_1046 = arith.constant 0 : i32
        %dma_start3A_1047 = arith.constant 7 : i32
        %dma_start3A_1048 = arith.constant 0 : i32
        %dma_start3A_1049 = arith.constant 0 : i32
        %dma_start3A_1050 = tpu.memref_slice %arg6[%dma_start3A_1046, %dma_start3A_1047, %dma_start3A_1048, %dma_start3A_1049] : memref<4x8x50x32xf32, #tpu.memory_space<vmem>> -> memref<1x1x50x32xf32, #tpu.memory_space<vmem>>
        %dma_start3A_1051 = tpu.memref_squeeze %dma_start3A_1050 : memref<1x1x50x32xf32, #tpu.memory_space<vmem>> -> memref<50x32xf32, #tpu.memory_space<vmem>>
        %dma_start3A_1052 = arith.constant 0 : i32
        %dma_start3A_1053 = tpu.memref_slice %arg5[%add3A_1045, %dma_start3A_1052] : memref<512x50xi32, #tpu.memory_space<vmem>> -> memref<1x50xi32, #tpu.memory_space<vmem>>
        %dma_start3A_1054 = tpu.memref_squeeze %dma_start3A_1053 : memref<1x50xi32, #tpu.memory_space<vmem>> -> memref<50xi32, #tpu.memory_space<vmem>>
        %dma_start3A_1055 = arith.constant 0 : i32
        %dma_start3A_1056 = arith.constant 0 : i32
        %dma_start3A_1057 = tpu.memref_slice %arg3[%dma_start3A_1055, %dma_start3A_1056] : memref<1000000x32xf32, #tpu.memory_space<hbm>> -> memref<1000000x32xf32, #tpu.memory_space<hbm>>
        tpu.enqueue_indirect_dma source(%dma_start3A_1057 : memref<1000000x32xf32, #tpu.memory_space<hbm>>) target(%dma_start3A_1051 : memref<50x32xf32, #tpu.memory_space<vmem>>) offsets(%dma_start3A_1054 : memref<50xi32, #tpu.memory_space<vmem>>) semaphore(%arg7 : memref<!tpu.dma_semaphore, #tpu.memory_space<semaphore_mem>>)
      } else {
      }
      %mul3A_765 = arith.constant 4 : i32
      %mul3A_766 = arith.muli %scan3A_290, %mul3A_765 : i32
      %add3A_767 = arith.constant 3 : i32
      %add3A_768 = arith.addi %mul3A_766, %add3A_767 : i32
      %dma_wait3A_769 = arith.constant 3 : i32
      %dma_wait3A_770 = arith.constant 0 : i32
      %dma_wait3A_771 = arith.constant 0 : i32
      %dma_wait3A_772 = arith.constant 0 : i32
      %dma_wait3A_773 = tpu.memref_slice %arg6[%dma_wait3A_769, %dma_wait3A_770, %dma_wait3A_771, %dma_wait3A_772] : memref<4x8x50x32xf32, #tpu.memory_space<vmem>> -> memref<1x1x50x32xf32, #tpu.memory_space<vmem>>
      %dma_wait3A_774 = tpu.memref_squeeze %dma_wait3A_773 : memref<1x1x50x32xf32, #tpu.memory_space<vmem>> -> memref<50x32xf32, #tpu.memory_space<vmem>>
      %dma_wait3A_775 = arith.constant 0 : i32
      %dma_wait3A_776 = arith.constant 0 : i32
      %dma_wait3A_777 = tpu.memref_slice %arg3[%dma_wait3A_775, %dma_wait3A_776] : memref<1000000x32xf32, #tpu.memory_space<hbm>> -> memref<50x32xf32, #tpu.memory_space<hbm>>
      %dma_wait3A_778 = arith.constant 0 : i32
      %dma_wait3A_779 = arith.constant 0 : i32
      %dma_wait3A_780 = tpu.memref_slice %arg6[%dma_wait3A_769, %dma_wait3A_770, %dma_wait3A_778, %dma_wait3A_779] : memref<4x8x50x32xf32, #tpu.memory_space<vmem>> -> memref<1x1x50x32xf32, #tpu.memory_space<vmem>>
      %dma_wait3A_781 = tpu.memref_squeeze %dma_wait3A_780 : memref<1x1x50x32xf32, #tpu.memory_space<vmem>> -> memref<50x32xf32, #tpu.memory_space<vmem>>
      %dma_wait3A_782 = arith.constant 0 : i32
      %dma_wait3A_783 = arith.constant 0 : i32
      %dma_wait3A_784 = tpu.memref_slice %arg3[%dma_wait3A_782, %dma_wait3A_783] : memref<1000000x32xf32, #tpu.memory_space<hbm>> -> memref<50x32xf32, #tpu.memory_space<hbm>>
      tpu.wait_dma2 semaphore(%arg10 : memref<!tpu.dma_semaphore, #tpu.memory_space<semaphore_mem>>) src(%dma_wait3A_784 : memref<50x32xf32, #tpu.memory_space<hbm>>) dst(%dma_wait3A_781 : memref<50x32xf32, #tpu.memory_space<vmem>>)
      %dma_wait3A_785 = arith.constant 3 : i32
      %dma_wait3A_786 = arith.constant 1 : i32
      %dma_wait3A_787 = arith.constant 0 : i32
      %dma_wait3A_788 = arith.constant 0 : i32
      %dma_wait3A_789 = tpu.memref_slice %arg6[%dma_wait3A_785, %dma_wait3A_786, %dma_wait3A_787, %dma_wait3A_788] : memref<4x8x50x32xf32, #tpu.memory_space<vmem>> -> memref<1x1x50x32xf32, #tpu.memory_space<vmem>>
      %dma_wait3A_790 = tpu.memref_squeeze %dma_wait3A_789 : memref<1x1x50x32xf32, #tpu.memory_space<vmem>> -> memref<50x32xf32, #tpu.memory_space<vmem>>
      %dma_wait3A_791 = arith.constant 0 : i32
      %dma_wait3A_792 = arith.constant 0 : i32
      %dma_wait3A_793 = tpu.memref_slice %arg3[%dma_wait3A_791, %dma_wait3A_792] : memref<1000000x32xf32, #tpu.memory_space<hbm>> -> memref<50x32xf32, #tpu.memory_space<hbm>>
      %dma_wait3A_794 = arith.constant 0 : i32
      %dma_wait3A_795 = arith.constant 0 : i32
      %dma_wait3A_796 = tpu.memref_slice %arg6[%dma_wait3A_785, %dma_wait3A_786, %dma_wait3A_794, %dma_wait3A_795] : memref<4x8x50x32xf32, #tpu.memory_space<vmem>> -> memref<1x1x50x32xf32, #tpu.memory_space<vmem>>
      %dma_wait3A_797 = tpu.memref_squeeze %dma_wait3A_796 : memref<1x1x50x32xf32, #tpu.memory_space<vmem>> -> memref<50x32xf32, #tpu.memory_space<vmem>>
      %dma_wait3A_798 = arith.constant 0 : i32
      %dma_wait3A_799 = arith.constant 0 : i32
      %dma_wait3A_800 = tpu.memref_slice %arg3[%dma_wait3A_798, %dma_wait3A_799] : memref<1000000x32xf32, #tpu.memory_space<hbm>> -> memref<50x32xf32, #tpu.memory_space<hbm>>
      tpu.wait_dma2 semaphore(%arg10 : memref<!tpu.dma_semaphore, #tpu.memory_space<semaphore_mem>>) src(%dma_wait3A_800 : memref<50x32xf32, #tpu.memory_space<hbm>>) dst(%dma_wait3A_797 : memref<50x32xf32, #tpu.memory_space<vmem>>)
      %dma_wait3A_801 = arith.constant 3 : i32
      %dma_wait3A_802 = arith.constant 2 : i32
      %dma_wait3A_803 = arith.constant 0 : i32
      %dma_wait3A_804 = arith.constant 0 : i32
      %dma_wait3A_805 = tpu.memref_slice %arg6[%dma_wait3A_801, %dma_wait3A_802, %dma_wait3A_803, %dma_wait3A_804] : memref<4x8x50x32xf32, #tpu.memory_space<vmem>> -> memref<1x1x50x32xf32, #tpu.memory_space<vmem>>
      %dma_wait3A_806 = tpu.memref_squeeze %dma_wait3A_805 : memref<1x1x50x32xf32, #tpu.memory_space<vmem>> -> memref<50x32xf32, #tpu.memory_space<vmem>>
      %dma_wait3A_807 = arith.constant 0 : i32
      %dma_wait3A_808 = arith.constant 0 : i32
      %dma_wait3A_809 = tpu.memref_slice %arg3[%dma_wait3A_807, %dma_wait3A_808] : memref<1000000x32xf32, #tpu.memory_space<hbm>> -> memref<50x32xf32, #tpu.memory_space<hbm>>
      %dma_wait3A_810 = arith.constant 0 : i32
      %dma_wait3A_811 = arith.constant 0 : i32
      %dma_wait3A_812 = tpu.memref_slice %arg6[%dma_wait3A_801, %dma_wait3A_802, %dma_wait3A_810, %dma_wait3A_811] : memref<4x8x50x32xf32, #tpu.memory_space<vmem>> -> memref<1x1x50x32xf32, #tpu.memory_space<vmem>>
      %dma_wait3A_813 = tpu.memref_squeeze %dma_wait3A_812 : memref<1x1x50x32xf32, #tpu.memory_space<vmem>> -> memref<50x32xf32, #tpu.memory_space<vmem>>
      %dma_wait3A_814 = arith.constant 0 : i32
      %dma_wait3A_815 = arith.constant 0 : i32
      %dma_wait3A_816 = tpu.memref_slice %arg3[%dma_wait3A_814, %dma_wait3A_815] : memref<1000000x32xf32, #tpu.memory_space<hbm>> -> memref<50x32xf32, #tpu.memory_space<hbm>>
      tpu.wait_dma2 semaphore(%arg10 : memref<!tpu.dma_semaphore, #tpu.memory_space<semaphore_mem>>) src(%dma_wait3A_816 : memref<50x32xf32, #tpu.memory_space<hbm>>) dst(%dma_wait3A_813 : memref<50x32xf32, #tpu.memory_space<vmem>>)
      %dma_wait3A_817 = arith.constant 3 : i32
      %dma_wait3A_818 = arith.constant 3 : i32
      %dma_wait3A_819 = arith.constant 0 : i32
      %dma_wait3A_820 = arith.constant 0 : i32
      %dma_wait3A_821 = tpu.memref_slice %arg6[%dma_wait3A_817, %dma_wait3A_818, %dma_wait3A_819, %dma_wait3A_820] : memref<4x8x50x32xf32, #tpu.memory_space<vmem>> -> memref<1x1x50x32xf32, #tpu.memory_space<vmem>>
      %dma_wait3A_822 = tpu.memref_squeeze %dma_wait3A_821 : memref<1x1x50x32xf32, #tpu.memory_space<vmem>> -> memref<50x32xf32, #tpu.memory_space<vmem>>
      %dma_wait3A_823 = arith.constant 0 : i32
      %dma_wait3A_824 = arith.constant 0 : i32
      %dma_wait3A_825 = tpu.memref_slice %arg3[%dma_wait3A_823, %dma_wait3A_824] : memref<1000000x32xf32, #tpu.memory_space<hbm>> -> memref<50x32xf32, #tpu.memory_space<hbm>>
      %dma_wait3A_826 = arith.constant 0 : i32
      %dma_wait3A_827 = arith.constant 0 : i32
      %dma_wait3A_828 = tpu.memref_slice %arg6[%dma_wait3A_817, %dma_wait3A_818, %dma_wait3A_826, %dma_wait3A_827] : memref<4x8x50x32xf32, #tpu.memory_space<vmem>> -> memref<1x1x50x32xf32, #tpu.memory_space<vmem>>
      %dma_wait3A_829 = tpu.memref_squeeze %dma_wait3A_828 : memref<1x1x50x32xf32, #tpu.memory_space<vmem>> -> memref<50x32xf32, #tpu.memory_space<vmem>>
      %dma_wait3A_830 = arith.constant 0 : i32
      %dma_wait3A_831 = arith.constant 0 : i32
      %dma_wait3A_832 = tpu.memref_slice %arg3[%dma_wait3A_830, %dma_wait3A_831] : memref<1000000x32xf32, #tpu.memory_space<hbm>> -> memref<50x32xf32, #tpu.memory_space<hbm>>
      tpu.wait_dma2 semaphore(%arg10 : memref<!tpu.dma_semaphore, #tpu.memory_space<semaphore_mem>>) src(%dma_wait3A_832 : memref<50x32xf32, #tpu.memory_space<hbm>>) dst(%dma_wait3A_829 : memref<50x32xf32, #tpu.memory_space<vmem>>)
      %dma_wait3A_833 = arith.constant 3 : i32
      %dma_wait3A_834 = arith.constant 4 : i32
      %dma_wait3A_835 = arith.constant 0 : i32
      %dma_wait3A_836 = arith.constant 0 : i32
      %dma_wait3A_837 = tpu.memref_slice %arg6[%dma_wait3A_833, %dma_wait3A_834, %dma_wait3A_835, %dma_wait3A_836] : memref<4x8x50x32xf32, #tpu.memory_space<vmem>> -> memref<1x1x50x32xf32, #tpu.memory_space<vmem>>
      %dma_wait3A_838 = tpu.memref_squeeze %dma_wait3A_837 : memref<1x1x50x32xf32, #tpu.memory_space<vmem>> -> memref<50x32xf32, #tpu.memory_space<vmem>>
      %dma_wait3A_839 = arith.constant 0 : i32
      %dma_wait3A_840 = arith.constant 0 : i32
      %dma_wait3A_841 = tpu.memref_slice %arg3[%dma_wait3A_839, %dma_wait3A_840] : memref<1000000x32xf32, #tpu.memory_space<hbm>> -> memref<50x32xf32, #tpu.memory_space<hbm>>
      %dma_wait3A_842 = arith.constant 0 : i32
      %dma_wait3A_843 = arith.constant 0 : i32
      %dma_wait3A_844 = tpu.memref_slice %arg6[%dma_wait3A_833, %dma_wait3A_834, %dma_wait3A_842, %dma_wait3A_843] : memref<4x8x50x32xf32, #tpu.memory_space<vmem>> -> memref<1x1x50x32xf32, #tpu.memory_space<vmem>>
      %dma_wait3A_845 = tpu.memref_squeeze %dma_wait3A_844 : memref<1x1x50x32xf32, #tpu.memory_space<vmem>> -> memref<50x32xf32, #tpu.memory_space<vmem>>
      %dma_wait3A_846 = arith.constant 0 : i32
      %dma_wait3A_847 = arith.constant 0 : i32
      %dma_wait3A_848 = tpu.memref_slice %arg3[%dma_wait3A_846, %dma_wait3A_847] : memref<1000000x32xf32, #tpu.memory_space<hbm>> -> memref<50x32xf32, #tpu.memory_space<hbm>>
      tpu.wait_dma2 semaphore(%arg10 : memref<!tpu.dma_semaphore, #tpu.memory_space<semaphore_mem>>) src(%dma_wait3A_848 : memref<50x32xf32, #tpu.memory_space<hbm>>) dst(%dma_wait3A_845 : memref<50x32xf32, #tpu.memory_space<vmem>>)
      %dma_wait3A_849 = arith.constant 3 : i32
      %dma_wait3A_850 = arith.constant 5 : i32
      %dma_wait3A_851 = arith.constant 0 : i32
      %dma_wait3A_852 = arith.constant 0 : i32
      %dma_wait3A_853 = tpu.memref_slice %arg6[%dma_wait3A_849, %dma_wait3A_850, %dma_wait3A_851, %dma_wait3A_852] : memref<4x8x50x32xf32, #tpu.memory_space<vmem>> -> memref<1x1x50x32xf32, #tpu.memory_space<vmem>>
      %dma_wait3A_854 = tpu.memref_squeeze %dma_wait3A_853 : memref<1x1x50x32xf32, #tpu.memory_space<vmem>> -> memref<50x32xf32, #tpu.memory_space<vmem>>
      %dma_wait3A_855 = arith.constant 0 : i32
      %dma_wait3A_856 = arith.constant 0 : i32
      %dma_wait3A_857 = tpu.memref_slice %arg3[%dma_wait3A_855, %dma_wait3A_856] : memref<1000000x32xf32, #tpu.memory_space<hbm>> -> memref<50x32xf32, #tpu.memory_space<hbm>>
      %dma_wait3A_858 = arith.constant 0 : i32
      %dma_wait3A_859 = arith.constant 0 : i32
      %dma_wait3A_860 = tpu.memref_slice %arg6[%dma_wait3A_849, %dma_wait3A_850, %dma_wait3A_858, %dma_wait3A_859] : memref<4x8x50x32xf32, #tpu.memory_space<vmem>> -> memref<1x1x50x32xf32, #tpu.memory_space<vmem>>
      %dma_wait3A_861 = tpu.memref_squeeze %dma_wait3A_860 : memref<1x1x50x32xf32, #tpu.memory_space<vmem>> -> memref<50x32xf32, #tpu.memory_space<vmem>>
      %dma_wait3A_862 = arith.constant 0 : i32
      %dma_wait3A_863 = arith.constant 0 : i32
      %dma_wait3A_864 = tpu.memref_slice %arg3[%dma_wait3A_862, %dma_wait3A_863] : memref<1000000x32xf32, #tpu.memory_space<hbm>> -> memref<50x32xf32, #tpu.memory_space<hbm>>
      tpu.wait_dma2 semaphore(%arg10 : memref<!tpu.dma_semaphore, #tpu.memory_space<semaphore_mem>>) src(%dma_wait3A_864 : memref<50x32xf32, #tpu.memory_space<hbm>>) dst(%dma_wait3A_861 : memref<50x32xf32, #tpu.memory_space<vmem>>)
      %dma_wait3A_865 = arith.constant 3 : i32
      %dma_wait3A_866 = arith.constant 6 : i32
      %dma_wait3A_867 = arith.constant 0 : i32
      %dma_wait3A_868 = arith.constant 0 : i32
      %dma_wait3A_869 = tpu.memref_slice %arg6[%dma_wait3A_865, %dma_wait3A_866, %dma_wait3A_867, %dma_wait3A_868] : memref<4x8x50x32xf32, #tpu.memory_space<vmem>> -> memref<1x1x50x32xf32, #tpu.memory_space<vmem>>
      %dma_wait3A_870 = tpu.memref_squeeze %dma_wait3A_869 : memref<1x1x50x32xf32, #tpu.memory_space<vmem>> -> memref<50x32xf32, #tpu.memory_space<vmem>>
      %dma_wait3A_871 = arith.constant 0 : i32
      %dma_wait3A_872 = arith.constant 0 : i32
      %dma_wait3A_873 = tpu.memref_slice %arg3[%dma_wait3A_871, %dma_wait3A_872] : memref<1000000x32xf32, #tpu.memory_space<hbm>> -> memref<50x32xf32, #tpu.memory_space<hbm>>
      %dma_wait3A_874 = arith.constant 0 : i32
      %dma_wait3A_875 = arith.constant 0 : i32
      %dma_wait3A_876 = tpu.memref_slice %arg6[%dma_wait3A_865, %dma_wait3A_866, %dma_wait3A_874, %dma_wait3A_875] : memref<4x8x50x32xf32, #tpu.memory_space<vmem>> -> memref<1x1x50x32xf32, #tpu.memory_space<vmem>>
      %dma_wait3A_877 = tpu.memref_squeeze %dma_wait3A_876 : memref<1x1x50x32xf32, #tpu.memory_space<vmem>> -> memref<50x32xf32, #tpu.memory_space<vmem>>
      %dma_wait3A_878 = arith.constant 0 : i32
      %dma_wait3A_879 = arith.constant 0 : i32
      %dma_wait3A_880 = tpu.memref_slice %arg3[%dma_wait3A_878, %dma_wait3A_879] : memref<1000000x32xf32, #tpu.memory_space<hbm>> -> memref<50x32xf32, #tpu.memory_space<hbm>>
      tpu.wait_dma2 semaphore(%arg10 : memref<!tpu.dma_semaphore, #tpu.memory_space<semaphore_mem>>) src(%dma_wait3A_880 : memref<50x32xf32, #tpu.memory_space<hbm>>) dst(%dma_wait3A_877 : memref<50x32xf32, #tpu.memory_space<vmem>>)
      %dma_wait3A_881 = arith.constant 3 : i32
      %dma_wait3A_882 = arith.constant 7 : i32
      %dma_wait3A_883 = arith.constant 0 : i32
      %dma_wait3A_884 = arith.constant 0 : i32
      %dma_wait3A_885 = tpu.memref_slice %arg6[%dma_wait3A_881, %dma_wait3A_882, %dma_wait3A_883, %dma_wait3A_884] : memref<4x8x50x32xf32, #tpu.memory_space<vmem>> -> memref<1x1x50x32xf32, #tpu.memory_space<vmem>>
      %dma_wait3A_886 = tpu.memref_squeeze %dma_wait3A_885 : memref<1x1x50x32xf32, #tpu.memory_space<vmem>> -> memref<50x32xf32, #tpu.memory_space<vmem>>
      %dma_wait3A_887 = arith.constant 0 : i32
      %dma_wait3A_888 = arith.constant 0 : i32
      %dma_wait3A_889 = tpu.memref_slice %arg3[%dma_wait3A_887, %dma_wait3A_888] : memref<1000000x32xf32, #tpu.memory_space<hbm>> -> memref<50x32xf32, #tpu.memory_space<hbm>>
      %dma_wait3A_890 = arith.constant 0 : i32
      %dma_wait3A_891 = arith.constant 0 : i32
      %dma_wait3A_892 = tpu.memref_slice %arg6[%dma_wait3A_881, %dma_wait3A_882, %dma_wait3A_890, %dma_wait3A_891] : memref<4x8x50x32xf32, #tpu.memory_space<vmem>> -> memref<1x1x50x32xf32, #tpu.memory_space<vmem>>
      %dma_wait3A_893 = tpu.memref_squeeze %dma_wait3A_892 : memref<1x1x50x32xf32, #tpu.memory_space<vmem>> -> memref<50x32xf32, #tpu.memory_space<vmem>>
      %dma_wait3A_894 = arith.constant 0 : i32
      %dma_wait3A_895 = arith.constant 0 : i32
      %dma_wait3A_896 = tpu.memref_slice %arg3[%dma_wait3A_894, %dma_wait3A_895] : memref<1000000x32xf32, #tpu.memory_space<hbm>> -> memref<50x32xf32, #tpu.memory_space<hbm>>
      tpu.wait_dma2 semaphore(%arg10 : memref<!tpu.dma_semaphore, #tpu.memory_space<semaphore_mem>>) src(%dma_wait3A_896 : memref<50x32xf32, #tpu.memory_space<hbm>>) dst(%dma_wait3A_893 : memref<50x32xf32, #tpu.memory_space<vmem>>)
      %mul3A_897 = arith.constant 8 : i32
      %mul3A_898 = arith.muli %add3A_768, %mul3A_897 : i32
      %add3A_899 = arith.addi %mul3A_2, %mul3A_898 : i32
      %dma_start3A_900 = arith.constant 3 : i32
      %dma_start3A_901 = arith.constant 0 : i32
      %dma_start3A_902 = arith.constant 0 : i32
      %dma_start3A_903 = arith.constant 0 : i32
      %dma_start3A_904 = tpu.memref_slice %arg6[%dma_start3A_900, %dma_start3A_901, %dma_start3A_902, %dma_start3A_903] : memref<4x8x50x32xf32, #tpu.memory_space<vmem>> -> memref<1x8x50x32xf32, #tpu.memory_space<vmem>>
      %dma_start3A_905 = tpu.memref_squeeze %dma_start3A_904 : memref<1x8x50x32xf32, #tpu.memory_space<vmem>> -> memref<8x50x32xf32, #tpu.memory_space<vmem>>
      %dma_start3A_906 = arith.constant 0 : i32
      %dma_start3A_907 = arith.constant 0 : i32
      %dma_start3A_908 = tpu.memref_slice %arg4[%add3A_899, %dma_start3A_906, %dma_start3A_907] : memref<16384x50x32xf32, #tpu.memory_space<hbm>> -> memref<8x50x32xf32, #tpu.memory_space<hbm>>
      %dma_start3A_909 = arith.constant 0 : i32
      %dma_start3A_910 = arith.constant 0 : i32
      %dma_start3A_911 = tpu.memref_slice %arg4[%add3A_899, %dma_start3A_909, %dma_start3A_910] : memref<16384x50x32xf32, #tpu.memory_space<hbm>> -> memref<8x50x32xf32, #tpu.memory_space<hbm>>
      %dma_start3A_912 = arith.constant 0 : i32
      %dma_start3A_913 = arith.constant 0 : i32
      %dma_start3A_914 = arith.constant 0 : i32
      %dma_start3A_915 = tpu.memref_slice %arg6[%dma_start3A_900, %dma_start3A_912, %dma_start3A_913, %dma_start3A_914] : memref<4x8x50x32xf32, #tpu.memory_space<vmem>> -> memref<1x8x50x32xf32, #tpu.memory_space<vmem>>
      %dma_start3A_916 = tpu.memref_squeeze %dma_start3A_915 : memref<1x8x50x32xf32, #tpu.memory_space<vmem>> -> memref<8x50x32xf32, #tpu.memory_space<vmem>>
      tpu.enqueue_dma source(%dma_start3A_916 : memref<8x50x32xf32, #tpu.memory_space<vmem>>) target(%dma_start3A_911 : memref<8x50x32xf32, #tpu.memory_space<hbm>>) target_semaphore(%arg14 : memref<!tpu.dma_semaphore, #tpu.memory_space<semaphore_mem>>)
      %add3A_917 = arith.constant 2 : i32
      %add3A_918 = arith.addi %add3A_768, %add3A_917 : i32
      %lt3A_919 = arith.constant 64 : i32
      %lt3A_920 = arith.cmpi slt, %add3A_918, %lt3A_919 : i32
      %convert_element_type3A_921 = arith.extui %lt3A_920 : i1 to i32
      %cond3A_922 = arith.constant 0 : i32
      %cond3A_923 = arith.cmpi ne, %convert_element_type3A_921, %cond3A_922 : i32
      scf.if %cond3A_923 {
        %ge3A = arith.constant 2 : i32
        %ge3A_924 = arith.cmpi sge, %add3A_768, %ge3A : i32
        %convert_element_type3A_925 = arith.extui %ge3A_924 : i1 to i32
        %cond3A_926 = arith.constant 0 : i32
        %cond3A_927 = arith.cmpi ne, %convert_element_type3A_925, %cond3A_926 : i32
        scf.if %cond3A_927 {
          %sub3A = arith.constant 2 : i32
          %sub3A_1058 = arith.subi %add3A_768, %sub3A : i32
          %mul3A_1059 = arith.constant 8 : i32
          %mul3A_1060 = arith.muli %sub3A_1058, %mul3A_1059 : i32
          %add3A_1061 = arith.addi %mul3A_2, %mul3A_1060 : i32
          %dma_wait3A_1062 = arith.constant 1 : i32
          %dma_wait3A_1063 = arith.constant 0 : i32
          %dma_wait3A_1064 = arith.constant 0 : i32
          %dma_wait3A_1065 = arith.constant 0 : i32
          %dma_wait3A_1066 = tpu.memref_slice %arg6[%dma_wait3A_1062, %dma_wait3A_1063, %dma_wait3A_1064, %dma_wait3A_1065] : memref<4x8x50x32xf32, #tpu.memory_space<vmem>> -> memref<1x8x50x32xf32, #tpu.memory_space<vmem>>
          %dma_wait3A_1067 = tpu.memref_squeeze %dma_wait3A_1066 : memref<1x8x50x32xf32, #tpu.memory_space<vmem>> -> memref<8x50x32xf32, #tpu.memory_space<vmem>>
          %dma_wait3A_1068 = arith.constant 0 : i32
          %dma_wait3A_1069 = arith.constant 0 : i32
          %dma_wait3A_1070 = tpu.memref_slice %arg4[%add3A_1061, %dma_wait3A_1068, %dma_wait3A_1069] : memref<16384x50x32xf32, #tpu.memory_space<hbm>> -> memref<8x50x32xf32, #tpu.memory_space<hbm>>
          %dma_wait3A_1071 = arith.constant 0 : i32
          %dma_wait3A_1072 = arith.constant 0 : i32
          %dma_wait3A_1073 = tpu.memref_slice %arg4[%add3A_1061, %dma_wait3A_1071, %dma_wait3A_1072] : memref<16384x50x32xf32, #tpu.memory_space<hbm>> -> memref<8x50x32xf32, #tpu.memory_space<hbm>>
          %dma_wait3A_1074 = arith.constant 0 : i32
          %dma_wait3A_1075 = arith.constant 0 : i32
          %dma_wait3A_1076 = arith.constant 0 : i32
          %dma_wait3A_1077 = tpu.memref_slice %arg6[%dma_wait3A_1062, %dma_wait3A_1074, %dma_wait3A_1075, %dma_wait3A_1076] : memref<4x8x50x32xf32, #tpu.memory_space<vmem>> -> memref<1x8x50x32xf32, #tpu.memory_space<vmem>>
          %dma_wait3A_1078 = tpu.memref_squeeze %dma_wait3A_1077 : memref<1x8x50x32xf32, #tpu.memory_space<vmem>> -> memref<8x50x32xf32, #tpu.memory_space<vmem>>
          tpu.wait_dma2 semaphore(%arg12 : memref<!tpu.dma_semaphore, #tpu.memory_space<semaphore_mem>>) src(%dma_wait3A_1078 : memref<8x50x32xf32, #tpu.memory_space<vmem>>) dst(%dma_wait3A_1073 : memref<8x50x32xf32, #tpu.memory_space<hbm>>)
        } else {
        }
        %add3A_928 = arith.constant 2 : i32
        %add3A_929 = arith.addi %add3A_768, %add3A_928 : i32
        %mul3A_930 = arith.constant 8 : i32
        %mul3A_931 = arith.muli %add3A_929, %mul3A_930 : i32
        %add3A_932 = arith.constant 0 : i32
        %add3A_933 = arith.addi %mul3A_931, %add3A_932 : i32
        %dma_start3A_934 = arith.constant 1 : i32
        %dma_start3A_935 = arith.constant 0 : i32
        %dma_start3A_936 = arith.constant 0 : i32
        %dma_start3A_937 = arith.constant 0 : i32
        %dma_start3A_938 = tpu.memref_slice %arg6[%dma_start3A_934, %dma_start3A_935, %dma_start3A_936, %dma_start3A_937] : memref<4x8x50x32xf32, #tpu.memory_space<vmem>> -> memref<1x1x50x32xf32, #tpu.memory_space<vmem>>
        %dma_start3A_939 = tpu.memref_squeeze %dma_start3A_938 : memref<1x1x50x32xf32, #tpu.memory_space<vmem>> -> memref<50x32xf32, #tpu.memory_space<vmem>>
        %dma_start3A_940 = arith.constant 0 : i32
        %dma_start3A_941 = tpu.memref_slice %arg5[%add3A_933, %dma_start3A_940] : memref<512x50xi32, #tpu.memory_space<vmem>> -> memref<1x50xi32, #tpu.memory_space<vmem>>
        %dma_start3A_942 = tpu.memref_squeeze %dma_start3A_941 : memref<1x50xi32, #tpu.memory_space<vmem>> -> memref<50xi32, #tpu.memory_space<vmem>>
        %dma_start3A_943 = arith.constant 0 : i32
        %dma_start3A_944 = arith.constant 0 : i32
        %dma_start3A_945 = tpu.memref_slice %arg3[%dma_start3A_943, %dma_start3A_944] : memref<1000000x32xf32, #tpu.memory_space<hbm>> -> memref<1000000x32xf32, #tpu.memory_space<hbm>>
        tpu.enqueue_indirect_dma source(%dma_start3A_945 : memref<1000000x32xf32, #tpu.memory_space<hbm>>) target(%dma_start3A_939 : memref<50x32xf32, #tpu.memory_space<vmem>>) offsets(%dma_start3A_942 : memref<50xi32, #tpu.memory_space<vmem>>) semaphore(%arg8 : memref<!tpu.dma_semaphore, #tpu.memory_space<semaphore_mem>>)
        %mul3A_946 = arith.constant 8 : i32
        %mul3A_947 = arith.muli %add3A_929, %mul3A_946 : i32
        %add3A_948 = arith.constant 1 : i32
        %add3A_949 = arith.addi %mul3A_947, %add3A_948 : i32
        %dma_start3A_950 = arith.constant 1 : i32
        %dma_start3A_951 = arith.constant 1 : i32
        %dma_start3A_952 = arith.constant 0 : i32
        %dma_start3A_953 = arith.constant 0 : i32
        %dma_start3A_954 = tpu.memref_slice %arg6[%dma_start3A_950, %dma_start3A_951, %dma_start3A_952, %dma_start3A_953] : memref<4x8x50x32xf32, #tpu.memory_space<vmem>> -> memref<1x1x50x32xf32, #tpu.memory_space<vmem>>
        %dma_start3A_955 = tpu.memref_squeeze %dma_start3A_954 : memref<1x1x50x32xf32, #tpu.memory_space<vmem>> -> memref<50x32xf32, #tpu.memory_space<vmem>>
        %dma_start3A_956 = arith.constant 0 : i32
        %dma_start3A_957 = tpu.memref_slice %arg5[%add3A_949, %dma_start3A_956] : memref<512x50xi32, #tpu.memory_space<vmem>> -> memref<1x50xi32, #tpu.memory_space<vmem>>
        %dma_start3A_958 = tpu.memref_squeeze %dma_start3A_957 : memref<1x50xi32, #tpu.memory_space<vmem>> -> memref<50xi32, #tpu.memory_space<vmem>>
        %dma_start3A_959 = arith.constant 0 : i32
        %dma_start3A_960 = arith.constant 0 : i32
        %dma_start3A_961 = tpu.memref_slice %arg3[%dma_start3A_959, %dma_start3A_960] : memref<1000000x32xf32, #tpu.memory_space<hbm>> -> memref<1000000x32xf32, #tpu.memory_space<hbm>>
        tpu.enqueue_indirect_dma source(%dma_start3A_961 : memref<1000000x32xf32, #tpu.memory_space<hbm>>) target(%dma_start3A_955 : memref<50x32xf32, #tpu.memory_space<vmem>>) offsets(%dma_start3A_958 : memref<50xi32, #tpu.memory_space<vmem>>) semaphore(%arg8 : memref<!tpu.dma_semaphore, #tpu.memory_space<semaphore_mem>>)
        %mul3A_962 = arith.constant 8 : i32
        %mul3A_963 = arith.muli %add3A_929, %mul3A_962 : i32
        %add3A_964 = arith.constant 2 : i32
        %add3A_965 = arith.addi %mul3A_963, %add3A_964 : i32
        %dma_start3A_966 = arith.constant 1 : i32
        %dma_start3A_967 = arith.constant 2 : i32
        %dma_start3A_968 = arith.constant 0 : i32
        %dma_start3A_969 = arith.constant 0 : i32
        %dma_start3A_970 = tpu.memref_slice %arg6[%dma_start3A_966, %dma_start3A_967, %dma_start3A_968, %dma_start3A_969] : memref<4x8x50x32xf32, #tpu.memory_space<vmem>> -> memref<1x1x50x32xf32, #tpu.memory_space<vmem>>
        %dma_start3A_971 = tpu.memref_squeeze %dma_start3A_970 : memref<1x1x50x32xf32, #tpu.memory_space<vmem>> -> memref<50x32xf32, #tpu.memory_space<vmem>>
        %dma_start3A_972 = arith.constant 0 : i32
        %dma_start3A_973 = tpu.memref_slice %arg5[%add3A_965, %dma_start3A_972] : memref<512x50xi32, #tpu.memory_space<vmem>> -> memref<1x50xi32, #tpu.memory_space<vmem>>
        %dma_start3A_974 = tpu.memref_squeeze %dma_start3A_973 : memref<1x50xi32, #tpu.memory_space<vmem>> -> memref<50xi32, #tpu.memory_space<vmem>>
        %dma_start3A_975 = arith.constant 0 : i32
        %dma_start3A_976 = arith.constant 0 : i32
        %dma_start3A_977 = tpu.memref_slice %arg3[%dma_start3A_975, %dma_start3A_976] : memref<1000000x32xf32, #tpu.memory_space<hbm>> -> memref<1000000x32xf32, #tpu.memory_space<hbm>>
        tpu.enqueue_indirect_dma source(%dma_start3A_977 : memref<1000000x32xf32, #tpu.memory_space<hbm>>) target(%dma_start3A_971 : memref<50x32xf32, #tpu.memory_space<vmem>>) offsets(%dma_start3A_974 : memref<50xi32, #tpu.memory_space<vmem>>) semaphore(%arg8 : memref<!tpu.dma_semaphore, #tpu.memory_space<semaphore_mem>>)
        %mul3A_978 = arith.constant 8 : i32
        %mul3A_979 = arith.muli %add3A_929, %mul3A_978 : i32
        %add3A_980 = arith.constant 3 : i32
        %add3A_981 = arith.addi %mul3A_979, %add3A_980 : i32
        %dma_start3A_982 = arith.constant 1 : i32
        %dma_start3A_983 = arith.constant 3 : i32
        %dma_start3A_984 = arith.constant 0 : i32
        %dma_start3A_985 = arith.constant 0 : i32
        %dma_start3A_986 = tpu.memref_slice %arg6[%dma_start3A_982, %dma_start3A_983, %dma_start3A_984, %dma_start3A_985] : memref<4x8x50x32xf32, #tpu.memory_space<vmem>> -> memref<1x1x50x32xf32, #tpu.memory_space<vmem>>
        %dma_start3A_987 = tpu.memref_squeeze %dma_start3A_986 : memref<1x1x50x32xf32, #tpu.memory_space<vmem>> -> memref<50x32xf32, #tpu.memory_space<vmem>>
        %dma_start3A_988 = arith.constant 0 : i32
        %dma_start3A_989 = tpu.memref_slice %arg5[%add3A_981, %dma_start3A_988] : memref<512x50xi32, #tpu.memory_space<vmem>> -> memref<1x50xi32, #tpu.memory_space<vmem>>
        %dma_start3A_990 = tpu.memref_squeeze %dma_start3A_989 : memref<1x50xi32, #tpu.memory_space<vmem>> -> memref<50xi32, #tpu.memory_space<vmem>>
        %dma_start3A_991 = arith.constant 0 : i32
        %dma_start3A_992 = arith.constant 0 : i32
        %dma_start3A_993 = tpu.memref_slice %arg3[%dma_start3A_991, %dma_start3A_992] : memref<1000000x32xf32, #tpu.memory_space<hbm>> -> memref<1000000x32xf32, #tpu.memory_space<hbm>>
        tpu.enqueue_indirect_dma source(%dma_start3A_993 : memref<1000000x32xf32, #tpu.memory_space<hbm>>) target(%dma_start3A_987 : memref<50x32xf32, #tpu.memory_space<vmem>>) offsets(%dma_start3A_990 : memref<50xi32, #tpu.memory_space<vmem>>) semaphore(%arg8 : memref<!tpu.dma_semaphore, #tpu.memory_space<semaphore_mem>>)
        %mul3A_994 = arith.constant 8 : i32
        %mul3A_995 = arith.muli %add3A_929, %mul3A_994 : i32
        %add3A_996 = arith.constant 4 : i32
        %add3A_997 = arith.addi %mul3A_995, %add3A_996 : i32
        %dma_start3A_998 = arith.constant 1 : i32
        %dma_start3A_999 = arith.constant 4 : i32
        %dma_start3A_1000 = arith.constant 0 : i32
        %dma_start3A_1001 = arith.constant 0 : i32
        %dma_start3A_1002 = tpu.memref_slice %arg6[%dma_start3A_998, %dma_start3A_999, %dma_start3A_1000, %dma_start3A_1001] : memref<4x8x50x32xf32, #tpu.memory_space<vmem>> -> memref<1x1x50x32xf32, #tpu.memory_space<vmem>>
        %dma_start3A_1003 = tpu.memref_squeeze %dma_start3A_1002 : memref<1x1x50x32xf32, #tpu.memory_space<vmem>> -> memref<50x32xf32, #tpu.memory_space<vmem>>
        %dma_start3A_1004 = arith.constant 0 : i32
        %dma_start3A_1005 = tpu.memref_slice %arg5[%add3A_997, %dma_start3A_1004] : memref<512x50xi32, #tpu.memory_space<vmem>> -> memref<1x50xi32, #tpu.memory_space<vmem>>
        %dma_start3A_1006 = tpu.memref_squeeze %dma_start3A_1005 : memref<1x50xi32, #tpu.memory_space<vmem>> -> memref<50xi32, #tpu.memory_space<vmem>>
        %dma_start3A_1007 = arith.constant 0 : i32
        %dma_start3A_1008 = arith.constant 0 : i32
        %dma_start3A_1009 = tpu.memref_slice %arg3[%dma_start3A_1007, %dma_start3A_1008] : memref<1000000x32xf32, #tpu.memory_space<hbm>> -> memref<1000000x32xf32, #tpu.memory_space<hbm>>
        tpu.enqueue_indirect_dma source(%dma_start3A_1009 : memref<1000000x32xf32, #tpu.memory_space<hbm>>) target(%dma_start3A_1003 : memref<50x32xf32, #tpu.memory_space<vmem>>) offsets(%dma_start3A_1006 : memref<50xi32, #tpu.memory_space<vmem>>) semaphore(%arg8 : memref<!tpu.dma_semaphore, #tpu.memory_space<semaphore_mem>>)
        %mul3A_1010 = arith.constant 8 : i32
        %mul3A_1011 = arith.muli %add3A_929, %mul3A_1010 : i32
        %add3A_1012 = arith.constant 5 : i32
        %add3A_1013 = arith.addi %mul3A_1011, %add3A_1012 : i32
        %dma_start3A_1014 = arith.constant 1 : i32
        %dma_start3A_1015 = arith.constant 5 : i32
        %dma_start3A_1016 = arith.constant 0 : i32
        %dma_start3A_1017 = arith.constant 0 : i32
        %dma_start3A_1018 = tpu.memref_slice %arg6[%dma_start3A_1014, %dma_start3A_1015, %dma_start3A_1016, %dma_start3A_1017] : memref<4x8x50x32xf32, #tpu.memory_space<vmem>> -> memref<1x1x50x32xf32, #tpu.memory_space<vmem>>
        %dma_start3A_1019 = tpu.memref_squeeze %dma_start3A_1018 : memref<1x1x50x32xf32, #tpu.memory_space<vmem>> -> memref<50x32xf32, #tpu.memory_space<vmem>>
        %dma_start3A_1020 = arith.constant 0 : i32
        %dma_start3A_1021 = tpu.memref_slice %arg5[%add3A_1013, %dma_start3A_1020] : memref<512x50xi32, #tpu.memory_space<vmem>> -> memref<1x50xi32, #tpu.memory_space<vmem>>
        %dma_start3A_1022 = tpu.memref_squeeze %dma_start3A_1021 : memref<1x50xi32, #tpu.memory_space<vmem>> -> memref<50xi32, #tpu.memory_space<vmem>>
        %dma_start3A_1023 = arith.constant 0 : i32
        %dma_start3A_1024 = arith.constant 0 : i32
        %dma_start3A_1025 = tpu.memref_slice %arg3[%dma_start3A_1023, %dma_start3A_1024] : memref<1000000x32xf32, #tpu.memory_space<hbm>> -> memref<1000000x32xf32, #tpu.memory_space<hbm>>
        tpu.enqueue_indirect_dma source(%dma_start3A_1025 : memref<1000000x32xf32, #tpu.memory_space<hbm>>) target(%dma_start3A_1019 : memref<50x32xf32, #tpu.memory_space<vmem>>) offsets(%dma_start3A_1022 : memref<50xi32, #tpu.memory_space<vmem>>) semaphore(%arg8 : memref<!tpu.dma_semaphore, #tpu.memory_space<semaphore_mem>>)
        %mul3A_1026 = arith.constant 8 : i32
        %mul3A_1027 = arith.muli %add3A_929, %mul3A_1026 : i32
        %add3A_1028 = arith.constant 6 : i32
        %add3A_1029 = arith.addi %mul3A_1027, %add3A_1028 : i32
        %dma_start3A_1030 = arith.constant 1 : i32
        %dma_start3A_1031 = arith.constant 6 : i32
        %dma_start3A_1032 = arith.constant 0 : i32
        %dma_start3A_1033 = arith.constant 0 : i32
        %dma_start3A_1034 = tpu.memref_slice %arg6[%dma_start3A_1030, %dma_start3A_1031, %dma_start3A_1032, %dma_start3A_1033] : memref<4x8x50x32xf32, #tpu.memory_space<vmem>> -> memref<1x1x50x32xf32, #tpu.memory_space<vmem>>
        %dma_start3A_1035 = tpu.memref_squeeze %dma_start3A_1034 : memref<1x1x50x32xf32, #tpu.memory_space<vmem>> -> memref<50x32xf32, #tpu.memory_space<vmem>>
        %dma_start3A_1036 = arith.constant 0 : i32
        %dma_start3A_1037 = tpu.memref_slice %arg5[%add3A_1029, %dma_start3A_1036] : memref<512x50xi32, #tpu.memory_space<vmem>> -> memref<1x50xi32, #tpu.memory_space<vmem>>
        %dma_start3A_1038 = tpu.memref_squeeze %dma_start3A_1037 : memref<1x50xi32, #tpu.memory_space<vmem>> -> memref<50xi32, #tpu.memory_space<vmem>>
        %dma_start3A_1039 = arith.constant 0 : i32
        %dma_start3A_1040 = arith.constant 0 : i32
        %dma_start3A_1041 = tpu.memref_slice %arg3[%dma_start3A_1039, %dma_start3A_1040] : memref<1000000x32xf32, #tpu.memory_space<hbm>> -> memref<1000000x32xf32, #tpu.memory_space<hbm>>
        tpu.enqueue_indirect_dma source(%dma_start3A_1041 : memref<1000000x32xf32, #tpu.memory_space<hbm>>) target(%dma_start3A_1035 : memref<50x32xf32, #tpu.memory_space<vmem>>) offsets(%dma_start3A_1038 : memref<50xi32, #tpu.memory_space<vmem>>) semaphore(%arg8 : memref<!tpu.dma_semaphore, #tpu.memory_space<semaphore_mem>>)
        %mul3A_1042 = arith.constant 8 : i32
        %mul3A_1043 = arith.muli %add3A_929, %mul3A_1042 : i32
        %add3A_1044 = arith.constant 7 : i32
        %add3A_1045 = arith.addi %mul3A_1043, %add3A_1044 : i32
        %dma_start3A_1046 = arith.constant 1 : i32
        %dma_start3A_1047 = arith.constant 7 : i32
        %dma_start3A_1048 = arith.constant 0 : i32
        %dma_start3A_1049 = arith.constant 0 : i32
        %dma_start3A_1050 = tpu.memref_slice %arg6[%dma_start3A_1046, %dma_start3A_1047, %dma_start3A_1048, %dma_start3A_1049] : memref<4x8x50x32xf32, #tpu.memory_space<vmem>> -> memref<1x1x50x32xf32, #tpu.memory_space<vmem>>
        %dma_start3A_1051 = tpu.memref_squeeze %dma_start3A_1050 : memref<1x1x50x32xf32, #tpu.memory_space<vmem>> -> memref<50x32xf32, #tpu.memory_space<vmem>>
        %dma_start3A_1052 = arith.constant 0 : i32
        %dma_start3A_1053 = tpu.memref_slice %arg5[%add3A_1045, %dma_start3A_1052] : memref<512x50xi32, #tpu.memory_space<vmem>> -> memref<1x50xi32, #tpu.memory_space<vmem>>
        %dma_start3A_1054 = tpu.memref_squeeze %dma_start3A_1053 : memref<1x50xi32, #tpu.memory_space<vmem>> -> memref<50xi32, #tpu.memory_space<vmem>>
        %dma_start3A_1055 = arith.constant 0 : i32
        %dma_start3A_1056 = arith.constant 0 : i32
        %dma_start3A_1057 = tpu.memref_slice %arg3[%dma_start3A_1055, %dma_start3A_1056] : memref<1000000x32xf32, #tpu.memory_space<hbm>> -> memref<1000000x32xf32, #tpu.memory_space<hbm>>
        tpu.enqueue_indirect_dma source(%dma_start3A_1057 : memref<1000000x32xf32, #tpu.memory_space<hbm>>) target(%dma_start3A_1051 : memref<50x32xf32, #tpu.memory_space<vmem>>) offsets(%dma_start3A_1054 : memref<50xi32, #tpu.memory_space<vmem>>) semaphore(%arg8 : memref<!tpu.dma_semaphore, #tpu.memory_space<semaphore_mem>>)
      } else {
      }
    }
    %scan3A_214 = arith.constant 16 : i32
    %add3A_215 = arith.constant 480 : i32
    %add3A_216 = arith.addi %mul3A_2, %add3A_215 : i32
    %dma_wait3A = arith.constant 0 : i32
    %dma_wait3A_217 = arith.constant 0 : i32
    %dma_wait3A_218 = arith.constant 0 : i32
    %dma_wait3A_219 = arith.constant 0 : i32
    %dma_wait3A_220 = tpu.memref_slice %arg6[%dma_wait3A, %dma_wait3A_217, %dma_wait3A_218, %dma_wait3A_219] : memref<4x8x50x32xf32, #tpu.memory_space<vmem>> -> memref<1x8x50x32xf32, #tpu.memory_space<vmem>>
    %dma_wait3A_221 = tpu.memref_squeeze %dma_wait3A_220 : memref<1x8x50x32xf32, #tpu.memory_space<vmem>> -> memref<8x50x32xf32, #tpu.memory_space<vmem>>
    %dma_wait3A_222 = arith.constant 0 : i32
    %dma_wait3A_223 = arith.constant 0 : i32
    %dma_wait3A_224 = tpu.memref_slice %arg4[%add3A_216, %dma_wait3A_222, %dma_wait3A_223] : memref<16384x50x32xf32, #tpu.memory_space<hbm>> -> memref<8x50x32xf32, #tpu.memory_space<hbm>>
    %dma_wait3A_225 = arith.constant 0 : i32
    %dma_wait3A_226 = arith.constant 0 : i32
    %dma_wait3A_227 = tpu.memref_slice %arg4[%add3A_216, %dma_wait3A_225, %dma_wait3A_226] : memref<16384x50x32xf32, #tpu.memory_space<hbm>> -> memref<8x50x32xf32, #tpu.memory_space<hbm>>
    %dma_wait3A_228 = arith.constant 0 : i32
    %dma_wait3A_229 = arith.constant 0 : i32
    %dma_wait3A_230 = arith.constant 0 : i32
    %dma_wait3A_231 = tpu.memref_slice %arg6[%dma_wait3A, %dma_wait3A_228, %dma_wait3A_229, %dma_wait3A_230] : memref<4x8x50x32xf32, #tpu.memory_space<vmem>> -> memref<1x8x50x32xf32, #tpu.memory_space<vmem>>
    %dma_wait3A_232 = tpu.memref_squeeze %dma_wait3A_231 : memref<1x8x50x32xf32, #tpu.memory_space<vmem>> -> memref<8x50x32xf32, #tpu.memory_space<vmem>>
    tpu.wait_dma2 semaphore(%arg11 : memref<!tpu.dma_semaphore, #tpu.memory_space<semaphore_mem>>) src(%dma_wait3A_232 : memref<8x50x32xf32, #tpu.memory_space<vmem>>) dst(%dma_wait3A_227 : memref<8x50x32xf32, #tpu.memory_space<hbm>>)
    %add3A_233 = arith.constant 488 : i32
    %add3A_234 = arith.addi %mul3A_2, %add3A_233 : i32
    %dma_wait3A_235 = arith.constant 1 : i32
    %dma_wait3A_236 = arith.constant 0 : i32
    %dma_wait3A_237 = arith.constant 0 : i32
    %dma_wait3A_238 = arith.constant 0 : i32
    %dma_wait3A_239 = tpu.memref_slice %arg6[%dma_wait3A_235, %dma_wait3A_236, %dma_wait3A_237, %dma_wait3A_238] : memref<4x8x50x32xf32, #tpu.memory_space<vmem>> -> memref<1x8x50x32xf32, #tpu.memory_space<vmem>>
    %dma_wait3A_240 = tpu.memref_squeeze %dma_wait3A_239 : memref<1x8x50x32xf32, #tpu.memory_space<vmem>> -> memref<8x50x32xf32, #tpu.memory_space<vmem>>
    %dma_wait3A_241 = arith.constant 0 : i32
    %dma_wait3A_242 = arith.constant 0 : i32
    %dma_wait3A_243 = tpu.memref_slice %arg4[%add3A_234, %dma_wait3A_241, %dma_wait3A_242] : memref<16384x50x32xf32, #tpu.memory_space<hbm>> -> memref<8x50x32xf32, #tpu.memory_space<hbm>>
    %dma_wait3A_244 = arith.constant 0 : i32
    %dma_wait3A_245 = arith.constant 0 : i32
    %dma_wait3A_246 = tpu.memref_slice %arg4[%add3A_234, %dma_wait3A_244, %dma_wait3A_245] : memref<16384x50x32xf32, #tpu.memory_space<hbm>> -> memref<8x50x32xf32, #tpu.memory_space<hbm>>
    %dma_wait3A_247 = arith.constant 0 : i32
    %dma_wait3A_248 = arith.constant 0 : i32
    %dma_wait3A_249 = arith.constant 0 : i32
    %dma_wait3A_250 = tpu.memref_slice %arg6[%dma_wait3A_235, %dma_wait3A_247, %dma_wait3A_248, %dma_wait3A_249] : memref<4x8x50x32xf32, #tpu.memory_space<vmem>> -> memref<1x8x50x32xf32, #tpu.memory_space<vmem>>
    %dma_wait3A_251 = tpu.memref_squeeze %dma_wait3A_250 : memref<1x8x50x32xf32, #tpu.memory_space<vmem>> -> memref<8x50x32xf32, #tpu.memory_space<vmem>>
    tpu.wait_dma2 semaphore(%arg12 : memref<!tpu.dma_semaphore, #tpu.memory_space<semaphore_mem>>) src(%dma_wait3A_251 : memref<8x50x32xf32, #tpu.memory_space<vmem>>) dst(%dma_wait3A_246 : memref<8x50x32xf32, #tpu.memory_space<hbm>>)
    %add3A_252 = arith.constant 496 : i32
    %add3A_253 = arith.addi %mul3A_2, %add3A_252 : i32
    %dma_wait3A_254 = arith.constant 2 : i32
    %dma_wait3A_255 = arith.constant 0 : i32
    %dma_wait3A_256 = arith.constant 0 : i32
    %dma_wait3A_257 = arith.constant 0 : i32
    %dma_wait3A_258 = tpu.memref_slice %arg6[%dma_wait3A_254, %dma_wait3A_255, %dma_wait3A_256, %dma_wait3A_257] : memref<4x8x50x32xf32, #tpu.memory_space<vmem>> -> memref<1x8x50x32xf32, #tpu.memory_space<vmem>>
    %dma_wait3A_259 = tpu.memref_squeeze %dma_wait3A_258 : memref<1x8x50x32xf32, #tpu.memory_space<vmem>> -> memref<8x50x32xf32, #tpu.memory_space<vmem>>
    %dma_wait3A_260 = arith.constant 0 : i32
    %dma_wait3A_261 = arith.constant 0 : i32
    %dma_wait3A_262 = tpu.memref_slice %arg4[%add3A_253, %dma_wait3A_260, %dma_wait3A_261] : memref<16384x50x32xf32, #tpu.memory_space<hbm>> -> memref<8x50x32xf32, #tpu.memory_space<hbm>>
    %dma_wait3A_263 = arith.constant 0 : i32
    %dma_wait3A_264 = arith.constant 0 : i32
    %dma_wait3A_265 = tpu.memref_slice %arg4[%add3A_253, %dma_wait3A_263, %dma_wait3A_264] : memref<16384x50x32xf32, #tpu.memory_space<hbm>> -> memref<8x50x32xf32, #tpu.memory_space<hbm>>
    %dma_wait3A_266 = arith.constant 0 : i32
    %dma_wait3A_267 = arith.constant 0 : i32
    %dma_wait3A_268 = arith.constant 0 : i32
    %dma_wait3A_269 = tpu.memref_slice %arg6[%dma_wait3A_254, %dma_wait3A_266, %dma_wait3A_267, %dma_wait3A_268] : memref<4x8x50x32xf32, #tpu.memory_space<vmem>> -> memref<1x8x50x32xf32, #tpu.memory_space<vmem>>
    %dma_wait3A_270 = tpu.memref_squeeze %dma_wait3A_269 : memref<1x8x50x32xf32, #tpu.memory_space<vmem>> -> memref<8x50x32xf32, #tpu.memory_space<vmem>>
    tpu.wait_dma2 semaphore(%arg13 : memref<!tpu.dma_semaphore, #tpu.memory_space<semaphore_mem>>) src(%dma_wait3A_270 : memref<8x50x32xf32, #tpu.memory_space<vmem>>) dst(%dma_wait3A_265 : memref<8x50x32xf32, #tpu.memory_space<hbm>>)
    %add3A_271 = arith.constant 504 : i32
    %add3A_272 = arith.addi %mul3A_2, %add3A_271 : i32
    %dma_wait3A_273 = arith.constant 3 : i32
    %dma_wait3A_274 = arith.constant 0 : i32
    %dma_wait3A_275 = arith.constant 0 : i32
    %dma_wait3A_276 = arith.constant 0 : i32
    %dma_wait3A_277 = tpu.memref_slice %arg6[%dma_wait3A_273, %dma_wait3A_274, %dma_wait3A_275, %dma_wait3A_276] : memref<4x8x50x32xf32, #tpu.memory_space<vmem>> -> memref<1x8x50x32xf32, #tpu.memory_space<vmem>>
    %dma_wait3A_278 = tpu.memref_squeeze %dma_wait3A_277 : memref<1x8x50x32xf32, #tpu.memory_space<vmem>> -> memref<8x50x32xf32, #tpu.memory_space<vmem>>
    %dma_wait3A_279 = arith.constant 0 : i32
    %dma_wait3A_280 = arith.constant 0 : i32
    %dma_wait3A_281 = tpu.memref_slice %arg4[%add3A_272, %dma_wait3A_279, %dma_wait3A_280] : memref<16384x50x32xf32, #tpu.memory_space<hbm>> -> memref<8x50x32xf32, #tpu.memory_space<hbm>>
    %dma_wait3A_282 = arith.constant 0 : i32
    %dma_wait3A_283 = arith.constant 0 : i32
    %dma_wait3A_284 = tpu.memref_slice %arg4[%add3A_272, %dma_wait3A_282, %dma_wait3A_283] : memref<16384x50x32xf32, #tpu.memory_space<hbm>> -> memref<8x50x32xf32, #tpu.memory_space<hbm>>
    %dma_wait3A_285 = arith.constant 0 : i32
    %dma_wait3A_286 = arith.constant 0 : i32
    %dma_wait3A_287 = arith.constant 0 : i32
    %dma_wait3A_288 = tpu.memref_slice %arg6[%dma_wait3A_273, %dma_wait3A_285, %dma_wait3A_286, %dma_wait3A_287] : memref<4x8x50x32xf32, #tpu.memory_space<vmem>> -> memref<1x8x50x32xf32, #tpu.memory_space<vmem>>
    %dma_wait3A_289 = tpu.memref_squeeze %dma_wait3A_288 : memref<1x8x50x32xf32, #tpu.memory_space<vmem>> -> memref<8x50x32xf32, #tpu.memory_space<vmem>>
    tpu.wait_dma2 semaphore(%arg14 : memref<!tpu.dma_semaphore, #tpu.memory_space<semaphore_mem>>) src(%dma_wait3A_289 : memref<8x50x32xf32, #tpu.memory_space<vmem>>) dst(%dma_wait3A_284 : memref<8x50x32xf32, #tpu.memory_space<hbm>>)
    return
  }
}

module attributes {stable_mosaic.version = 14 : i64} {
  func.func @_tc_normalize(%arg0: i32, %arg1: memref<8192x128xf32, #tpu.memory_space<vmem>>, %arg2: memref<8192x128xf32, #tpu.memory_space<vmem>>) attributes {dimension_semantics = [#tpu.dimension_semantics<arbitrary>], iteration_bounds = array<i64: 25>, scalar_prefetch = 0 : i64, scratch_operands = 0 : i64, tpu.core_type = #tpu.core_type<tc>, window_params = [{transform_indices = @transform_0, window_bounds = array<i64: 8192, 128>}, {transform_indices = @transform_1, window_bounds = array<i64: 8192, 128>}]} {
    %get3A = arith.constant 0 : index
    %get3A_0 = arith.constant 0 : index
    %get3A_1 = vector.load %arg1[%get3A, %get3A_0] : memref<8192x128xf32, #tpu.memory_space<vmem>>, vector<8192x128xf32>
    %iota3A = tpu.iota {dimensions = array<i32: 0>} : vector<128x128xi32>
    %jit3A = arith.constant 32 : i32
    %div3A = vector.broadcast %jit3A : i32 to vector<128x128xi32>
    %div3A_2 = arith.divsi %iota3A, %div3A : vector<128x128xi32>
    %sign3A = arith.constant 0 : i32
    %sign3A_3 = vector.broadcast %sign3A : i32 to vector<128x128xi32>
    %sign3A_4 = arith.cmpi sgt, %iota3A, %sign3A_3 : vector<128x128xi32>
    %sign3A_5 = arith.extui %sign3A_4 : vector<128x128xi1> to vector<128x128xi32>
    %sign3A_6 = arith.constant 0 : i32
    %sign3A_7 = vector.broadcast %sign3A_6 : i32 to vector<128x128xi32>
    %sign3A_8 = arith.cmpi slt, %iota3A, %sign3A_7 : vector<128x128xi32>
    %sign3A_9 = arith.extui %sign3A_8 : vector<128x128xi1> to vector<128x128xi32>
    %sign3A_10 = arith.subi %sign3A_5, %sign3A_9 : vector<128x128xi32>
    %sign3A_11 = arith.constant 0 : i32
    %sign3A_12 = arith.cmpi sgt, %jit3A, %sign3A_11 : i32
    %sign3A_13 = arith.extui %sign3A_12 : i1 to i32
    %sign3A_14 = arith.constant 0 : i32
    %sign3A_15 = arith.cmpi slt, %jit3A, %sign3A_14 : i32
    %sign3A_16 = arith.extui %sign3A_15 : i1 to i32
    %sign3A_17 = arith.subi %sign3A_13, %sign3A_16 : i32
    %ne3A = vector.broadcast %sign3A_17 : i32 to vector<128x128xi32>
    %ne3A_18 = arith.cmpi ne, %sign3A_10, %ne3A : vector<128x128xi32>
    %rem3A = vector.broadcast %jit3A : i32 to vector<128x128xi32>
    %rem3A_19 = arith.remsi %iota3A, %rem3A : vector<128x128xi32>
    %ne3A_20 = arith.constant 0 : i32
    %ne3A_21 = vector.broadcast %ne3A_20 : i32 to vector<128x128xi32>
    %ne3A_22 = arith.cmpi ne, %rem3A_19, %ne3A_21 : vector<128x128xi32>
    %and3A = arith.andi %ne3A_18, %ne3A_22 : vector<128x128xi1>
    %sub3A = arith.constant 1 : i32
    %sub3A_23 = vector.broadcast %sub3A : i32 to vector<128x128xi32>
    %sub3A_24 = arith.subi %div3A_2, %sub3A_23 : vector<128x128xi32>
    %select_n3A = arith.select %and3A, %sub3A_24, %div3A_2 : vector<128x128xi1>, vector<128x128xi32>
    %iota3A_25 = tpu.iota {dimensions = array<i32: 1>} : vector<128x128xi32>
    %jit3A_26 = arith.constant 32 : i32
    %div3A_27 = vector.broadcast %jit3A_26 : i32 to vector<128x128xi32>
    %div3A_28 = arith.divsi %iota3A_25, %div3A_27 : vector<128x128xi32>
    %sign3A_29 = arith.constant 0 : i32
    %sign3A_30 = vector.broadcast %sign3A_29 : i32 to vector<128x128xi32>
    %sign3A_31 = arith.cmpi sgt, %iota3A_25, %sign3A_30 : vector<128x128xi32>
    %sign3A_32 = arith.extui %sign3A_31 : vector<128x128xi1> to vector<128x128xi32>
    %sign3A_33 = arith.constant 0 : i32
    %sign3A_34 = vector.broadcast %sign3A_33 : i32 to vector<128x128xi32>
    %sign3A_35 = arith.cmpi slt, %iota3A_25, %sign3A_34 : vector<128x128xi32>
    %sign3A_36 = arith.extui %sign3A_35 : vector<128x128xi1> to vector<128x128xi32>
    %sign3A_37 = arith.subi %sign3A_32, %sign3A_36 : vector<128x128xi32>
    %sign3A_38 = arith.constant 0 : i32
    %sign3A_39 = arith.cmpi sgt, %jit3A_26, %sign3A_38 : i32
    %sign3A_40 = arith.extui %sign3A_39 : i1 to i32
    %sign3A_41 = arith.constant 0 : i32
    %sign3A_42 = arith.cmpi slt, %jit3A_26, %sign3A_41 : i32
    %sign3A_43 = arith.extui %sign3A_42 : i1 to i32
    %sign3A_44 = arith.subi %sign3A_40, %sign3A_43 : i32
    %ne3A_45 = vector.broadcast %sign3A_44 : i32 to vector<128x128xi32>
    %ne3A_46 = arith.cmpi ne, %sign3A_37, %ne3A_45 : vector<128x128xi32>
    %rem3A_47 = vector.broadcast %jit3A_26 : i32 to vector<128x128xi32>
    %rem3A_48 = arith.remsi %iota3A_25, %rem3A_47 : vector<128x128xi32>
    %ne3A_49 = arith.constant 0 : i32
    %ne3A_50 = vector.broadcast %ne3A_49 : i32 to vector<128x128xi32>
    %ne3A_51 = arith.cmpi ne, %rem3A_48, %ne3A_50 : vector<128x128xi32>
    %and3A_52 = arith.andi %ne3A_46, %ne3A_51 : vector<128x128xi1>
    %sub3A_53 = arith.constant 1 : i32
    %sub3A_54 = vector.broadcast %sub3A_53 : i32 to vector<128x128xi32>
    %sub3A_55 = arith.subi %div3A_28, %sub3A_54 : vector<128x128xi32>
    %select_n3A_56 = arith.select %and3A_52, %sub3A_55, %div3A_28 : vector<128x128xi1>, vector<128x128xi32>
    %eq3A = arith.cmpi eq, %select_n3A, %select_n3A_56 : vector<128x128xi32>
    %convert_element_type3A = arith.extui %eq3A : vector<128x128xi1> to vector<128x128xi32>
    %convert_element_type3A_57 = arith.sitofp %convert_element_type3A : vector<128x128xi32> to vector<128x128xf32>
    %mul3A = arith.mulf %get3A_1, %get3A_1 : vector<8192x128xf32>
    %dot_general3A = arith.constant dense<0.000000e+00> : vector<8192x128xf32>
    %dot_general3A_58 = tpu.matmul %mul3A, %convert_element_type3A_57, %dot_general3A {dimension_numbers = #tpu.dot_dimension_numbers<[1], [0], [0], [1], [0, 0, 1, 1], [], []>, transpose_lhs_hint = false} : vector<8192x128xf32>, vector<128x128xf32>, vector<8192x128xf32> -> vector<8192x128xf32>
    %max3A = arith.constant 1.000000e-24 : f32
    %max3A_59 = vector.broadcast %max3A : f32 to vector<8192x128xf32>
    %max3A_60 = arith.maximumf %dot_general3A_58, %max3A_59 : vector<8192x128xf32>
    %rsqrt3A = math.rsqrt %max3A_60 : vector<8192x128xf32>
    %mul3A_61 = arith.mulf %get3A_1, %rsqrt3A : vector<8192x128xf32>
    %swap3A = arith.constant 0 : index
    %swap3A_62 = arith.constant 0 : index
    %swap3A_63 = vector.load %arg2[%swap3A, %swap3A_62] : memref<8192x128xf32, #tpu.memory_space<vmem>>, vector<8192x128xf32>
    tpu.vector_store %arg2[%swap3A, %swap3A_62], %mul3A_61 {strides = array<i32>} : memref<8192x128xf32, #tpu.memory_space<vmem>>, vector<8192x128xf32>,
    return
  }
  func.func @transform_0(%arg0: i32) -> (i32, i32) {
    %c0_i32 = arith.constant 0 : i32
    %c0_i32_0 = arith.constant 0 : i32
    return %arg0, %c0_i32 : i32, i32
  }
  func.func @transform_1(%arg0: i32) -> (i32, i32) {
    %c0_i32 = arith.constant 0 : i32
    %c0_i32_0 = arith.constant 0 : i32
    return %arg0, %c0_i32 : i32, i32
  }
}

</mosaic_0001>

<sc_bundles>
// kernel: kernel.4.cloned.1.call-start
scs
__scs_entry_jumppad:
0x0: {  	(pc) =	sbr.rel $0x88, $3  }
0x1: {  	(tag) =	ssettag $0x0;
	lr =	simm.s32 $0x1  }
0x2: {  	[smem:$0x3F9F] =	sst lr;
	_ =	strace $0xD0000000  }
0x3: {  	_ = 	snop  }
0x4: {  	_ = 	snop  }
0x5: {  	_ = 	snop  }
0x6: {  	_ = 	snop  }
0x7: {  	_ = 	snop  }
__scs_overlays_trampoline_lowered:
0x8: {  	[smem:$0x3FAE] =	sst s0  }
0x9: {  	[smem:$0x3FAF] =	sst s1  }
0xa: {  	[smem:$0x3FB0] =	sst s2  }
0xb: {  	[smem:$0x3FB1] =	sst s3  }
0xc: {  	[smem:$0x3FB2] =	sst s4  }
0xd: {  	[smem:$0x3FB3] =	sst s5  }
0xe: {  	[smem:$0x3FB4] =	sst s6  }
0xf: {  	[smem:$0x3FB5] =	sst s7  }
0x10: {  	[smem:$0x3FB6] =	sst s8  }
0x11: {  	[smem:$0x3FB7] =	sst s9;
	s0 =	simm.s32 @!p0 $0x0  }
0x12: {  	s1 =	sld [smem:$0x3F9D];
	s0 =	simm.s32 @p0 $0x1  }
0x13: {  	[smem:$0x3FB8] =	sst s0;
	s0 =	simm.s32 @!p1 $0x0  }
0x14: {  	s2 =	sld [smem:$0x3F9C];
	s0 =	simm.s32 @p1 $0x1  }
0x15: {  	[smem:$0x3FB9] =	sst s0;
	s0 =	simm.s32 @!p2 $0x0  }
0x16: {  	s3 =	sld [smem:$0x3FDB];
	s0 =	simm.s32 @p2 $0x1  }
0x17: {  	s4 =	simm.s32 $0x1BF5;
	[smem:$0x3FBB] =	sst s0  }
0x18: {  	s0 =	sld [smem:$0x3F9E];
	_ =	swait.ge [sflag:s4], $0x0  }
0x19: {  	s7 =	sld [smem:$0x3F9F]  }
0x1a: {  	s8 =	sadd.s32 $0xFFFFE003, lr  }
0x1b: {  	s9 =	sadd.s32 $0xFFFFFEF7, lr;
	s5 =	simm.s32 $0xFFFFFFFF;
	p2 =	slt.u32 s8, $0xFFFFF086  }
0x1c: {  	p1 =	slt.u32 s9, $0xF7A;
	s5 =	simm.s32 @!p2 $0x0  }
0x1d: {  	s5 =	simm.s32 @p1 $0x1;
	p0 =	seq.s32 s7, s2  }
0x1e: {  	s7 =	smul.u32 @!p0 $0xF7A, s2;
	p2 =	seq.s32 @!p0 s5, $0x0  }
0x1f: {  	s9 =	smul.u32 $0xF7A, s1;
	s8 =	simm.s32 @!p0 $0x1BF5;
	p2 =	por !p2, p0  }
0x20: {  	[sflag:s8] =	ssyncset.s32 @!p0 $0xFFFFF086;
	s6 =	sadd.s32 @!p0 s3, s7;
	s7 =	simm.s32 @!p0 $0x108  }
0x21: {  	s3 =	sadd.s32 s3, s9;
	s6 =	sadd.s32 @!p0 $0x88, s6;
	s7 =	simm.s32 @p2 $0x1082  }
0x22: {  	[simem:s7], [sflag:s8] =	dma.local @!p0 [hbm:s6], $0xF7A  }
0x23: {  	s9 =	sor.u32 $0xD0000000, s2;
	s6 =	simm.s32 $0x108;
	_ =	swait.ge @!p0 [sflag:s8], $0x0  }
0x24: {  	s3 =	sadd.s32 $0x88, s3;
	s6 =	simm.s32 @!p1 $0x1082;
	[sflag:s4] =	ssyncset.s32 $0xFFFFF086  }
0x25: {  	[simem:s6], [sflag:s4] =	dma.local [hbm:s3], $0xF7A  }
0x26: {  	[smem:$0x3F9F] =	sst s1;
	(tag) =	ssettag s2;
	_ =	strace s9  }
0x27: {  	s1 =	sld [smem:$0x3FAF]  }
0x28: {  	s2 =	sld [smem:$0x3FB0]  }
0x29: {  	s4 =	sld [smem:$0x3FB2]  }
0x2a: {  	p0 =	seq.s32 s5, $0x0;
	s5 =	sld [smem:$0x3FB3]  }
0x2b: {  	s6 =	sld [smem:$0x3FB4]  }
0x2c: {  	s7 =	sld [smem:$0x3FB5]  }
0x2d: {  	s3 =	simm.s32 $0x108;
	s8 =	sld [smem:$0x3FB6]  }
0x2e: {  	s3 =	simm.s32 @!p0 $0x1082;
	s9 =	sld [smem:$0x3FB7]  }
0x2f: {  	lr =	sadd.s32 s0, s3;
	s0 =	sld [smem:$0x3FAE]  }
0x30: {  	s3 =	sld [smem:$0x3FB1]  }
0x31: {  	[smem:$0x3FBA] =	sst s10  }
0x32: {  	s10 =	sld [smem:$0x3FB8];
	_ =	sdelay $0x3  }
0x33: {  	p0 =	seq.s32 s10, $0x1;
	s10 =	sld [smem:$0x3FBA];
	_ =	sdelay $0x3  }
0x34: {  	[smem:$0x3FBA] =	sst s10  }
0x35: {  	s10 =	sld [smem:$0x3FB9];
	_ =	sdelay $0x3  }
0x36: {  	p1 =	seq.s32 s10, $0x1;
	s10 =	sld [smem:$0x3FBA];
	_ =	sdelay $0x3  }
0x37: {  	[smem:$0x3FBA] =	sst s10  }
0x38: {  	s10 =	sld [smem:$0x3FBB]  }
0x39: {  	_ = 	snop;
	(pc) =	sbr.ind lr, $3  }
0x3a: {  	_ = 	snop  }
0x3b: {  	_ = 	snop  }
0x3c: {  	p2 =	seq.s32 s10, $0x1;
	s10 =	sld [smem:$0x3FBA]  }
0x3d: {  	_ =	shalt  }
0x3e: {  	_ =	shalt  }
0x3f: {  	_ =	shalt  }
0x40: {  	_ =	shalt  }
0x41: {  	_ =	shalt  }
0x42: {  	_ =	shalt  }
0x43: {  	_ =	shalt  }
0x44: {  	_ =	shalt  }
0x45: {  	_ =	shalt  }
0x46: {  	_ =	shalt  }
0x47: {  	_ =	shalt  }
0x48: {  	_ =	shalt  }
0x49: {  	_ =	shalt  }
0x4a: {  	_ =	shalt  }
0x4b: {  	_ =	shalt  }
0x4c: {  	_ =	shalt  }
0x4d: {  	_ =	shalt  }
0x4e: {  	_ =	shalt  }
0x4f: {  	_ =	shalt  }
0x50: {  	_ =	shalt  }
0x51: {  	_ =	shalt  }
0x52: {  	_ =	shalt  }
0x53: {  	_ =	shalt  }
0x54: {  	_ =	shalt  }
0x55: {  	_ =	shalt  }
0x56: {  	_ =	shalt  }
0x57: {  	_ =	shalt  }
0x58: {  	_ =	shalt  }
0x59: {  	_ =	shalt  }
0x5a: {  	_ =	shalt  }
0x5b: {  	_ =	shalt  }
0x5c: {  	_ =	shalt  }
0x5d: {  	_ =	shalt  }
0x5e: {  	_ =	shalt  }
0x5f: {  	_ =	shalt  }
0x60: {  	_ =	shalt  }
0x61: {  	_ =	shalt  }
0x62: {  	_ =	shalt  }
0x63: {  	_ =	shalt  }
0x64: {  	_ =	shalt  }
0x65: {  	_ =	shalt  }
0x66: {  	_ =	shalt  }
0x67: {  	_ =	shalt  }
0x68: {  	_ =	shalt  }
0x69: {  	_ =	shalt  }
0x6a: {  	_ =	shalt  }
0x6b: {  	_ =	shalt  }
0x6c: {  	_ =	shalt  }
0x6d: {  	_ =	shalt  }
0x6e: {  	_ =	shalt  }
0x6f: {  	_ =	shalt  }
0x70: {  	_ =	shalt  }
0x71: {  	_ =	shalt  }
0x72: {  	_ =	shalt  }
0x73: {  	_ =	shalt  }
0x74: {  	_ =	shalt  }
0x75: {  	_ =	shalt  }
0x76: {  	_ =	shalt  }
0x77: {  	_ =	shalt  }
0x78: {  	_ =	shalt  }
0x79: {  	_ =	shalt  }
0x7a: {  	_ =	shalt  }
0x7b: {  	_ =	shalt  }
0x7c: {  	_ =	shalt  }
0x7d: {  	_ =	shalt  }
0x7e: {  	_ =	shalt  }
0x7f: {  	_ =	shalt  }
0x80: {  	_ =	shalt  }
0x81: {  	_ =	shalt  }
0x82: {  	_ =	shalt  }
0x83: {  	_ =	shalt  }
0x84: {  	_ =	shalt  }
0x85: {  	_ =	shalt  }
0x86: {  	_ =	shalt  }
0x87: {  	_ =	shalt  }
.Lfunc_end0:
.L_simem_size_0:
called_computation.1_lowered:
.L_overlay_start_0:
0x88: {  	s2 =	sld [smem:$0x3FD9]  }
0x89: {  	s3 =	sld [smem:$0x3FFE];
	_ =	sdelay $0x1  }
0x8a: {  	s1 =	srdreg.scid  }
0x8b: {  	s0 =	sand.u32 $0x1, s1  }
0x8c: {  	s17 =	sshll.u32 s0, $0xA;
	s2 =	sadd.s32 s3, s2  }
0x8d: {  	s2 =	sadd.s32 s2, s17  }
0x8e: {  	[smem:$0x3FC6] =	sst s2  }
0x8f: {  	_ = 	snop  }
0x90: {  	s2 =	sld [smem:$0x3FD0];
	(tm) =	ssettm $0x1  }
0x91: {  	s18 =	sld [smem:$0x3FFB];
	_ =	sdelay $0x3  }
0x92: {  	_ =	strace s18  }
0x93: {  	s3 =	sld [smem:$0x3FFC];
	_ =	sdelay $0x3  }
0x94: {  	_ =	strace s3  }
0x95: {  	s3 =	sld [smem:$0x3FFD];
	_ =	sdelay $0x3  }
0x96: {  	_ =	strace s3  }
0x97: {  	_ =	strace $0x8FFFFFFF  }
0x98: {  	s19 =	sld [smem:$0x3FDB];
	_ =	sdelay $0x1  }
0x99: {  	s4 =	simm.s32 $_scs_section_size  }
0x9a: {  	s5 =	simm.s32 $_size__tile_overlayer_lowered;
	s6 =	simm.s32 $_tile_overlayer_lowered  }
0x9b: {  	s22 =	simm.s32 $0x1BFF;
	s21 =	sshll.u32 s6, $0x1;
	s3 =	sadd.s32 s4, s19  }
0x9c: {  	s7 =	simm.s32 $0x0;
	s20 =	sshll.u32 s5, $0x1;
	s5 =	sadd.s32 s21, s3  }
0x9d: {  	[timem:s7], [sflag:s22] =	dma.local [hbm:s5], s20  }
0x9e: {  	_ =	swait.ge [sflag:s22], s20  }
0x9f: {  	s4 =	ssub.s32 $0x0, s20;
	[sflag:s22] =	ssyncset.done $0x0  }
0xa0: {  	[sflag:s22] =	ssyncadd.s32 s4;
	_ =	sdelay $0x1  }
0xa1: {  	s23 =	simm.s32 $0x1B8B  }
0xa2: {  	_ =	swait.ge [sflag:s23], $0x1  }
0xa3: {  	[sflag:s23] =	ssyncset.done $0x0  }
0xa4: {  	s25 =	simm.s32 $0x1B8E;
	s24 =	sld [smem:$0x3FFE];
	[sflag:s23] =	ssyncadd.s32 $0xFFFFFFFF  }
0xa5: {  	s26 =	simm.s32 $execute0_lowered;
	[smem:$0x3FD2] =	sst s25  }
0xa6: {  	s5 =	sshll.u32 s26, $0x1;
	_ =	strace $0x80000046;
	[dreg:$0x1] =	wrdreg $0xFFFFFFFF  }
0xa7: {  	s28 =	simm.s32 $_size_execute0_lowered;
	s3 =	sadd.s32 s3, s5;
	[dreg:$0x0] =	wrdreg $0x0  }
0xa8: {  	s5 =	sshll.u32 s28, $0x1;
	[dreg:$0x2] =	wrdreg s3  }
0xa9: {  	[dreg:$0x3] =	wrdreg s5  }
0xaa: {  	[dreg:$0x4] =	wrdreg $0xC0  }
0xab: {  	_ =	task [dreg:s7], $0x5FFFF  }
0xac: {  	[dreg:$0x1] =	wrdreg $0xFFFFFFFF  }
0xad: {  	[dreg:$0x0] =	wrdreg $0x60  }
0xae: {  	[dreg:$0x2] =	wrdreg s2  }
0xaf: {  	[dreg:$0x3] =	wrdreg s24  }
0xb0: {  	[dreg:$0x4] =	wrdreg $0x9  }
0xb1: {  	_ =	task.clear_ibuf [dreg:s7], $0x5FFFF;
	_ =	strace $0x90000046  }
0xb2: {  	s29 =	simm.s32 $0x9;
	_ =	strace $0x80000048  }
0xb3: {  	_ =	swait.ge [sflag:s29], $0x1  }
0xb4: {  	[sflag:s29] =	ssyncadd.s32 $0xFFFFFFFF  }
0xb5: {  	_ =	strace $0x90000048  }
0xb6: {  	_ =	sfence  }
0xb7: {  	s30 =	sld [smem:$0x0];
	_ =	sdelay $0x2  }
0xb8: {  	s31 =	sshll.u32 s1, $0xD;
	s1 =	sshrl.u32 s1, $0x2  }
0xb9: {  	s3 =	sand.u32 $0x4000, s31;
	s1 =	sadd.s32 s1, s30  }
0xba: {  	s0 =	sor.u32 s3, s0;
	s1 =	sshll.u32 s1, $0x11  }
0xbb: {  	s0 =	sor.u32 s1, s0  }
0xbc: {  	s0 =	sadd.s32 $0x8F2B, s0  }
0xbd: {  	[sflag:s0] =	ssyncadd.remote.s32 $0x1  }
0xbe: {  	_ =	sfence.sel $0xFFFF  }
0xbf: {  	[dreg:$0x0] =	wrdreg $0xFFFFFFFF;
	(pc) =	sbr.abs _section_cstart, $3  }
0xc0: {  	[dreg:$0x1] =	wrdreg $0xFFFFFFFF  }
0xc1: {  	_ =	task.clear_ibuf [dreg:s7], $0x2FFFF;
	_ =	strace $0x9FFFFFFF  }
0xc2: {  	(tm) =	ssettm $0x7FFFFFFF  }
0xc3: {  	_ =	shalt  }
tec
execute0_lowered:
.L_overlay_start_1:
0x0: {  	(tag) =	ssettag $0x1  }
0x1: {  	s0 =	rddreg [dreg:$0x0];
	s1 =	srdreg.scid  }
0x2: {  	s4 =	rddreg [dreg:$0x1];
	s6 =	stileid.u32;
	s2 =	simm.s32 $0x0  }
0x3: {  	s8 =	simm.s32 $0x32;
	s17 =	simm.s32 $0x1;
	s18 =	simm.s32 $0xD400  }
0x4: {  	s20 =	simm.s32 $0xE080;
	s21 =	simm.s32 $0xE6C0;
	s22 =	simm.s32 $0xED00  }
0x5: {  	s23 =	simm.s32 $0xF340;
	s24 =	simm.s32 $0xF980;
	s29 =	simm.s32 $0x2  }
0x6: {  	s31 =	simm.s32 $0x10600;
	s11 =	simm.s32 $0x11280;
	s13 =	simm.s32 $0x118C0  }
0x7: {  	s15 =	simm.s32 $0x11F00;
	s9 =	simm.s32 $0x4;
	s28 =	simm.s32 $0x6  }
0x8: {  	s12 =	simm.s32 $0x0;
	s1 =	sand.u32 $0x1, s1;
	s3 =	sshll.u32 s6, $0xA  }
0x9: {  	s6 =	smul.u32 $0x32000, s6;
	[smem:$0x7FF] =	sst s2;
	s5 =	sshll.u32 s1, $0x9  }
0xa: {  	s7 =	ssub.s32 $0x2, s1;
	s1 =	smul.u32 $0x19000, s1;
	s3 =	sor.u32 s5, s3  }
0xb: {  	_ =	strace $0x80000047;
	s25 =	sshrl.u32 s7, $0x1;
	s5 =	smul.u32 $0x7, s3  }
0xc: {  	s3 =	sadd.s32 $0xF42E00, s4;
	s4 =	sadd.s32 s6, s4;
	s6 =	ssub.s32 s7, s25  }
.Ltmp0:
0xd: {  	s25 =	simm.s32 $0xA200;
	s7 =	simm.s32 $0x3;
	(pc) =	sbr.rel .LBB2_1-.Ltmp0, $4  }
0xe: {  	s26 =	sadd.s32 s1, s4;
	s30 =	smax.u32 s6, $0x1;
	s1 =	simm.s32 $0x10C40  }
0xf: {  	s4 =	simm.s32 $0x12540;
	s0 =	sadd.s32 s0, s5;
	[dreg:$0x4] =	wrdreg s30  }
0x10: {  	s6 =	simm.s32 $0x131C0;
	[dreg:$0x3] =	wrdreg s0;
	s0 =	sadd.s32 $0xA00, s26  }
0x11: {  	s5 =	simm.s32 $0x12B80;
	s26 =	simm.s32 $0xFFC0;
	[dreg:$0x5] =	wrdreg s0  }
.LBB2_4:
0x12: {  	s0 =	simm.s32 $0x5  }
0x13: {  	_ =	swait.ge [sflag:s0], $0x3200  }
0x14: {  	[sflag:s0] =	ssyncset.done $0x0  }
0x15: {  	[sflag:s0] =	ssyncadd.s32 $0xFFFFCE00  }
0x16: {  	_ =	swait.ge [sflag:s28], $0x3200  }
0x17: {  	[sflag:s28] =	ssyncset.done $0x0  }
0x18: {  	s19 =	simm.s32 $0x7;
	[sflag:s28] =	ssyncadd.s32 $0xFFFFCE00  }
0x19: {  	_ =	swait.ge [sflag:s19], $0x3200  }
0x1a: {  	[sflag:s19] =	ssyncset.done $0x0  }
0x1b: {  	s10 =	simm.s32 $0x8;
	[sflag:s19] =	ssyncadd.s32 $0xFFFFCE00  }
0x1c: {  	_ =	swait.ge [sflag:s10], $0x3200  }
0x1d: {  	s12 =	rddreg [dreg:$0x6]  }
0x1e: {  	s30 =	rddreg [dreg:$0x4];
	s12 =	sadd.s32 $0x1, s12  }
0x1f: {  	p0 =	sne.s32 s12, s30  }
.Ltmp1:
0x20: {  	_ = 	snop;
	(pc) =	sbr.rel @!p0 .LBB2_5-.Ltmp1, $3  }
0x21: {  	_ =	sdelay $0x1  }
0x22: {  	[sflag:s10] =	ssyncset.done $0x0  }
0x23: {  	[sflag:s10] =	ssyncadd.s32 $0xFFFFCE00  }
.LBB2_1:
0x24: {  	[dreg:$0x6] =	wrdreg s12  }
0x25: {  	s0 =	rddreg [dreg:$0x3];
	s10 =	simm.s32 $0x9  }
0x26: {  	[tilespmem:s2], [sflag:$0x9] =	stream.linear.gather [hbm4b:s0+s2], $0x7000, $0x38;
	[tilespmem:$0x13800] =	vst v63  }
0x27: {  	_ =	swait.ge [sflag:s10], $0x7000  }
0x28: {  	[sflag:s10] =	ssyncset.done $0x0  }
0x29: {  	s12 =	simm.s32 $0x7000;
	[sflag:s10] =	ssyncadd.s32 $0xFFFF9000  }
0x2a: {  	[tilespmem:s12], [sflag:$0x1] =	stream.indirect.gather [hbm4b:s3+s8], $0x20, s2, s8, $0xb8;
	[tilespmem:$0x13800] =	vst v63  }
0x2b: {  	s14 =	simm.s32 $0x38;
	s10 =	simm.s32 $0x7640  }
0x2c: {  	[tilespmem:s10], [sflag:$0x1] =	stream.indirect.gather [hbm4b:s3+s8], $0x20, s14, s8, $0xb8;
	[tilespmem:$0x13800] =	vst v63  }
0x2d: {  	s16 =	simm.s32 $0x70;
	s19 =	simm.s32 $0x7C80  }
0x2e: {  	[tilespmem:s19], [sflag:$0x1] =	stream.indirect.gather [hbm4b:s3+s8], $0x20, s16, s8, $0xb8;
	[tilespmem:$0x13800] =	vst v63  }
0x2f: {  	s12 =	simm.s32 $0xA8;
	s14 =	simm.s32 $0x82C0  }
0x30: {  	[tilespmem:s14], [sflag:$0x1] =	stream.indirect.gather [hbm4b:s3+s8], $0x20, s12, s8, $0xb8;
	[tilespmem:$0x13800] =	vst v63  }
0x31: {  	s16 =	simm.s32 $0xE0;
	s19 =	simm.s32 $0x8900  }
0x32: {  	[tilespmem:s19], [sflag:$0x1] =	stream.indirect.gather [hbm4b:s3+s8], $0x20, s16, s8, $0xb8;
	[tilespmem:$0x13800] =	vst v63  }
0x33: {  	s12 =	simm.s32 $0x118;
	s14 =	simm.s32 $0x8F40  }
0x34: {  	[tilespmem:s14], [sflag:$0x1] =	stream.indirect.gather [hbm4b:s3+s8], $0x20, s12, s8, $0xb8;
	[tilespmem:$0x13800] =	vst v63  }
0x35: {  	s16 =	simm.s32 $0x150;
	s19 =	simm.s32 $0x9580  }
0x36: {  	[tilespmem:s19], [sflag:$0x1] =	stream.indirect.gather [hbm4b:s3+s8], $0x20, s16, s8, $0xb8;
	[tilespmem:$0x13800] =	vst v63  }
0x37: {  	s10 =	simm.s32 $0x188;
	s12 =	simm.s32 $0x9BC0  }
0x38: {  	[tilespmem:s12], [sflag:$0x1] =	stream.indirect.gather [hbm4b:s3+s8], $0x20, s10, s8, $0xb8;
	[tilespmem:$0x13800] =	vst v63  }
0x39: {  	s14 =	simm.s32 $0x1C0  }
0x3a: {  	[tilespmem:s25], [sflag:$0x2] =	stream.indirect.gather [hbm4b:s3+s8], $0x20, s14, s8, $0xb8;
	[tilespmem:$0x13800] =	vst v63  }
0x3b: {  	s16 =	simm.s32 $0x1F8;
	s19 =	simm.s32 $0xA840  }
0x3c: {  	[tilespmem:s19], [sflag:$0x2] =	stream.indirect.gather [hbm4b:s3+s8], $0x20, s16, s8, $0xb8;
	[tilespmem:$0x13800] =	vst v63  }
0x3d: {  	s12 =	simm.s32 $0x230;
	s14 =	simm.s32 $0xAE80  }
0x3e: {  	[tilespmem:s14], [sflag:$0x2] =	stream.indirect.gather [hbm4b:s3+s8], $0x20, s12, s8, $0xb8;
	[tilespmem:$0x13800] =	vst v63  }
0x3f: {  	s16 =	simm.s32 $0x268;
	s19 =	simm.s32 $0xB4C0  }
0x40: {  	[tilespmem:s19], [sflag:$0x2] =	stream.indirect.gather [hbm4b:s3+s8], $0x20, s16, s8, $0xb8;
	[tilespmem:$0x13800] =	vst v63  }
0x41: {  	s12 =	simm.s32 $0x2A0;
	s14 =	simm.s32 $0xBB00  }
0x42: {  	[tilespmem:s14], [sflag:$0x2] =	stream.indirect.gather [hbm4b:s3+s8], $0x20, s12, s8, $0xb8;
	[tilespmem:$0x13800] =	vst v63  }
0x43: {  	s16 =	simm.s32 $0x2D8;
	s19 =	simm.s32 $0xC140  }
0x44: {  	[tilespmem:s19], [sflag:$0x2] =	stream.indirect.gather [hbm4b:s3+s8], $0x20, s16, s8, $0xb8;
	[tilespmem:$0x13800] =	vst v63  }
0x45: {  	s0 =	simm.s32 $0x0;
	s12 =	simm.s32 $0x310;
	s14 =	simm.s32 $0xC780  }
0x46: {  	[tilespmem:s14], [sflag:$0x2] =	stream.indirect.gather [hbm4b:s3+s8], $0x20, s12, s8, $0xb8;
	[tilespmem:$0x13800] =	vst v63  }
0x47: {  	s30 =	rddreg [dreg:$0x5];
	s16 =	simm.s32 $0x348;
	s19 =	simm.s32 $0xCDC0  }
0x48: {  	[tilespmem:s19], [sflag:$0x2] =	stream.indirect.gather [hbm4b:s3+s8], $0x20, s16, s8, $0xb8;
	[tilespmem:$0x13800] =	vst v63  }
.LBB2_2:
0x49: {  	_ =	swait.ge [sflag:s17], $0x640  }
0x4a: {  	[sflag:s17] =	ssyncset.done $0x0  }
0x4b: {  	[sflag:s17] =	ssyncadd.s32 $0xFFFFF9C0  }
0x4c: {  	_ =	swait.ge [sflag:s17], $0x640  }
0x4d: {  	[sflag:s17] =	ssyncset.done $0x0  }
0x4e: {  	[sflag:s17] =	ssyncadd.s32 $0xFFFFF9C0  }
0x4f: {  	_ =	swait.ge [sflag:s17], $0x640  }
0x50: {  	[sflag:s17] =	ssyncset.done $0x0  }
0x51: {  	[sflag:s17] =	ssyncadd.s32 $0xFFFFF9C0  }
0x52: {  	_ =	swait.ge [sflag:s17], $0x640  }
0x53: {  	[sflag:s17] =	ssyncset.done $0x0  }
0x54: {  	[sflag:s17] =	ssyncadd.s32 $0xFFFFF9C0  }
0x55: {  	_ =	swait.ge [sflag:s17], $0x640  }
0x56: {  	[sflag:s17] =	ssyncset.done $0x0  }
0x57: {  	[sflag:s17] =	ssyncadd.s32 $0xFFFFF9C0  }
0x58: {  	_ =	swait.ge [sflag:s17], $0x640  }
0x59: {  	[sflag:s17] =	ssyncset.done $0x0  }
0x5a: {  	[sflag:s17] =	ssyncadd.s32 $0xFFFFF9C0  }
0x5b: {  	_ =	swait.ge [sflag:s17], $0x640  }
0x5c: {  	[sflag:s17] =	ssyncset.done $0x0  }
0x5d: {  	[sflag:s17] =	ssyncadd.s32 $0xFFFFF9C0  }
0x5e: {  	_ =	swait.ge [sflag:s17], $0x640  }
0x5f: {  	p0 =	seq.s32 s0, $0x0;
	[sflag:s17] =	ssyncset.done $0x0  }
0x60: {  	s10 =	simm.s32 $0x7000;
	s12 =	simm.s32 @!p0 $0x7;
	[sflag:s17] =	ssyncadd.s32 $0xFFFFF9C0  }
0x61: {  	[hbm4b:s30+s2] =	stream.linear.scatter [tilespmem:s10], [sflag:$0x5], $0x3200, $0x38;
	[tilespmem:$0x13800] =	vst v63  }
0x62: {  	_ =	swait.ge @!p0 [sflag:s12], $0x3200  }
0x63: {  	s10 =	sshra.s32 s0, $0x2;
	[sflag:s12] =	ssyncset.done @!p0 $0x0  }
0x64: {  	s16 =	sadd.s32 $0x380, s10;
	[sflag:s12] =	ssyncadd.s32 @!p0 $0xFFFFCE00  }
0x65: {  	[tilespmem:s18], [sflag:$0x3] =	stream.indirect.gather [hbm4b:s3+s8], $0x20, s16, s8, $0xb8;
	[tilespmem:$0x13800] =	vst v63  }
0x66: {  	s14 =	simm.s32 $0xDA40;
	s19 =	sadd.s32 $0x3B8, s10  }
0x67: {  	[tilespmem:s14], [sflag:$0x3] =	stream.indirect.gather [hbm4b:s3+s8], $0x20, s19, s8, $0xb8;
	[tilespmem:$0x13800] =	vst v63  }
0x68: {  	s16 =	sadd.s32 $0x3F0, s10  }
0x69: {  	[tilespmem:s20], [sflag:$0x3] =	stream.indirect.gather [hbm4b:s3+s8], $0x20, s16, s8, $0xb8;
	[tilespmem:$0x13800] =	vst v63  }
0x6a: {  	s19 =	sadd.s32 $0x428, s10  }
0x6b: {  	[tilespmem:s21], [sflag:$0x3] =	stream.indirect.gather [hbm4b:s3+s8], $0x20, s19, s8, $0xb8;
	[tilespmem:$0x13800] =	vst v63  }
0x6c: {  	s14 =	sadd.s32 $0x460, s10  }
0x6d: {  	[tilespmem:s22], [sflag:$0x3] =	stream.indirect.gather [hbm4b:s3+s8], $0x20, s14, s8, $0xb8;
	[tilespmem:$0x13800] =	vst v63  }
0x6e: {  	s16 =	sadd.s32 $0x498, s10  }
0x6f: {  	[tilespmem:s23], [sflag:$0x3] =	stream.indirect.gather [hbm4b:s3+s8], $0x20, s16, s8, $0xb8;
	[tilespmem:$0x13800] =	vst v63  }
0x70: {  	s19 =	sadd.s32 $0x4D0, s10  }
0x71: {  	[tilespmem:s24], [sflag:$0x3] =	stream.indirect.gather [hbm4b:s3+s8], $0x20, s19, s8, $0xb8;
	[tilespmem:$0x13800] =	vst v63  }
0x72: {  	s14 =	sadd.s32 $0x508, s10  }
0x73: {  	[tilespmem:s26], [sflag:$0x3] =	stream.indirect.gather [hbm4b:s3+s8], $0x20, s14, s8, $0xb8;
	[tilespmem:$0x13800] =	vst v63  }
0x74: {  	_ =	swait.ge [sflag:s29], $0x640  }
0x75: {  	[sflag:s29] =	ssyncset.done $0x0  }
0x76: {  	[sflag:s29] =	ssyncadd.s32 $0xFFFFF9C0  }
0x77: {  	_ =	swait.ge [sflag:s29], $0x640  }
0x78: {  	[sflag:s29] =	ssyncset.done $0x0  }
0x79: {  	[sflag:s29] =	ssyncadd.s32 $0xFFFFF9C0  }
0x7a: {  	_ =	swait.ge [sflag:s29], $0x640  }
0x7b: {  	[sflag:s29] =	ssyncset.done $0x0  }
0x7c: {  	[sflag:s29] =	ssyncadd.s32 $0xFFFFF9C0  }
0x7d: {  	_ =	swait.ge [sflag:s29], $0x640  }
0x7e: {  	[sflag:s29] =	ssyncset.done $0x0  }
0x7f: {  	[sflag:s29] =	ssyncadd.s32 $0xFFFFF9C0  }
0x80: {  	_ =	swait.ge [sflag:s29], $0x640  }
0x81: {  	[sflag:s29] =	ssyncset.done $0x0  }
0x82: {  	[sflag:s29] =	ssyncadd.s32 $0xFFFFF9C0  }
0x83: {  	_ =	swait.ge [sflag:s29], $0x640  }
0x84: {  	[sflag:s29] =	ssyncset.done $0x0  }
0x85: {  	[sflag:s29] =	ssyncadd.s32 $0xFFFFF9C0  }
0x86: {  	_ =	swait.ge [sflag:s29], $0x640  }
0x87: {  	[sflag:s29] =	ssyncset.done $0x0  }
0x88: {  	[sflag:s29] =	ssyncadd.s32 $0xFFFFF9C0  }
0x89: {  	_ =	swait.ge [sflag:s29], $0x640  }
0x8a: {  	[sflag:s29] =	ssyncset.done $0x0  }
0x8b: {  	s12 =	simm.s32 @!p0 $0x8;
	s16 =	sadd.s32 $0x640, s30;
	[sflag:s29] =	ssyncadd.s32 $0xFFFFF9C0  }
0x8c: {  	[hbm4b:s16+s2] =	stream.linear.scatter [tilespmem:s25], [sflag:$0x6], $0x3200, $0x38;
	[tilespmem:$0x13800] =	vst v63  }
0x8d: {  	_ =	swait.ge @!p0 [sflag:s12], $0x3200  }
0x8e: {  	[sflag:s12] =	ssyncset.done @!p0 $0x0  }
0x8f: {  	s19 =	sadd.s32 $0x540, s10;
	[sflag:s12] =	ssyncadd.s32 @!p0 $0xFFFFCE00  }
0x90: {  	[tilespmem:s31], [sflag:$0x4] =	stream.indirect.gather [hbm4b:s3+s8], $0x20, s19, s8, $0xb8;
	[tilespmem:$0x13800] =	vst v63  }
0x91: {  	s14 =	sadd.s32 $0x578, s10  }
0x92: {  	[tilespmem:s1], [sflag:$0x4] =	stream.indirect.gather [hbm4b:s3+s8], $0x20, s14, s8, $0xb8;
	[tilespmem:$0x13800] =	vst v63  }
0x93: {  	s16 =	sadd.s32 $0x5B0, s10  }
0x94: {  	[tilespmem:s11], [sflag:$0x4] =	stream.indirect.gather [hbm4b:s3+s8], $0x20, s16, s8, $0xb8;
	[tilespmem:$0x13800] =	vst v63  }
0x95: {  	s19 =	sadd.s32 $0x5E8, s10  }
0x96: {  	[tilespmem:s13], [sflag:$0x4] =	stream.indirect.gather [hbm4b:s3+s8], $0x20, s19, s8, $0xb8;
	[tilespmem:$0x13800] =	vst v63  }
0x97: {  	s14 =	sadd.s32 $0x620, s10  }
0x98: {  	[tilespmem:s15], [sflag:$0x4] =	stream.indirect.gather [hbm4b:s3+s8], $0x20, s14, s8, $0xb8;
	[tilespmem:$0x13800] =	vst v63  }
0x99: {  	s16 =	sadd.s32 $0x658, s10  }
0x9a: {  	[tilespmem:s4], [sflag:$0x4] =	stream.indirect.gather [hbm4b:s3+s8], $0x20, s16, s8, $0xb8;
	[tilespmem:$0x13800] =	vst v63  }
0x9b: {  	s19 =	sadd.s32 $0x690, s10  }
0x9c: {  	[tilespmem:s5], [sflag:$0x4] =	stream.indirect.gather [hbm4b:s3+s8], $0x20, s19, s8, $0xb8;
	[tilespmem:$0x13800] =	vst v63  }
0x9d: {  	s14 =	sadd.s32 $0x6C8, s10  }
0x9e: {  	[tilespmem:s6], [sflag:$0x4] =	stream.indirect.gather [hbm4b:s3+s8], $0x20, s14, s8, $0xb8;
	[tilespmem:$0x13800] =	vst v63  }
0x9f: {  	_ =	swait.ge [sflag:s7], $0x640  }
0xa0: {  	[sflag:s7] =	ssyncset.done $0x0  }
0xa1: {  	[sflag:s7] =	ssyncadd.s32 $0xFFFFF9C0  }
0xa2: {  	_ =	swait.ge [sflag:s7], $0x640  }
0xa3: {  	[sflag:s7] =	ssyncset.done $0x0  }
0xa4: {  	[sflag:s7] =	ssyncadd.s32 $0xFFFFF9C0  }
0xa5: {  	_ =	swait.ge [sflag:s7], $0x640  }
0xa6: {  	[sflag:s7] =	ssyncset.done $0x0  }
0xa7: {  	[sflag:s7] =	ssyncadd.s32 $0xFFFFF9C0  }
0xa8: {  	_ =	swait.ge [sflag:s7], $0x640  }
0xa9: {  	[sflag:s7] =	ssyncset.done $0x0  }
0xaa: {  	[sflag:s7] =	ssyncadd.s32 $0xFFFFF9C0  }
0xab: {  	_ =	swait.ge [sflag:s7], $0x640  }
0xac: {  	[sflag:s7] =	ssyncset.done $0x0  }
0xad: {  	[sflag:s7] =	ssyncadd.s32 $0xFFFFF9C0  }
0xae: {  	_ =	swait.ge [sflag:s7], $0x640  }
0xaf: {  	[sflag:s7] =	ssyncset.done $0x0  }
0xb0: {  	[sflag:s7] =	ssyncadd.s32 $0xFFFFF9C0  }
0xb1: {  	_ =	swait.ge [sflag:s7], $0x640  }
0xb2: {  	[sflag:s7] =	ssyncset.done $0x0  }
0xb3: {  	[sflag:s7] =	ssyncadd.s32 $0xFFFFF9C0  }
0xb4: {  	_ =	swait.ge [sflag:s7], $0x640  }
0xb5: {  	p0 =	seq.s32 s0, $0x1A400;
	[sflag:s7] =	ssyncset.done $0x0  }
0xb6: {  	s12 =	simm.s32 @!p0 $0x5;
	s16 =	sadd.s32 $0xC80, s30;
	[sflag:s7] =	ssyncadd.s32 $0xFFFFF9C0  }
0xb7: {  	[hbm4b:s16+s2] =	stream.linear.scatter [tilespmem:s18], [sflag:$0x7], $0x3200, $0x38;
	[tilespmem:$0x13800] =	vst v63  }
0xb8: {  	_ =	swait.ge @!p0 [sflag:s12], $0x3200  }
0xb9: {  	[sflag:s12] =	ssyncset.done @!p0 $0x0  }
0xba: {  	[sflag:s12] =	ssyncadd.s32 @!p0 $0xFFFFCE00;
	s12 =	sshra.s32 @!p0 s0, $0x2  }
0xbb: {  	s19 =	simm.s32 @!p0 $0x7000;
	s16 =	simm.s32 @!p0 $0x32;
	s14 =	sadd.s32 @!p0 $0x700, s12  }
0xbc: {  	[tilespmem:s19], [sflag:$0x1] =	stream.indirect.gather @!p0 [hbm4b:s3+s16], $0x20, s14, s16, $0xb8;
	[tilespmem:$0x13800] =	vst v63  }
0xbd: {  	s14 =	sadd.s32 @!p0 $0x738, s12;
	s19 =	simm.s32 @!p0 $0x7640  }
0xbe: {  	[tilespmem:s19], [sflag:$0x1] =	stream.indirect.gather @!p0 [hbm4b:s3+s16], $0x20, s14, s16, $0xb8;
	[tilespmem:$0x13800] =	vst v63  }
0xbf: {  	s14 =	sadd.s32 @!p0 $0x770, s12;
	s19 =	simm.s32 @!p0 $0x7C80  }
0xc0: {  	[tilespmem:s19], [sflag:$0x1] =	stream.indirect.gather @!p0 [hbm4b:s3+s16], $0x20, s14, s16, $0xb8;
	[tilespmem:$0x13800] =	vst v63  }
0xc1: {  	s14 =	sadd.s32 @!p0 $0x7A8, s12;
	s19 =	simm.s32 @!p0 $0x82C0  }
0xc2: {  	[tilespmem:s19], [sflag:$0x1] =	stream.indirect.gather @!p0 [hbm4b:s3+s16], $0x20, s14, s16, $0xb8;
	[tilespmem:$0x13800] =	vst v63  }
0xc3: {  	s14 =	sadd.s32 @!p0 $0x7E0, s12;
	s19 =	simm.s32 @!p0 $0x8900  }
0xc4: {  	[tilespmem:s19], [sflag:$0x1] =	stream.indirect.gather @!p0 [hbm4b:s3+s16], $0x20, s14, s16, $0xb8;
	[tilespmem:$0x13800] =	vst v63  }
0xc5: {  	s14 =	sadd.s32 @!p0 $0x818, s12;
	s19 =	simm.s32 @!p0 $0x8F40  }
0xc6: {  	[tilespmem:s19], [sflag:$0x1] =	stream.indirect.gather @!p0 [hbm4b:s3+s16], $0x20, s14, s16, $0xb8;
	[tilespmem:$0x13800] =	vst v63  }
0xc7: {  	s14 =	sadd.s32 @!p0 $0x850, s12;
	s19 =	simm.s32 @!p0 $0x9580  }
0xc8: {  	[tilespmem:s19], [sflag:$0x1] =	stream.indirect.gather @!p0 [hbm4b:s3+s16], $0x20, s14, s16, $0xb8;
	[tilespmem:$0x13800] =	vst v63  }
0xc9: {  	s12 =	sadd.s32 @!p0 $0x888, s12;
	s14 =	simm.s32 @!p0 $0x9BC0  }
0xca: {  	[tilespmem:s14], [sflag:$0x1] =	stream.indirect.gather @!p0 [hbm4b:s3+s16], $0x20, s12, s16, $0xb8;
	[tilespmem:$0x13800] =	vst v63  }
0xcb: {  	_ =	swait.ge [sflag:s9], $0x640  }
0xcc: {  	[sflag:s9] =	ssyncset.done $0x0  }
0xcd: {  	[sflag:s9] =	ssyncadd.s32 $0xFFFFF9C0  }
0xce: {  	_ =	swait.ge [sflag:s9], $0x640  }
0xcf: {  	[sflag:s9] =	ssyncset.done $0x0  }
0xd0: {  	[sflag:s9] =	ssyncadd.s32 $0xFFFFF9C0  }
0xd1: {  	_ =	swait.ge [sflag:s9], $0x640  }
0xd2: {  	[sflag:s9] =	ssyncset.done $0x0  }
0xd3: {  	[sflag:s9] =	ssyncadd.s32 $0xFFFFF9C0  }
0xd4: {  	_ =	swait.ge [sflag:s9], $0x640  }
0xd5: {  	[sflag:s9] =	ssyncset.done $0x0  }
0xd6: {  	[sflag:s9] =	ssyncadd.s32 $0xFFFFF9C0  }
0xd7: {  	_ =	swait.ge [sflag:s9], $0x640  }
0xd8: {  	[sflag:s9] =	ssyncset.done $0x0  }
0xd9: {  	[sflag:s9] =	ssyncadd.s32 $0xFFFFF9C0  }
0xda: {  	_ =	swait.ge [sflag:s9], $0x640  }
0xdb: {  	[sflag:s9] =	ssyncset.done $0x0  }
0xdc: {  	[sflag:s9] =	ssyncadd.s32 $0xFFFFF9C0  }
0xdd: {  	_ =	swait.ge [sflag:s9], $0x640  }
0xde: {  	[sflag:s9] =	ssyncset.done $0x0  }
.Ltmp2:
0xdf: {  	[sflag:s9] =	ssyncadd.s32 $0xFFFFF9C0;
	(pc) =	sbr.rel @p0 .LBB2_4-.Ltmp2, $4  }
0xe0: {  	_ =	swait.ge [sflag:s9], $0x640  }
0xe1: {  	[sflag:s9] =	ssyncset.done $0x0  }
0xe2: {  	s19 =	sadd.s32 $0x12C0, s30;
	[sflag:s9] =	ssyncadd.s32 $0xFFFFF9C0  }
0xe3: {  	[hbm4b:s19+s2] =	stream.linear.scatter [tilespmem:s31], [sflag:$0x8], $0x3200, $0x38;
	[tilespmem:$0x13800] =	vst v63  }
0xe4: {  	_ =	swait.ge [sflag:s28], $0x3200  }
0xe5: {  	[sflag:s28] =	ssyncset.done $0x0  }
0xe6: {  	s12 =	sadd.s32 $0x8C0, s10;
	[sflag:s28] =	ssyncadd.s32 $0xFFFFCE00  }
0xe7: {  	[tilespmem:s25], [sflag:$0x2] =	stream.indirect.gather [hbm4b:s3+s8], $0x20, s12, s8, $0xb8;
	[tilespmem:$0x13800] =	vst v63  }
0xe8: {  	s19 =	sadd.s32 $0x8F8, s10;
	s14 =	simm.s32 $0xA840  }
0xe9: {  	[tilespmem:s14], [sflag:$0x2] =	stream.indirect.gather [hbm4b:s3+s8], $0x20, s19, s8, $0xb8;
	[tilespmem:$0x13800] =	vst v63  }
0xea: {  	s16 =	sadd.s32 $0x930, s10;
	s19 =	simm.s32 $0xAE80  }
0xeb: {  	[tilespmem:s19], [sflag:$0x2] =	stream.indirect.gather [hbm4b:s3+s8], $0x20, s16, s8, $0xb8;
	[tilespmem:$0x13800] =	vst v63  }
0xec: {  	s16 =	sadd.s32 $0x968, s10;
	s19 =	simm.s32 $0xB4C0  }
0xed: {  	[tilespmem:s19], [sflag:$0x2] =	stream.indirect.gather [hbm4b:s3+s8], $0x20, s16, s8, $0xb8;
	[tilespmem:$0x13800] =	vst v63  }
0xee: {  	s16 =	sadd.s32 $0x9A0, s10;
	s19 =	simm.s32 $0xBB00  }
0xef: {  	[tilespmem:s19], [sflag:$0x2] =	stream.indirect.gather [hbm4b:s3+s8], $0x20, s16, s8, $0xb8;
	[tilespmem:$0x13800] =	vst v63  }
0xf0: {  	s16 =	sadd.s32 $0x9D8, s10;
	s19 =	simm.s32 $0xC140  }
0xf1: {  	[tilespmem:s19], [sflag:$0x2] =	stream.indirect.gather [hbm4b:s3+s8], $0x20, s16, s8, $0xb8;
	[tilespmem:$0x13800] =	vst v63  }
.Ltmp3:
0xf2: {  	_ = 	snop;
	(pc) =	sbr.rel .LBB2_2-.Ltmp3, $4  }
0xf3: {  	s0 =	sadd.s32 $0x1C00, s0;
	s16 =	sadd.s32 $0xA10, s10;
	s19 =	simm.s32 $0xC780  }
0xf4: {  	[tilespmem:s19], [sflag:$0x2] =	stream.indirect.gather [hbm4b:s3+s8], $0x20, s16, s8, $0xb8;
	[tilespmem:$0x13800] =	vst v63  }
0xf5: {  	s30 =	sadd.s32 $0x1900, s30;
	s16 =	sadd.s32 $0xA48, s10;
	s19 =	simm.s32 $0xCDC0  }
0xf6: {  	[tilespmem:s19], [sflag:$0x2] =	stream.indirect.gather [hbm4b:s3+s8], $0x20, s16, s8, $0xb8;
	[tilespmem:$0x13800] =	vst v63  }
.LBB2_5:
0xf7: {  	_ =	sfence.sel $0x180000  }
0xf8: {  	[bflag:$0x0] =	sbarrier.arrive $0xFFFF  }
0xf9: {  	_ =	strace $0x90000047  }
0xfa: {  	s0 =	stileid.u32;
	[bflag:$0x2] =	sbarrier.arrive $0xFFFF  }
0xfb: {  	p0 =	sne.s32 s0, $0x0;
	s0 =	rddreg [dreg:$0x2]  }
0xfc: {  	s0 =	sadd.s32 @!p0 $0x100000, s0  }
0xfd: {  	[sflag:s0] =	ssyncadd.tile.s32 @!p0 $0x1;
	_ =	shalt  }
.Lfunc_end2:
_tile_overlayer_lowered:
.L_overlay_start_2:
0xfe: {  	(tag) =	ssettag $0x2  }
0xff: {  	s0 =	rddreg [dreg:$0x0];
	s2 =	stileid.u32  }
0x100: {  	s1 =	rddreg [dreg:$0x1];
	p0 =	sne.s32 s2, $0x0  }
0x101: {  	s3 =	rddreg [dreg:$0x2];
	[bflag:$0x3] =	sbarrier.arrive $0xFFFF;
	s2 =	simm.s32 @!p0 $0x1C09  }
0x102: {  	[timem:s3], [sflag:s2] =	dma.local @!p0 [hbm:s0], s1  }
0x103: {  	s0 =	simm.s32 @!p0 $0x9  }
0x104: {  	_ =	swait.ge @!p0 [sflag:s0], s1  }
0x105: {  	s1 =	ssub.s32 @!p0 $0x0, s1;
	[sflag:s0] =	ssyncset.done @!p0 $0x0  }
0x106: {  	[sflag:s0] =	ssyncadd.s32 @!p0 s1  }
0x107: {  	[bflag:$0x3] =	sbarrier.arrive $0xFFFF  }
0x108: {  	_ =	shalt  }

// kernel: sparse-core-data-format-call.cloned.1.call-start
scs
called_computation_lowered:
.L_overlay_start_0:
0x0: {  	s2 =	sld [smem:$0x3FD9]  }
0x1: {  	s3 =	sld [smem:$0x3FFE];
	_ =	sdelay $0x1  }
0x2: {  	s1 =	srdreg.scid  }
0x3: {  	s0 =	sand.u32 $0x1, s1  }
0x4: {  	s18 =	sshll.u32 s0, $0xA;
	s2 =	sadd.s32 s3, s2  }
0x5: {  	s2 =	sadd.s32 s2, s18  }
0x6: {  	[smem:$0x3FC6] =	sst s2  }
0x7: {  	_ = 	snop  }
0x8: {  	s2 =	sld [smem:$0x3FD0];
	(tm) =	ssettm $0x1  }
0x9: {  	s19 =	sld [smem:$0x3FFB];
	_ =	sdelay $0x3  }
0xa: {  	_ =	strace s19  }
0xb: {  	s3 =	sld [smem:$0x3FFC];
	_ =	sdelay $0x3  }
0xc: {  	_ =	strace s3  }
0xd: {  	s3 =	sld [smem:$0x3FFD];
	_ =	sdelay $0x3  }
0xe: {  	_ =	strace s3  }
0xf: {  	_ =	strace $0x8FFFFFFF  }
0x10: {  	s20 =	sld [smem:$0x3FDB];
	_ =	sdelay $0x1  }
0x11: {  	s4 =	simm.s32 $_scs_section_size  }
0x12: {  	s5 =	simm.s32 $_size__tile_overlayer_lowered;
	s6 =	simm.s32 $_tile_overlayer_lowered  }
0x13: {  	s23 =	simm.s32 $0x1BFF;
	s22 =	sshll.u32 s6, $0x1;
	s3 =	sadd.s32 s4, s20  }
0x14: {  	s7 =	simm.s32 $0x0;
	s21 =	sshll.u32 s5, $0x1;
	s5 =	sadd.s32 s22, s3  }
0x15: {  	[timem:s7], [sflag:s23] =	dma.local [hbm:s5], s21  }
0x16: {  	_ =	swait.ge [sflag:s23], s21  }
0x17: {  	s4 =	ssub.s32 $0x0, s21;
	[sflag:s23] =	ssyncset.done $0x0  }
0x18: {  	[sflag:s23] =	ssyncadd.s32 s4;
	_ =	sdelay $0x1  }
0x19: {  	s24 =	simm.s32 $0x1B8B  }
0x1a: {  	_ =	swait.ge [sflag:s24], $0x1  }
0x1b: {  	[sflag:s24] =	ssyncset.done $0x0  }
0x1c: {  	s26 =	simm.s32 $0x1B8E;
	s25 =	sld [smem:$0x3FFE];
	[sflag:s24] =	ssyncadd.s32 $0xFFFFFFFF  }
0x1d: {  	s27 =	simm.s32 $execute0_lowered;
	[smem:$0x3FD2] =	sst s26  }
0x1e: {  	s5 =	sshll.u32 s27, $0x1;
	_ =	strace $0x80000049;
	[dreg:$0x1] =	wrdreg $0xFFFFFFFF  }
0x1f: {  	s28 =	simm.s32 $_size_execute0_lowered;
	s3 =	sadd.s32 s3, s5;
	[dreg:$0x0] =	wrdreg $0x0  }
0x20: {  	s5 =	sshll.u32 s28, $0x1;
	[dreg:$0x2] =	wrdreg s3  }
0x21: {  	[dreg:$0x3] =	wrdreg s5  }
0x22: {  	[dreg:$0x4] =	wrdreg $0xC0  }
0x23: {  	_ =	task [dreg:s7], $0x5FFFF  }
0x24: {  	[dreg:$0x1] =	wrdreg $0xFFFFFFFF  }
0x25: {  	[dreg:$0x0] =	wrdreg $0x60  }
0x26: {  	[dreg:$0x2] =	wrdreg s25  }
0x27: {  	[dreg:$0x3] =	wrdreg s2  }
0x28: {  	[dreg:$0x4] =	wrdreg $0x9  }
0x29: {  	_ =	task.clear_ibuf [dreg:s7], $0x5FFFF;
	_ =	strace $0x90000049  }
0x2a: {  	s29 =	simm.s32 $0x9;
	_ =	strace $0x8000004B  }
0x2b: {  	_ =	swait.ge [sflag:s29], $0x1  }
0x2c: {  	[sflag:s29] =	ssyncadd.s32 $0xFFFFFFFF  }
0x2d: {  	_ =	strace $0x9000004B  }
0x2e: {  	_ =	sfence  }
0x2f: {  	s30 =	sld [smem:$0x0];
	_ =	sdelay $0x2  }
0x30: {  	s31 =	sshll.u32 s1, $0xD;
	s1 =	sshrl.u32 s1, $0x2  }
0x31: {  	s3 =	sand.u32 $0x4000, s31;
	s1 =	sadd.s32 s1, s30  }
0x32: {  	s0 =	sor.u32 s3, s0;
	s1 =	sshll.u32 s1, $0x11  }
0x33: {  	s0 =	sor.u32 s1, s0  }
0x34: {  	s0 =	sadd.s32 $0x8F2B, s0  }
0x35: {  	[sflag:s0] =	ssyncadd.remote.s32 $0x1  }
0x36: {  	_ =	sfence.sel $0xFFFF  }
0x37: {  	[dreg:$0x0] =	wrdreg $0xFFFFFFFF;
	(pc) =	sbr.abs _section_cstart, $3  }
0x38: {  	[dreg:$0x1] =	wrdreg $0xFFFFFFFF  }
0x39: {  	_ =	task.clear_ibuf [dreg:s7], $0x2FFFF;
	_ =	strace $0x9FFFFFFF  }
0x3a: {  	(tm) =	ssettm $0x7FFFFFFF  }
0x3b: {  	_ =	shalt  }
tec
execute0_lowered:
.L_overlay_start_1:
0x0: {  	(tag) =	ssettag $0x1  }
0x1: {  	s0 =	srdreg.scid  }
0x2: {  	s1 =	sshll.u32 s0, $0x4  }
0x3: {  	s0 =	stileid.u32;
	s1 =	sand.u32 $0x10, s1  }
0x4: {  	s1 =	sor.u32 s0, s1  }
0x5: {  	s6 =	rddreg [dreg:$0x0];
	s4 =	simm.s32 $0x1;
	s2 =	sshll.u32 s1, $0x7  }
0x6: {  	s7 =	simm.s32 $0x2;
	s12 =	simm.s32 $0x0;
	s1 =	ssub.s32 $0x4000, s2  }
0x7: {  	s8 =	simm.s32 $0x20000;
	s13 =	simm.s32 $0x0;
	s3 =	sand.u32 $0xF80, s1  }
0x8: {  	s9 =	simm.s32 $0x0;
	s5 =	sshrl.u32 s1, $0xC;
	p0 =	sne.s32 s3, $0x0  }
.Ltmp0:
0x9: {  	s1 =	rddreg [dreg:$0x2];
	s4 =	simm.s32 @!p0 $0x0;
	(pc) =	sbr.rel .LBB1_1-.Ltmp0, $4  }
0xa: {  	s11 =	simm.s32 $0x0;
	s3 =	rddreg [dreg:$0x1];
	s5 =	sadd.s32 s4, s5  }
0xb: {  	_ =	strace $0x8000004A;
	s4 =	simm.s32 $0x1;
	s5 =	smul.u32 $0x32, s5  }
0xc: {  	s6 =	sadd.s32 $0xA00, s6;
	s10 =	smov.u32 s2;
	[sflag:s4] =	ssyncpa.u1 $0x0  }
0xd: {  	p0 =	por $0x0, $0x0;
	[sflag:s7] =	ssyncpa.u1 $0x0;
	s7 =	sor.u32 $0x1, s5  }
.LBB1_4:
0xe: {  	s16 =	sshll.u32 s13, $0x3;
	s17 =	sand.u32 $0x78, s13  }
0xf: {  	s30 =	sand.u32 $0xF800, s13;
	s12 =	sshll.u32 s12, $0x10;
	s16 =	sand.u32 $0x3C00, s16  }
0x10: {  	s31 =	sand.u32 $0x7, s13;
	s16 =	sor.u32 s17, s16;
	s17 =	sadd.s32 s3, s30  }
0x11: {  	s13 =	sshll.u32 s31, $0x12;
	s16 =	sshrl.u32 s16, $0x3;
	s12 =	sadd.s32 s12, s17  }
0x12: {  	[tilespmem:s15+$0x0 ss:$0x81] =	vst.msk $0xffff, v0;
	s13 =	sor.u32 $0x400, s13;
	s12 =	sadd.s32 s16, s12  }
0x13: {  	[hbm4b:s12+s13] =	stream.strided.scatter [tilespmem:s14], [sflag:$0x2], $0x1000, s8, s13, $0x20;
	[tilespmem:$0x4040] =	vst v63  }
.LBB1_5:
0x14: {  	s14 =	sadd.s32 $0x1, s9  }
0x15: {  	s12 =	sadd.s32 $0x1000, s10;
	s16 =	smov.u32 s10;
	p2 =	sgt.s32 s14, $0x31  }
0x16: {  	s16 =	smov.u32 @p2 s12  }
0x17: {  	s14 =	simm.s32 @p2 $0x0;
	p2 =	sgt.s32 s16, $0x3FFF  }
0x18: {  	s16 =	smov.u32 @p2 s2;
	p2 =	sne.s32 s11, s7  }
.Ltmp1:
0x19: {  	p1 =	slt.u32 s11, $0x2;
	(pc) =	sbr.rel @!p2 .LBB1_6-.Ltmp1, $4  }
0x1a: {  	s15 =	simm.s32 @!p1 $0x2  }
0x1b: {  	s13 =	smov.u32 s10;
	p0 =	por !p0, !p0;
	_ =	swait.ge @!p1 [sflag:s15], $0x1000  }
0x1c: {  	s12 =	smov.u32 s9;
	[sflag:s15] =	ssyncset.done @!p1 $0x0;
	s9 =	smov.u32 s14  }
0x1d: {  	s11 =	sadd.s32 $0x1, s11;
	[sflag:s15] =	ssyncadd.s32 @!p1 $0xFFFFF000;
	s10 =	smov.u32 s16  }
.LBB1_1:
0x1e: {  	p1 =	sge.u32 s11, s5  }
0x1f: {  	s14 =	sand.u32 @!p1 $0x1FFFFFF, s9  }
0x20: {  	s15 =	smulhi.u32 @!p1 $0x4924925, s14;
	_ =	sdelay $0x1  }
0x21: {  	s15 =	smul.u32 @!p1 $0x38, s15  }
0x22: {  	s16 =	sxor.u32 @!p1 $0xFFFFFFFF, s11;
	s17 =	smul.u32 @!p1 $0x380, s10  }
0x23: {  	s31 =	sadd.s32 $0xFFFFFFFF, s11;
	s16 =	sshll.u32 @!p1 s16, $0xC;
	s14 =	ssub.s32 @!p1 s14, s15  }
0x24: {  	s15 =	sand.u32 @!p1 $0x1000, s16;
	s16 =	sadd.s32 @!p1 s6, s17;
	s14 =	sshll.u32 @!p1 s14, $0x4  }
0x25: {  	s17 =	simm.s32 @!p1 $0x1C00;
	s14 =	sadd.s32 @!p1 s14, s16;
	s16 =	simm.s32 @!p1 $0x20  }
0x26: {  	[tilespmem:s15], [sflag:$0x1] =	stream.strided.gather @!p1 [hbm4b:s14+s16], $0x1000, s17, s16, $0x38;
	[tilespmem:$0x4040] =	vst v63  }
0x27: {  	p1 =	sge.u32 s31, s5  }
.Ltmp2:
0x28: {  	_ = 	snop;
	(pc) =	sbr.rel @p1 .LBB1_5-.Ltmp2, $1  }
0x29: {  	_ =	sdelay $0x3  }
0x2a: {  	s14 =	simm.s32 $0x1  }
0x2b: {  	_ =	swait.ge [sflag:s4], $0x1000;
	s14 =	simm.s32 @!p0 $0x0  }
0x2c: {  	[sflag:s4] =	ssyncset.done $0x0;
	s15 =	sshll.u32 s14, $0xC  }
0x2d: {  	[sflag:s4] =	ssyncadd.s32 $0xFFFFF000;
	s18 =	sor.u32 $0x10, s15  }
0x2e: {  	s14 =	smul.u32 $0x4080, s14;
	v1 =	vld [tilespmem:s18+$0x0]  }
0x2f: {  	s30 =	sand.u32 $0x1, s11;
	v0 =	vld [tilespmem:s18+$0xFFFFFFF0]  }
0x30: {  	s15 =	smul.u32 $0x4080, s30;
	s14 =	sshrl.u32 s14, $0x2  }
0x31: {  	s16 =	sor.u32 $0x2000, s14  }
0x32: {  	s31 =	sshrl.u32 s15, $0x2;
	s15 =	sadd.s32 $0x0, s16  }
0x33: {  	s17 =	simm.s32 $0x4;
	s18 =	sadd.s32 $0x20, s18;
	s14 =	sor.u32 $0x2000, s31;
	[tilespmem:s15+$0x810 ss:$0x81] =	vst.msk $0xffff, v1  }
.LBB1_3:
0x34: {  	v1 =	vld [tilespmem:s18+$0x0];
	p1 =	sne.s32 s17, $0x1FC;
	[tilespmem:s15+$0x0 ss:$0x81] =	vst.msk $0xffff, v0;
	s15 =	smov.u32 s17;
	s17 =	sadd.s32 $0x4, s17  }
.Ltmp3:
0x35: {  	v0 =	vld [tilespmem:s18+$0xFFFFFFF0];
	(pc) =	sbr.rel @p1 .LBB1_3-.Ltmp3, $4  }
0x36: {  	_ = 	snop  }
0x37: {  	s15 =	sshra.s32 s15, $0x2  }
0x38: {  	s15 =	sadd.s32 s15, s16  }
0x39: {  	s18 =	sadd.s32 $0x20, s18;
	[tilespmem:s15+$0x810 ss:$0x81] =	vst.msk $0xffff, v1  }
.Ltmp4:
0x3a: {  	_ = 	snop;
	(pc) =	sbr.rel .LBB1_4-.Ltmp4, $1  }
0x3b: {  	_ =	sdelay $0x3  }
.LBB1_6:
0x3c: {  	_ =	sfence.sel $0x180000  }
0x3d: {  	s2 =	simm.s32 $0x1;
	[bflag:$0x0] =	sbarrier.arrive $0xFFFF  }
0x3e: {  	s31 =	simm.s32 $0x2;
	[sflag:s2] =	ssyncpa.u1 $0x1  }
0x3f: {  	[sflag:s31] =	ssyncpa.u1 $0x1  }
0x40: {  	p0 =	sne.s32 s0, $0x0;
	_ =	strace $0x9000004A  }
0x41: {  	s0 =	sadd.s32 @!p0 $0x100000, s1;
	[bflag:$0x2] =	sbarrier.arrive $0xFFFF  }
0x42: {  	[sflag:s0] =	ssyncadd.tile.s32 @!p0 $0x1;
	_ =	shalt  }
.Lfunc_end1:
_tile_overlayer_lowered:
.L_overlay_start_2:
0x43: {  	(tag) =	ssettag $0x2  }
0x44: {  	s0 =	rddreg [dreg:$0x0];
	s2 =	stileid.u32  }
0x45: {  	s1 =	rddreg [dreg:$0x1];
	p0 =	sne.s32 s2, $0x0  }
0x46: {  	s3 =	rddreg [dreg:$0x2];
	[bflag:$0x3] =	sbarrier.arrive $0xFFFF;
	s2 =	simm.s32 @!p0 $0x1C01  }
0x47: {  	[timem:s3], [sflag:s2] =	dma.local @!p0 [hbm:s0], s1  }
0x48: {  	s0 =	simm.s32 @!p0 $0x1  }
0x49: {  	_ =	swait.ge @!p0 [sflag:s0], s1  }
0x4a: {  	s1 =	ssub.s32 @!p0 $0x0, s1;
	[sflag:s0] =	ssyncset.done @!p0 $0x0  }
0x4b: {  	[sflag:s0] =	ssyncadd.s32 @!p0 s1  }
0x4c: {  	[bflag:$0x3] =	sbarrier.arrive $0xFFFF  }
0x4d: {  	_ =	shalt  }

</sc_bundles>
